<compile_context>
chip_gen: v7x
topology: tpu7x:2x2x1
jax: 0.10.2.dev20260603
libtpu: 0.0.44.dev20260713+nightly
codegen_flags: <defaults>
</compile_context>

<pallas_src>
import functools

import jax
import jax.numpy as jnp
from jax import lax
from jax.experimental import pallas as pl
from jax.experimental.pallas import tpu as pltpu
from jax.experimental.pallas import tpu_sc as plsc

_N_NODES = 10000
_N_EDGES = 320000
_NC = 2
_NS = 16
_NW = _NC * _NS
_RPT = _N_NODES // _NS
_ZCH = 125
_NZ = _RPT // _ZCH

_EBLK = 3200
_EB8 = _EBLK // 8
_PBLK = 2000

_HALF_A = 166400
_HALF_B = 153600
_CFG = {
    _HALF_A: (80, 65),
    _HALF_B: (64, 75),
}


def _lrelu(v):
    return jnp.where(v > 0, v, 0.01 * v)



def _node_body(x_ref, wn1, bn1, wn2, bn2, wg1n, out_ref):
    h = _lrelu(jnp.dot(x_ref[...], wn1[...],
                       preferred_element_type=jnp.float32) + bn1[...])
    ne = _lrelu(jnp.dot(h, wn2[...],
                        preferred_element_type=jnp.float32) + bn2[...])
    out_ref[...] = jnp.dot(ne, wg1n[...], preferred_element_type=jnp.float32)


def _node_proj(x, Wn1, bn1, Wn2, bn2, Wg1n):
    return pl.pallas_call(
        _node_body,
        out_shape=jax.ShapeDtypeStruct((_N_NODES, 16), jnp.float32),
    )(x, Wn1, bn1.reshape(1, -1), Wn2, bn2.reshape(1, -1), Wg1n)



def _gather_body(n_e, ch, nch, tbl_hbm, src_hbm, out_hbm, idx_v, buf_a, buf_b,
                 sem_a, sem_b):
    c = lax.axis_index("c")
    s = lax.axis_index("s")
    wid = c * _NS + s
    epw = n_e // _NW
    base = wid * epw
    pltpu.sync_copy(src_hbm.at[wid], idx_v)

    def start(i, buf, sem):
        return pltpu.async_copy(tbl_hbm.at[idx_v.at[i]], buf, sem)

    def drain(i, buf, sem):
        pltpu.make_async_copy(tbl_hbm.at[idx_v.at[i]], buf, sem).wait()
        pltpu.sync_copy(buf, out_hbm.at[pl.ds(base + i * ch, ch)])

    start(0, buf_a, sem_a)

    def pair(j, carry):
        start(2 * j + 1, buf_b, sem_b)
        drain(2 * j, buf_a, sem_a)
        start(2 * j + 2, buf_a, sem_a)
        drain(2 * j + 1, buf_b, sem_b)
        return carry

    lax.fori_loop(0, (nch - 1) // 2, pair, 0)
    drain(nch - 1, buf_a, sem_a)


def _gather(tbl, src_r, n_e):
    ch, nch = _CFG[n_e]
    f = pl.kernel(
        functools.partial(_gather_body, n_e, ch, nch),
        out_type=jax.ShapeDtypeStruct((n_e, 16), jnp.float32),
        mesh=plsc.VectorSubcoreMesh(core_axis_name="c", subcore_axis_name="s"),
        compiler_params=pltpu.CompilerParams(use_tc_tiling_on_sc=False),
        scratch_types=[
            pltpu.VMEM((nch, ch), jnp.int32),
            pltpu.VMEM((ch, 16), jnp.float32),
            pltpu.VMEM((ch, 16), jnp.float32),
            pltpu.SemaphoreType.DMA,
            pltpu.SemaphoreType.DMA,
        ],
    )
    return f(tbl, src_r)



def _msg_body(ea_ref, g_ref, w1, b1, w2, b2, w3, b3, w4, b4, out_ref):
    e1 = _lrelu(jnp.dot(ea_ref[...], w1[...],
                        preferred_element_type=jnp.float32) + b1[...])
    e2 = _lrelu(jnp.dot(e1, w2[...],
                        preferred_element_type=jnp.float32) + b2[...])
    h1 = _lrelu(jnp.dot(e2, w3[...],
                        preferred_element_type=jnp.float32)
                + g_ref[...] + b3[...])
    big = jnp.dot(h1, w4[...], preferred_element_type=jnp.float32)
    for s in range(8):
        out_ref[s * _EB8:(s + 1) * _EB8, :] = _lrelu(
            big[:, s * 128:(s + 1) * 128] + b4[...])


def _messages(ea_p, blk0, g_p, n_e, We1, be1, We2, be2, Wg1e, bg1, Wg2, bg2):
    eye8 = jnp.eye(8, dtype=jnp.float32)
    w1 = jnp.kron(eye8, We1)
    w2 = jnp.kron(eye8, We2)
    w3 = jnp.kron(eye8, Wg1e)
    w4 = jnp.kron(eye8, Wg2)
    b1 = jnp.tile(be1, 8).reshape(1, 128)
    b2 = jnp.tile(be2, 8).reshape(1, 512)
    b3 = jnp.tile(bg1, 8).reshape(1, 128)
    b4 = bg2.reshape(1, 128)
    nblk = n_e // _EBLK
    const = lambda shape: pl.BlockSpec(shape, lambda i: (0, 0))
    return pl.pallas_call(
        _msg_body,
        grid=(nblk,),
        in_specs=[
            pl.BlockSpec((_EB8, 128), lambda i: (i + blk0, 0)),
            pl.BlockSpec((_EB8, 128), lambda i: (i, 0)),
            const((128, 128)), const((1, 128)),
            const((128, 512)), const((1, 512)),
            const((512, 128)), const((1, 128)),
            const((128, 1024)), const((1, 128)),
        ],
        out_specs=pl.BlockSpec((_EBLK, 128), lambda i: (i, 0)),
        out_shape=jax.ShapeDtypeStruct((n_e, 128), jnp.float32),
    )(ea_p, g_p, w1, b1, w2, b2, w3, b3, w4, b4)



def _scatter_body(n_e, ch, nch, msg_hbm, dst_hbm, out_hbm, idx_v, buf_a,
                  buf_b, stage_v, acc_sh, sem_a, sem_b):
    c = lax.axis_index("c")
    s = lax.axis_index("s")
    wid = c * _NS + s
    epw = n_e // _NW
    base = wid * epw

    def zrow(i, carry):
        for j in range(8):
            stage_v[i, pl.ds(j * 16, 16)] = jnp.zeros((16,), jnp.float32)
        return carry

    lax.fori_loop(0, _ZCH, zrow, 0)
    for k in range(_NZ):
        pltpu.sync_copy(stage_v, acc_sh.at[pl.ds(s * _RPT + k * _ZCH, _ZCH)])
    pltpu.sync_copy(dst_hbm.at[wid], idx_v)
    plsc.subcore_barrier()

    def start(i, buf, sem):
        return pltpu.async_copy(msg_hbm.at[pl.ds(base + i * ch, ch)], buf,
                                sem)

    def drain(i, buf, sem):
        pltpu.make_async_copy(msg_hbm.at[pl.ds(base + i * ch, ch)], buf,
                              sem).wait()
        pltpu.sync_copy(buf, acc_sh.at[idx_v.at[i]], add=True)

    start(0, buf_a, sem_a)

    def pair(j, carry):
        start(2 * j + 1, buf_b, sem_b)
        drain(2 * j, buf_a, sem_a)
        start(2 * j + 2, buf_a, sem_a)
        drain(2 * j + 1, buf_b, sem_b)
        return carry

    lax.fori_loop(0, (nch - 1) // 2, pair, 0)
    drain(nch - 1, buf_a, sem_a)
    plsc.subcore_barrier()

    for k in range(_NZ):
        row0 = s * _RPT + k * _ZCH
        pltpu.sync_copy(acc_sh.at[pl.ds(row0, _ZCH)], stage_v)
        pltpu.sync_copy(stage_v, out_hbm.at[c, pl.ds(row0, _ZCH)])


def _scatter(msg, dst_r, n_e):
    ch, nch = _CFG[n_e]
    f = pl.kernel(
        functools.partial(_scatter_body, n_e, ch, nch),
        out_type=jax.ShapeDtypeStruct((_NC, _N_NODES, 128), jnp.float32),
        mesh=plsc.VectorSubcoreMesh(core_axis_name="c", subcore_axis_name="s"),
        compiler_params=pltpu.CompilerParams(use_tc_tiling_on_sc=False),
        scratch_types=[
            pltpu.VMEM((nch, ch), jnp.int32),
            pltpu.VMEM((ch, 128), jnp.float32),
            pltpu.VMEM((ch, 128), jnp.float32),
            pltpu.VMEM((_ZCH, 128), jnp.float32),
            pltpu.VMEM_SHARED((_N_NODES, 128), jnp.float32),
            pltpu.SemaphoreType.DMA,
            pltpu.SemaphoreType.DMA,
        ],
    )
    return f(msg, dst_r)



def _post_body(pa_ref, pb_ref, x_ref, lng_g, lng_x, lnb_g, lnb_x,
               wp1g, wp1x, bp1, wp2, bp2, wp3, bp3, out_ref):
    gnn = (pa_ref[0] + pa_ref[1]) + (pb_ref[0] + pb_ref[1])
    xv = x_ref[...]
    mu = (jnp.sum(gnn, axis=-1, keepdims=True)
          + jnp.sum(xv, axis=-1, keepdims=True)) * (1.0 / 256.0)
    cg = gnn - mu
    cx = xv - mu
    var = (jnp.sum(cg * cg, axis=-1, keepdims=True)
           + jnp.sum(cx * cx, axis=-1, keepdims=True)) * (1.0 / 256.0)
    rstd = lax.rsqrt(var + 1e-5)
    ng = cg * rstd * lng_g[...] + lnb_g[...]
    nx = cx * rstd * lng_x[...] + lnb_x[...]
    h = _lrelu(jnp.dot(ng, wp1g[...], preferred_element_type=jnp.float32)
               + jnp.dot(nx, wp1x[...], preferred_element_type=jnp.float32)
               + bp1[...])
    h = _lrelu(jnp.dot(h, wp2[...], preferred_element_type=jnp.float32)
               + bp2[...])
    out_ref[...] = (jnp.dot(h, wp3[...], preferred_element_type=jnp.float32)
                    + bp3[...])


def _post(pa, pb, x, ln_g, ln_b, Wp1, bp1, Wp2, bp2, Wp3, bp3):
    nblk = _N_NODES // _PBLK
    const = lambda shape: pl.BlockSpec(shape, lambda i: tuple(0 for _ in shape))
    return pl.pallas_call(
        _post_body,
        grid=(nblk,),
        in_specs=[
            pl.BlockSpec((_NC, _PBLK, 128), lambda i: (0, i, 0)),
            pl.BlockSpec((_NC, _PBLK, 128), lambda i: (0, i, 0)),
            pl.BlockSpec((_PBLK, 128), lambda i: (i, 0)),
            const((1, 128)), const((1, 128)), const((1, 128)), const((1, 128)),
            const((128, 32)), const((128, 32)), const((1, 32)),
            const((32, 32)), const((1, 32)),
            const((32, 128)), const((1, 128)),
        ],
        out_specs=pl.BlockSpec((_PBLK, 128), lambda i: (i, 0)),
        out_shape=jax.ShapeDtypeStruct((_N_NODES, 128), jnp.float32),
    )(pa, pb, x,
      ln_g[:128].reshape(1, 128), ln_g[128:].reshape(1, 128),
      ln_b[:128].reshape(1, 128), ln_b[128:].reshape(1, 128),
      Wp1[:128], Wp1[128:], bp1.reshape(1, -1),
      Wp2, bp2.reshape(1, -1), Wp3, bp3.reshape(1, -1))



def _src_perm(src_half, n_e):
    ch, nch = _CFG[n_e]
    return (src_half.reshape(n_e // _EBLK, 8, _EB8)
            .transpose(0, 2, 1)
            .reshape(_NW, nch, ch))


def kernel(x, edge_index, edge_attr, Wn1, bn1, Wn2, bn2, We1, be1, We2, be2,
           Wg1, bg1, Wg2, bg2, ln_g, ln_b, Wp1, bp1, Wp2, bp2, Wp3, bp3):
    src = edge_index[0].astype(jnp.int32)
    dst = edge_index[1].astype(jnp.int32)
    src_a = _src_perm(src[:_HALF_A], _HALF_A)
    src_b = _src_perm(src[_HALF_A:], _HALF_B)
    dst_a = dst[:_HALF_A].reshape(_NW, *_CFG[_HALF_A][::-1])
    dst_b = dst[_HALF_A:].reshape(_NW, *_CFG[_HALF_B][::-1])
    Wg1e = Wg1[:64]
    Wg1n = Wg1[64:]

    tbl = _node_proj(x, Wn1, bn1, Wn2, bn2, Wg1n)
    g_a = _gather(tbl, src_a, _HALF_A).reshape(_HALF_A // 8, 128)
    g_b = _gather(tbl, src_b, _HALF_B).reshape(_HALF_B // 8, 128)
    ea_b, _ = lax.optimization_barrier((edge_attr, tbl))
    ea_p = (ea_b.reshape(_N_EDGES // _EBLK, 8, _EB8, 16)
            .transpose(0, 2, 1, 3)
            .reshape(_N_EDGES // 8, 128))
    enc = lambda gp, ne, b0: _messages(ea_p, b0, gp, ne, We1, be1, We2, be2,
                                       Wg1e, bg1, Wg2, bg2)
    msg_a = enc(g_a, _HALF_A, 0)
    pa = _scatter(msg_a, dst_a, _HALF_A)
    msg_b = enc(g_b, _HALF_B, _HALF_A // _EBLK)
    pb = _scatter(msg_b, dst_b, _HALF_B)
    return _post(pa, pb, x, ln_g, ln_b, Wp1, bp1, Wp2, bp2, Wp3, bp3)

# --- scband reference (transcript-rebuilt; emitter-appended) ---
"""Pipeline reference for scband-model-68839735820750 (READ-ONLY COPY).

The authoritative reference and input builder live on the scoring server;
editing this copy changes nothing except your own understanding.
"""

import jax, jax.numpy as jnp
import numpy as np

N_NODES = 10000
N_EDGES = 320000
D_NODE = 128
D_EDGE = 16
NODE_EMB = 128
EDGE_EMB = 64
GNN_EMB = 128
OUT_F = 128


def _lin_init(key, fan_in, fan_out):
    k1, k2 = jax.random.split(key)
    bound = 1.0 / np.sqrt(fan_in)
    W = jax.random.uniform(k1, (fan_in, fan_out), minval=-bound, maxval=bound, dtype=jnp.float32)
    b = jax.random.uniform(k2, (fan_out,), minval=-bound, maxval=bound, dtype=jnp.float32)
    return W, b


def setup_inputs(seed: int = 0) -> dict:
    key = jax.random.key(seed)
    ks = jax.random.split(key, 16)
    x = jax.random.normal(ks[0], (N_NODES, D_NODE), dtype=jnp.float32)
    edge_index = jax.random.randint(ks[1], (2, N_EDGES), 0, N_NODES, dtype=jnp.int64) if jax.config.jax_enable_x64 else jax.random.randint(ks[1], (2, N_EDGES), 0, N_NODES).astype(jnp.int32)
    edge_attr = jax.random.normal(ks[2], (N_EDGES, D_EDGE), dtype=jnp.float32)
    Wn1, bn1 = _lin_init(ks[3], D_NODE, 16)
    Wn2, bn2 = _lin_init(ks[4], 16, NODE_EMB)
    We1, be1 = _lin_init(ks[5], D_EDGE, 16)
    We2, be2 = _lin_init(ks[6], 16, EDGE_EMB)
    Wg1, bg1 = _lin_init(ks[7], NODE_EMB + EDGE_EMB, 16)
    Wg2, bg2 = _lin_init(ks[8], 16, GNN_EMB)
    ln_g = jnp.ones((D_NODE + GNN_EMB,), dtype=jnp.float32)
    ln_b = jnp.zeros((D_NODE + GNN_EMB,), dtype=jnp.float32)
    Wp1, bp1 = _lin_init(ks[9], D_NODE + GNN_EMB, 32)
    Wp2, bp2 = _lin_init(ks[10], 32, 32)
    Wp3, bp3 = _lin_init(ks[11], 32, OUT_F)
    return {
        "x": x, "edge_index": edge_index, "edge_attr": edge_attr,
        "Wn1": Wn1, "bn1": bn1, "Wn2": Wn2, "bn2": bn2,
        "We1": We1, "be1": be1, "We2": We2, "be2": be2,
        "Wg1": Wg1, "bg1": bg1, "Wg2": Wg2, "bg2": bg2,
        "ln_g": ln_g, "ln_b": ln_b,
        "Wp1": Wp1, "bp1": bp1, "Wp2": Wp2, "bp2": bp2, "Wp3": Wp3, "bp3": bp3,
    }


def reference(x, edge_index, edge_attr, Wn1, bn1, Wn2, bn2, We1, be1, We2, be2,
              Wg1, bg1, Wg2, bg2, ln_g, ln_b, Wp1, bp1, Wp2, bp2, Wp3, bp3):
    lrelu = lambda v: jax.nn.leaky_relu(v, 0.01)
    # node / edge encoders
    node_enc = lrelu(lrelu(x @ Wn1 + bn1) @ Wn2 + bn2)
    edge_enc = lrelu(lrelu(edge_attr @ We1 + be1) @ We2 + be2)
    # message passing: message = nn(cat([edge_attr, x_j])) where x_j = source node
    src = edge_index[0]
    dst = edge_index[1]
    x_j = jnp.take(node_enc, src, axis=0)
    feat = jnp.concatenate([edge_enc, x_j], axis=1)
    msg = lrelu(lrelu(feat @ Wg1 + bg1) @ Wg2 + bg2)
    # aggr='add' at destination nodes
    gnn_out = jax.ops.segment_sum(msg, dst, num_segments=x.shape[0])
    # post-processing: cat([gnn_out, x]) -> LayerNorm -> MLP
    post = jnp.concatenate([gnn_out, x], axis=1)
    mu = jnp.mean(post, axis=-1, keepdims=True)
    var = jnp.mean(jnp.square(post - mu), axis=-1, keepdims=True)
    normed = (post - mu) / jnp.sqrt(var + 1e-5) * ln_g + ln_b
    h = lrelu(normed @ Wp1 + bp1)
    h = lrelu(h @ Wp2 + bp2)
    out = h @ Wp3 + bp3
    return out

if __name__ == "__main__":
    import jax
    _d = setup_inputs()
    print(jax.jit(kernel)(*tuple(_d.values())))

</pallas_src>

<mosaic_0001>
#map = affine_map<(d0, d1) -> (0, 0)>
#map1 = affine_map<(d0, d1) -> (0, 0, 0)>
module attributes {stable_mosaic.version = 14 : i64} {
  func.func @_gather_body(%arg0: i32, %arg1: i32, %arg2: memref<10000x16xf32, #tpu.memory_space<hbm>>, %arg3: memref<32x75x64xi32, #tpu.memory_space<hbm>>, %arg4: memref<153600x16xf32, #tpu.memory_space<hbm>>, %arg5: memref<75x64xi32, #tpu.memory_space<vmem>>, %arg6: memref<64x16xf32, #tpu.memory_space<vmem>>, %arg7: memref<64x16xf32, #tpu.memory_space<vmem>>, %arg8: memref<!tpu.dma_semaphore, #tpu.memory_space<semaphore_mem>>, %arg9: memref<!tpu.dma_semaphore, #tpu.memory_space<semaphore_mem>>) attributes {dimension_semantics = [#tpu.dimension_semantics<core_parallel>, #tpu.dimension_semantics<subcore_parallel>], iteration_bounds = array<i64: 2, 16>, scalar_prefetch = 0 : i64, scratch_operands = 5 : i64, tpu.core_type = #tpu.core_type<sc_vector_subcore>, window_params = [{transform_indices = #map}, {transform_indices = #map1}, {transform_indices = #map}]} {
    %mul3A = arith.constant 16 : i32
    %mul3A_0 = arith.muli %arg0, %mul3A : i32
    %add3A = arith.addi %mul3A_0, %arg1 : i32
    %mul3A_1 = arith.constant 4800 : i32
    %mul3A_2 = arith.muli %add3A, %mul3A_1 : i32
    "tpu.region"() ({
      %run_scoped3A = tpu.sem_alloc : memref<!tpu.dma_semaphore, #tpu.memory_space<semaphore_mem>>
      %dma_start3A_22 = arith.constant 0 : i32
      %dma_start3A_23 = arith.constant 0 : i32
      %dma_start3A_24 = tpu.memref_slice %arg3[%add3A, %dma_start3A_22, %dma_start3A_23] : memref<32x75x64xi32, #tpu.memory_space<hbm>> -> memref<1x75x64xi32, #tpu.memory_space<hbm>>
      %dma_start3A_25 = tpu.memref_squeeze %dma_start3A_24 : memref<1x75x64xi32, #tpu.memory_space<hbm>> -> memref<75x64xi32, #tpu.memory_space<hbm>>
      %dma_start3A_26 = arith.constant 0 : i32
      %dma_start3A_27 = arith.constant 0 : i32
      %dma_start3A_28 = tpu.memref_slice %arg3[%add3A, %dma_start3A_26, %dma_start3A_27] : memref<32x75x64xi32, #tpu.memory_space<hbm>> -> memref<1x75x64xi32, #tpu.memory_space<hbm>>
      %dma_start3A_29 = tpu.memref_squeeze %dma_start3A_28 : memref<1x75x64xi32, #tpu.memory_space<hbm>> -> memref<75x64xi32, #tpu.memory_space<hbm>>
      tpu.enqueue_dma source(%dma_start3A_29 : memref<75x64xi32, #tpu.memory_space<hbm>>) target(%arg5 : memref<75x64xi32, #tpu.memory_space<vmem>>) target_semaphore(%run_scoped3A : memref<!tpu.dma_semaphore, #tpu.memory_space<semaphore_mem>>)
      %dma_wait3A_30 = arith.constant 0 : i32
      %dma_wait3A_31 = arith.constant 0 : i32
      %dma_wait3A_32 = tpu.memref_slice %arg3[%add3A, %dma_wait3A_30, %dma_wait3A_31] : memref<32x75x64xi32, #tpu.memory_space<hbm>> -> memref<1x75x64xi32, #tpu.memory_space<hbm>>
      %dma_wait3A_33 = tpu.memref_squeeze %dma_wait3A_32 : memref<1x75x64xi32, #tpu.memory_space<hbm>> -> memref<75x64xi32, #tpu.memory_space<hbm>>
      %dma_wait3A_34 = arith.constant 0 : i32
      %dma_wait3A_35 = arith.constant 0 : i32
      %dma_wait3A_36 = tpu.memref_slice %arg3[%add3A, %dma_wait3A_34, %dma_wait3A_35] : memref<32x75x64xi32, #tpu.memory_space<hbm>> -> memref<1x75x64xi32, #tpu.memory_space<hbm>>
      %dma_wait3A_37 = tpu.memref_squeeze %dma_wait3A_36 : memref<1x75x64xi32, #tpu.memory_space<hbm>> -> memref<75x64xi32, #tpu.memory_space<hbm>>
      tpu.wait_dma2 semaphore(%run_scoped3A : memref<!tpu.dma_semaphore, #tpu.memory_space<semaphore_mem>>) src(%dma_wait3A_37 : memref<75x64xi32, #tpu.memory_space<hbm>>) dst(%arg5 : memref<75x64xi32, #tpu.memory_space<vmem>>)
      tpu.yield
    }) : () -> ()
    %dma_start3A = arith.constant 0 : i32
    %dma_start3A_3 = arith.constant 0 : i32
    %dma_start3A_4 = tpu.memref_slice %arg5[%dma_start3A, %dma_start3A_3] : memref<75x64xi32, #tpu.memory_space<vmem>> -> memref<1x64xi32, #tpu.memory_space<vmem>>
    %dma_start3A_5 = tpu.memref_squeeze %dma_start3A_4 : memref<1x64xi32, #tpu.memory_space<vmem>> -> memref<64xi32, #tpu.memory_space<vmem>>
    %dma_start3A_6 = arith.constant 0 : i32
    %dma_start3A_7 = arith.constant 0 : i32
    %dma_start3A_8 = tpu.memref_slice %arg2[%dma_start3A_6, %dma_start3A_7] : memref<10000x16xf32, #tpu.memory_space<hbm>> -> memref<10000x16xf32, #tpu.memory_space<hbm>>
    tpu.enqueue_indirect_dma source(%dma_start3A_8 : memref<10000x16xf32, #tpu.memory_space<hbm>>) target(%arg6 : memref<64x16xf32, #tpu.memory_space<vmem>>) offsets(%dma_start3A_5 : memref<64xi32, #tpu.memory_space<vmem>>) semaphore(%arg8 : memref<!tpu.dma_semaphore, #tpu.memory_space<semaphore_mem>>)
    %scan3A = arith.constant 0 : i32
    %scan3A_9 = arith.constant 0 : i32
    %scan3A_10 = arith.constant 37 : i32
    %scan3A_11 = arith.addi %scan3A_9, %scan3A_10 : i32
    %scan3A_12 = arith.constant 1 : i32
    scf.for %scan3A_22 = %scan3A_9 to %scan3A_11 step %scan3A_12  : i32 {
      %mul3A_23 = arith.constant 2 : i32
      %mul3A_24 = arith.muli %mul3A_23, %scan3A_22 : i32
      %add3A_25 = arith.constant 1 : i32
      %add3A_26 = arith.addi %mul3A_24, %add3A_25 : i32
      %dma_start3A_27 = arith.constant 0 : i32
      %dma_start3A_28 = tpu.memref_slice %arg5[%add3A_26, %dma_start3A_27] : memref<75x64xi32, #tpu.memory_space<vmem>> -> memref<1x64xi32, #tpu.memory_space<vmem>>
      %dma_start3A_29 = tpu.memref_squeeze %dma_start3A_28 : memref<1x64xi32, #tpu.memory_space<vmem>> -> memref<64xi32, #tpu.memory_space<vmem>>
      %dma_start3A_30 = arith.constant 0 : i32
      %dma_start3A_31 = arith.constant 0 : i32
      %dma_start3A_32 = tpu.memref_slice %arg2[%dma_start3A_30, %dma_start3A_31] : memref<10000x16xf32, #tpu.memory_space<hbm>> -> memref<10000x16xf32, #tpu.memory_space<hbm>>
      tpu.enqueue_indirect_dma source(%dma_start3A_32 : memref<10000x16xf32, #tpu.memory_space<hbm>>) target(%arg7 : memref<64x16xf32, #tpu.memory_space<vmem>>) offsets(%dma_start3A_29 : memref<64xi32, #tpu.memory_space<vmem>>) semaphore(%arg9 : memref<!tpu.dma_semaphore, #tpu.memory_space<semaphore_mem>>)
      %mul3A_33 = arith.constant 2 : i32
      %mul3A_34 = arith.muli %mul3A_33, %scan3A_22 : i32
      %dma_wait3A_35 = arith.constant 0 : i32
      %dma_wait3A_36 = tpu.memref_slice %arg5[%mul3A_34, %dma_wait3A_35] : memref<75x64xi32, #tpu.memory_space<vmem>> -> memref<1x64xi32, #tpu.memory_space<vmem>>
      %dma_wait3A_37 = tpu.memref_squeeze %dma_wait3A_36 : memref<1x64xi32, #tpu.memory_space<vmem>> -> memref<64xi32, #tpu.memory_space<vmem>>
      %dma_wait3A_38 = arith.constant 0 : i32
      %dma_wait3A_39 = arith.constant 0 : i32
      %dma_wait3A_40 = tpu.memref_slice %arg2[%dma_wait3A_38, %dma_wait3A_39] : memref<10000x16xf32, #tpu.memory_space<hbm>> -> memref<10000x16xf32, #tpu.memory_space<hbm>>
      tpu.wait_indirect_dma semaphore(%arg8 : memref<!tpu.dma_semaphore, #tpu.memory_space<semaphore_mem>>) src(%dma_wait3A_40 : memref<10000x16xf32, #tpu.memory_space<hbm>>) dst(%arg6 : memref<64x16xf32, #tpu.memory_space<vmem>>)
      %mul3A_41 = arith.constant 64 : i32
      %mul3A_42 = arith.muli %mul3A_34, %mul3A_41 : i32
      %add3A_43 = arith.addi %mul3A_2, %mul3A_42 : i32
      "tpu.region"() ({
        %run_scoped3A = tpu.sem_alloc : memref<!tpu.dma_semaphore, #tpu.memory_space<semaphore_mem>>
        %dma_start3A_67 = arith.constant 0 : i32
        %dma_start3A_68 = tpu.memref_slice %arg4[%add3A_43, %dma_start3A_67] : memref<153600x16xf32, #tpu.memory_space<hbm>> -> memref<64x16xf32, #tpu.memory_space<hbm>>
        %dma_start3A_69 = arith.constant 0 : i32
        %dma_start3A_70 = tpu.memref_slice %arg4[%add3A_43, %dma_start3A_69] : memref<153600x16xf32, #tpu.memory_space<hbm>> -> memref<64x16xf32, #tpu.memory_space<hbm>>
        tpu.enqueue_dma source(%arg6 : memref<64x16xf32, #tpu.memory_space<vmem>>) target(%dma_start3A_70 : memref<64x16xf32, #tpu.memory_space<hbm>>) target_semaphore(%run_scoped3A : memref<!tpu.dma_semaphore, #tpu.memory_space<semaphore_mem>>)
        %dma_wait3A_71 = arith.constant 0 : i32
        %dma_wait3A_72 = tpu.memref_slice %arg4[%add3A_43, %dma_wait3A_71] : memref<153600x16xf32, #tpu.memory_space<hbm>> -> memref<64x16xf32, #tpu.memory_space<hbm>>
        %dma_wait3A_73 = arith.constant 0 : i32
        %dma_wait3A_74 = tpu.memref_slice %arg4[%add3A_43, %dma_wait3A_73] : memref<153600x16xf32, #tpu.memory_space<hbm>> -> memref<64x16xf32, #tpu.memory_space<hbm>>
        tpu.wait_dma2 semaphore(%run_scoped3A : memref<!tpu.dma_semaphore, #tpu.memory_space<semaphore_mem>>) src(%arg6 : memref<64x16xf32, #tpu.memory_space<vmem>>) dst(%dma_wait3A_74 : memref<64x16xf32, #tpu.memory_space<hbm>>)
        tpu.yield
      }) : () -> ()
      %mul3A_44 = arith.constant 2 : i32
      %mul3A_45 = arith.muli %mul3A_44, %scan3A_22 : i32
      %add3A_46 = arith.constant 2 : i32
      %add3A_47 = arith.addi %mul3A_45, %add3A_46 : i32
      %dma_start3A_48 = arith.constant 0 : i32
      %dma_start3A_49 = tpu.memref_slice %arg5[%add3A_47, %dma_start3A_48] : memref<75x64xi32, #tpu.memory_space<vmem>> -> memref<1x64xi32, #tpu.memory_space<vmem>>
      %dma_start3A_50 = tpu.memref_squeeze %dma_start3A_49 : memref<1x64xi32, #tpu.memory_space<vmem>> -> memref<64xi32, #tpu.memory_space<vmem>>
      %dma_start3A_51 = arith.constant 0 : i32
      %dma_start3A_52 = arith.constant 0 : i32
      %dma_start3A_53 = tpu.memref_slice %arg2[%dma_start3A_51, %dma_start3A_52] : memref<10000x16xf32, #tpu.memory_space<hbm>> -> memref<10000x16xf32, #tpu.memory_space<hbm>>
      tpu.enqueue_indirect_dma source(%dma_start3A_53 : memref<10000x16xf32, #tpu.memory_space<hbm>>) target(%arg6 : memref<64x16xf32, #tpu.memory_space<vmem>>) offsets(%dma_start3A_50 : memref<64xi32, #tpu.memory_space<vmem>>) semaphore(%arg8 : memref<!tpu.dma_semaphore, #tpu.memory_space<semaphore_mem>>)
      %mul3A_54 = arith.constant 2 : i32
      %mul3A_55 = arith.muli %mul3A_54, %scan3A_22 : i32
      %add3A_56 = arith.constant 1 : i32
      %add3A_57 = arith.addi %mul3A_55, %add3A_56 : i32
      %dma_wait3A_58 = arith.constant 0 : i32
      %dma_wait3A_59 = tpu.memref_slice %arg5[%add3A_57, %dma_wait3A_58] : memref<75x64xi32, #tpu.memory_space<vmem>> -> memref<1x64xi32, #tpu.memory_space<vmem>>
      %dma_wait3A_60 = tpu.memref_squeeze %dma_wait3A_59 : memref<1x64xi32, #tpu.memory_space<vmem>> -> memref<64xi32, #tpu.memory_space<vmem>>
      %dma_wait3A_61 = arith.constant 0 : i32
      %dma_wait3A_62 = arith.constant 0 : i32
      %dma_wait3A_63 = tpu.memref_slice %arg2[%dma_wait3A_61, %dma_wait3A_62] : memref<10000x16xf32, #tpu.memory_space<hbm>> -> memref<10000x16xf32, #tpu.memory_space<hbm>>
      tpu.wait_indirect_dma semaphore(%arg9 : memref<!tpu.dma_semaphore, #tpu.memory_space<semaphore_mem>>) src(%dma_wait3A_63 : memref<10000x16xf32, #tpu.memory_space<hbm>>) dst(%arg7 : memref<64x16xf32, #tpu.memory_space<vmem>>)
      %mul3A_64 = arith.constant 64 : i32
      %mul3A_65 = arith.muli %add3A_57, %mul3A_64 : i32
      %add3A_66 = arith.addi %mul3A_2, %mul3A_65 : i32
      "tpu.region"() ({
        %run_scoped3A = tpu.sem_alloc : memref<!tpu.dma_semaphore, #tpu.memory_space<semaphore_mem>>
        %dma_start3A_67 = arith.constant 0 : i32
        %dma_start3A_68 = tpu.memref_slice %arg4[%add3A_66, %dma_start3A_67] : memref<153600x16xf32, #tpu.memory_space<hbm>> -> memref<64x16xf32, #tpu.memory_space<hbm>>
        %dma_start3A_69 = arith.constant 0 : i32
        %dma_start3A_70 = tpu.memref_slice %arg4[%add3A_66, %dma_start3A_69] : memref<153600x16xf32, #tpu.memory_space<hbm>> -> memref<64x16xf32, #tpu.memory_space<hbm>>
        tpu.enqueue_dma source(%arg7 : memref<64x16xf32, #tpu.memory_space<vmem>>) target(%dma_start3A_70 : memref<64x16xf32, #tpu.memory_space<hbm>>) target_semaphore(%run_scoped3A : memref<!tpu.dma_semaphore, #tpu.memory_space<semaphore_mem>>)
        %dma_wait3A_71 = arith.constant 0 : i32
        %dma_wait3A_72 = tpu.memref_slice %arg4[%add3A_66, %dma_wait3A_71] : memref<153600x16xf32, #tpu.memory_space<hbm>> -> memref<64x16xf32, #tpu.memory_space<hbm>>
        %dma_wait3A_73 = arith.constant 0 : i32
        %dma_wait3A_74 = tpu.memref_slice %arg4[%add3A_66, %dma_wait3A_73] : memref<153600x16xf32, #tpu.memory_space<hbm>> -> memref<64x16xf32, #tpu.memory_space<hbm>>
        tpu.wait_dma2 semaphore(%run_scoped3A : memref<!tpu.dma_semaphore, #tpu.memory_space<semaphore_mem>>) src(%arg7 : memref<64x16xf32, #tpu.memory_space<vmem>>) dst(%dma_wait3A_74 : memref<64x16xf32, #tpu.memory_space<hbm>>)
        tpu.yield
      }) : () -> ()
    }
    %scan3A_13 = arith.constant 37 : i32
    %dma_wait3A = arith.constant 74 : i32
    %dma_wait3A_14 = arith.constant 0 : i32
    %dma_wait3A_15 = tpu.memref_slice %arg5[%dma_wait3A, %dma_wait3A_14] : memref<75x64xi32, #tpu.memory_space<vmem>> -> memref<1x64xi32, #tpu.memory_space<vmem>>
    %dma_wait3A_16 = tpu.memref_squeeze %dma_wait3A_15 : memref<1x64xi32, #tpu.memory_space<vmem>> -> memref<64xi32, #tpu.memory_space<vmem>>
    %dma_wait3A_17 = arith.constant 0 : i32
    %dma_wait3A_18 = arith.constant 0 : i32
    %dma_wait3A_19 = tpu.memref_slice %arg2[%dma_wait3A_17, %dma_wait3A_18] : memref<10000x16xf32, #tpu.memory_space<hbm>> -> memref<10000x16xf32, #tpu.memory_space<hbm>>
    tpu.wait_indirect_dma semaphore(%arg8 : memref<!tpu.dma_semaphore, #tpu.memory_space<semaphore_mem>>) src(%dma_wait3A_19 : memref<10000x16xf32, #tpu.memory_space<hbm>>) dst(%arg6 : memref<64x16xf32, #tpu.memory_space<vmem>>)
    %add3A_20 = arith.constant 4736 : i32
    %add3A_21 = arith.addi %mul3A_2, %add3A_20 : i32
    "tpu.region"() ({
      %run_scoped3A = tpu.sem_alloc : memref<!tpu.dma_semaphore, #tpu.memory_space<semaphore_mem>>
      %dma_start3A_22 = arith.constant 0 : i32
      %dma_start3A_23 = tpu.memref_slice %arg4[%add3A_21, %dma_start3A_22] : memref<153600x16xf32, #tpu.memory_space<hbm>> -> memref<64x16xf32, #tpu.memory_space<hbm>>
      %dma_start3A_24 = arith.constant 0 : i32
      %dma_start3A_25 = tpu.memref_slice %arg4[%add3A_21, %dma_start3A_24] : memref<153600x16xf32, #tpu.memory_space<hbm>> -> memref<64x16xf32, #tpu.memory_space<hbm>>
      tpu.enqueue_dma source(%arg6 : memref<64x16xf32, #tpu.memory_space<vmem>>) target(%dma_start3A_25 : memref<64x16xf32, #tpu.memory_space<hbm>>) target_semaphore(%run_scoped3A : memref<!tpu.dma_semaphore, #tpu.memory_space<semaphore_mem>>)
      %dma_wait3A_26 = arith.constant 0 : i32
      %dma_wait3A_27 = tpu.memref_slice %arg4[%add3A_21, %dma_wait3A_26] : memref<153600x16xf32, #tpu.memory_space<hbm>> -> memref<64x16xf32, #tpu.memory_space<hbm>>
      %dma_wait3A_28 = arith.constant 0 : i32
      %dma_wait3A_29 = tpu.memref_slice %arg4[%add3A_21, %dma_wait3A_28] : memref<153600x16xf32, #tpu.memory_space<hbm>> -> memref<64x16xf32, #tpu.memory_space<hbm>>
      tpu.wait_dma2 semaphore(%run_scoped3A : memref<!tpu.dma_semaphore, #tpu.memory_space<semaphore_mem>>) src(%arg6 : memref<64x16xf32, #tpu.memory_space<vmem>>) dst(%dma_wait3A_29 : memref<64x16xf32, #tpu.memory_space<hbm>>)
      tpu.yield
    }) : () -> ()
    return
  }
}

#map = affine_map<(d0, d1) -> (0, 0)>
#map1 = affine_map<(d0, d1) -> (0, 0, 0)>
module attributes {stable_mosaic.version = 14 : i64} {
  func.func @_scatter_body(%arg0: i32, %arg1: i32, %arg2: memref<166400x128xf32, #tpu.memory_space<hbm>>, %arg3: memref<32x65x80xi32, #tpu.memory_space<hbm>>, %arg4: memref<2x10000x128xf32, #tpu.memory_space<hbm>>, %arg5: memref<65x80xi32, #tpu.memory_space<vmem>>, %arg6: memref<80x128xf32, #tpu.memory_space<vmem>>, %arg7: memref<80x128xf32, #tpu.memory_space<vmem>>, %arg8: memref<125x128xf32, #tpu.memory_space<vmem>>, %arg9: memref<10000x128xf32, #tpu.memory_space<vmem_shared>>, %arg10: memref<!tpu.dma_semaphore, #tpu.memory_space<semaphore_mem>>, %arg11: memref<!tpu.dma_semaphore, #tpu.memory_space<semaphore_mem>>) attributes {dimension_semantics = [#tpu.dimension_semantics<core_parallel>, #tpu.dimension_semantics<subcore_parallel>], iteration_bounds = array<i64: 2, 16>, scalar_prefetch = 0 : i64, scratch_operands = 7 : i64, tpu.core_type = #tpu.core_type<sc_vector_subcore>, window_params = [{transform_indices = #map}, {transform_indices = #map1}, {transform_indices = #map1}]} {
    %mul3A = arith.constant 16 : i32
    %mul3A_0 = arith.muli %arg0, %mul3A : i32
    %add3A = arith.addi %mul3A_0, %arg1 : i32
    %mul3A_1 = arith.constant 5200 : i32
    %mul3A_2 = arith.muli %add3A, %mul3A_1 : i32
    %scan3A = arith.constant 0 : i32
    %scan3A_3 = arith.constant 0 : i32
    %scan3A_4 = arith.constant 125 : i32
    %scan3A_5 = arith.addi %scan3A_3, %scan3A_4 : i32
    %scan3A_6 = arith.constant 1 : i32
    scf.for %scan3A_65 = %scan3A_3 to %scan3A_5 step %scan3A_6  : i32 {
      %broadcast_in_dim3A = arith.constant 0.000000e+00 : f32
      %broadcast_in_dim3A_66 = vector.broadcast %broadcast_in_dim3A : f32 to vector<16xf32>
      %swap3A = arith.index_cast %scan3A_65 : i32 to index
      %swap3A_67 = arith.constant 0 : index
      %swap3A_68 = tpu.vector_load %arg8[%swap3A, %swap3A_67] {strides = array<i32>} : memref<125x128xf32, #tpu.memory_space<vmem>>, vector<1x16xf32>,
      %swap3A_69 = vector.shape_cast %swap3A_68 : vector<1x16xf32> to vector<16xf32>
      %swap3A_70 = vector.shape_cast %broadcast_in_dim3A_66 : vector<16xf32> to vector<1x16xf32>
      tpu.vector_store %arg8[%swap3A, %swap3A_67], %swap3A_70 {strides = array<i32>} : memref<125x128xf32, #tpu.memory_space<vmem>>, vector<1x16xf32>,
      %broadcast_in_dim3A_71 = arith.constant 0.000000e+00 : f32
      %broadcast_in_dim3A_72 = vector.broadcast %broadcast_in_dim3A_71 : f32 to vector<16xf32>
      %swap3A_73 = arith.index_cast %scan3A_65 : i32 to index
      %swap3A_74 = arith.constant 16 : index
      %swap3A_75 = tpu.vector_load %arg8[%swap3A_73, %swap3A_74] {strides = array<i32>} : memref<125x128xf32, #tpu.memory_space<vmem>>, vector<1x16xf32>,
      %swap3A_76 = vector.shape_cast %swap3A_75 : vector<1x16xf32> to vector<16xf32>
      %swap3A_77 = vector.shape_cast %broadcast_in_dim3A_72 : vector<16xf32> to vector<1x16xf32>
      tpu.vector_store %arg8[%swap3A_73, %swap3A_74], %swap3A_77 {strides = array<i32>} : memref<125x128xf32, #tpu.memory_space<vmem>>, vector<1x16xf32>,
      %broadcast_in_dim3A_78 = arith.constant 0.000000e+00 : f32
      %broadcast_in_dim3A_79 = vector.broadcast %broadcast_in_dim3A_78 : f32 to vector<16xf32>
      %swap3A_80 = arith.index_cast %scan3A_65 : i32 to index
      %swap3A_81 = arith.constant 32 : index
      %swap3A_82 = tpu.vector_load %arg8[%swap3A_80, %swap3A_81] {strides = array<i32>} : memref<125x128xf32, #tpu.memory_space<vmem>>, vector<1x16xf32>,
      %swap3A_83 = vector.shape_cast %swap3A_82 : vector<1x16xf32> to vector<16xf32>
      %swap3A_84 = vector.shape_cast %broadcast_in_dim3A_79 : vector<16xf32> to vector<1x16xf32>
      tpu.vector_store %arg8[%swap3A_80, %swap3A_81], %swap3A_84 {strides = array<i32>} : memref<125x128xf32, #tpu.memory_space<vmem>>, vector<1x16xf32>,
      %broadcast_in_dim3A_85 = arith.constant 0.000000e+00 : f32
      %broadcast_in_dim3A_86 = vector.broadcast %broadcast_in_dim3A_85 : f32 to vector<16xf32>
      %swap3A_87 = arith.index_cast %scan3A_65 : i32 to index
      %swap3A_88 = arith.constant 48 : index
      %swap3A_89 = tpu.vector_load %arg8[%swap3A_87, %swap3A_88] {strides = array<i32>} : memref<125x128xf32, #tpu.memory_space<vmem>>, vector<1x16xf32>,
      %swap3A_90 = vector.shape_cast %swap3A_89 : vector<1x16xf32> to vector<16xf32>
      %swap3A_91 = vector.shape_cast %broadcast_in_dim3A_86 : vector<16xf32> to vector<1x16xf32>
      tpu.vector_store %arg8[%swap3A_87, %swap3A_88], %swap3A_91 {strides = array<i32>} : memref<125x128xf32, #tpu.memory_space<vmem>>, vector<1x16xf32>,
      %broadcast_in_dim3A_92 = arith.constant 0.000000e+00 : f32
      %broadcast_in_dim3A_93 = vector.broadcast %broadcast_in_dim3A_92 : f32 to vector<16xf32>
      %swap3A_94 = arith.index_cast %scan3A_65 : i32 to index
      %swap3A_95 = arith.constant 64 : index
      %swap3A_96 = tpu.vector_load %arg8[%swap3A_94, %swap3A_95] {strides = array<i32>} : memref<125x128xf32, #tpu.memory_space<vmem>>, vector<1x16xf32>,
      %swap3A_97 = vector.shape_cast %swap3A_96 : vector<1x16xf32> to vector<16xf32>
      %swap3A_98 = vector.shape_cast %broadcast_in_dim3A_93 : vector<16xf32> to vector<1x16xf32>
      tpu.vector_store %arg8[%swap3A_94, %swap3A_95], %swap3A_98 {strides = array<i32>} : memref<125x128xf32, #tpu.memory_space<vmem>>, vector<1x16xf32>,
      %broadcast_in_dim3A_99 = arith.constant 0.000000e+00 : f32
      %broadcast_in_dim3A_100 = vector.broadcast %broadcast_in_dim3A_99 : f32 to vector<16xf32>
      %swap3A_101 = arith.index_cast %scan3A_65 : i32 to index
      %swap3A_102 = arith.constant 80 : index
      %swap3A_103 = tpu.vector_load %arg8[%swap3A_101, %swap3A_102] {strides = array<i32>} : memref<125x128xf32, #tpu.memory_space<vmem>>, vector<1x16xf32>,
      %swap3A_104 = vector.shape_cast %swap3A_103 : vector<1x16xf32> to vector<16xf32>
      %swap3A_105 = vector.shape_cast %broadcast_in_dim3A_100 : vector<16xf32> to vector<1x16xf32>
      tpu.vector_store %arg8[%swap3A_101, %swap3A_102], %swap3A_105 {strides = array<i32>} : memref<125x128xf32, #tpu.memory_space<vmem>>, vector<1x16xf32>,
      %broadcast_in_dim3A_106 = arith.constant 0.000000e+00 : f32
      %broadcast_in_dim3A_107 = vector.broadcast %broadcast_in_dim3A_106 : f32 to vector<16xf32>
      %swap3A_108 = arith.index_cast %scan3A_65 : i32 to index
      %swap3A_109 = arith.constant 96 : index
      %swap3A_110 = tpu.vector_load %arg8[%swap3A_108, %swap3A_109] {strides = array<i32>} : memref<125x128xf32, #tpu.memory_space<vmem>>, vector<1x16xf32>,
      %swap3A_111 = vector.shape_cast %swap3A_110 : vector<1x16xf32> to vector<16xf32>
      %swap3A_112 = vector.shape_cast %broadcast_in_dim3A_107 : vector<16xf32> to vector<1x16xf32>
      tpu.vector_store %arg8[%swap3A_108, %swap3A_109], %swap3A_112 {strides = array<i32>} : memref<125x128xf32, #tpu.memory_space<vmem>>, vector<1x16xf32>,
      %broadcast_in_dim3A_113 = arith.constant 0.000000e+00 : f32
      %broadcast_in_dim3A_114 = vector.broadcast %broadcast_in_dim3A_113 : f32 to vector<16xf32>
      %swap3A_115 = arith.index_cast %scan3A_65 : i32 to index
      %swap3A_116 = arith.constant 112 : index
      %swap3A_117 = tpu.vector_load %arg8[%swap3A_115, %swap3A_116] {strides = array<i32>} : memref<125x128xf32, #tpu.memory_space<vmem>>, vector<1x16xf32>,
      %swap3A_118 = vector.shape_cast %swap3A_117 : vector<1x16xf32> to vector<16xf32>
      %swap3A_119 = vector.shape_cast %broadcast_in_dim3A_114 : vector<16xf32> to vector<1x16xf32>
      tpu.vector_store %arg8[%swap3A_115, %swap3A_116], %swap3A_119 {strides = array<i32>} : memref<125x128xf32, #tpu.memory_space<vmem>>, vector<1x16xf32>,
    }
    %scan3A_7 = arith.constant 125 : i32
    %mul3A_8 = arith.constant 625 : i32
    %mul3A_9 = arith.muli %arg1, %mul3A_8 : i32
    %add3A_10 = arith.constant 0 : i32
    %add3A_11 = arith.addi %mul3A_9, %add3A_10 : i32
    "tpu.region"() ({
      %run_scoped3A_65 = tpu.sem_alloc : memref<!tpu.dma_semaphore, #tpu.memory_space<semaphore_mem>>
      %dma_start3A_66 = arith.constant 0 : i32
      %dma_start3A_67 = tpu.memref_slice %arg9[%add3A_11, %dma_start3A_66] : memref<10000x128xf32, #tpu.memory_space<vmem_shared>> -> memref<125x128xf32, #tpu.memory_space<vmem_shared>>
      %dma_start3A_68 = arith.constant 0 : i32
      %dma_start3A_69 = tpu.memref_slice %arg9[%add3A_11, %dma_start3A_68] : memref<10000x128xf32, #tpu.memory_space<vmem_shared>> -> memref<125x128xf32, #tpu.memory_space<vmem_shared>>
      tpu.enqueue_dma source(%arg8 : memref<125x128xf32, #tpu.memory_space<vmem>>) target(%dma_start3A_69 : memref<125x128xf32, #tpu.memory_space<vmem_shared>>) target_semaphore(%run_scoped3A_65 : memref<!tpu.dma_semaphore, #tpu.memory_space<semaphore_mem>>)
      %dma_wait3A_70 = arith.constant 0 : i32
      %dma_wait3A_71 = tpu.memref_slice %arg9[%add3A_11, %dma_wait3A_70] : memref<10000x128xf32, #tpu.memory_space<vmem_shared>> -> memref<125x128xf32, #tpu.memory_space<vmem_shared>>
      %dma_wait3A_72 = arith.constant 0 : i32
      %dma_wait3A_73 = tpu.memref_slice %arg9[%add3A_11, %dma_wait3A_72] : memref<10000x128xf32, #tpu.memory_space<vmem_shared>> -> memref<125x128xf32, #tpu.memory_space<vmem_shared>>
      tpu.wait_dma2 semaphore(%run_scoped3A_65 : memref<!tpu.dma_semaphore, #tpu.memory_space<semaphore_mem>>) src(%arg8 : memref<125x128xf32, #tpu.memory_space<vmem>>) dst(%dma_wait3A_73 : memref<125x128xf32, #tpu.memory_space<vmem_shared>>)
      tpu.yield
    }) : () -> ()
    %mul3A_12 = arith.constant 625 : i32
    %mul3A_13 = arith.muli %arg1, %mul3A_12 : i32
    %add3A_14 = arith.constant 125 : i32
    %add3A_15 = arith.addi %mul3A_13, %add3A_14 : i32
    "tpu.region"() ({
      %run_scoped3A_65 = tpu.sem_alloc : memref<!tpu.dma_semaphore, #tpu.memory_space<semaphore_mem>>
      %dma_start3A_66 = arith.constant 0 : i32
      %dma_start3A_67 = tpu.memref_slice %arg9[%add3A_15, %dma_start3A_66] : memref<10000x128xf32, #tpu.memory_space<vmem_shared>> -> memref<125x128xf32, #tpu.memory_space<vmem_shared>>
      %dma_start3A_68 = arith.constant 0 : i32
      %dma_start3A_69 = tpu.memref_slice %arg9[%add3A_15, %dma_start3A_68] : memref<10000x128xf32, #tpu.memory_space<vmem_shared>> -> memref<125x128xf32, #tpu.memory_space<vmem_shared>>
      tpu.enqueue_dma source(%arg8 : memref<125x128xf32, #tpu.memory_space<vmem>>) target(%dma_start3A_69 : memref<125x128xf32, #tpu.memory_space<vmem_shared>>) target_semaphore(%run_scoped3A_65 : memref<!tpu.dma_semaphore, #tpu.memory_space<semaphore_mem>>)
      %dma_wait3A_70 = arith.constant 0 : i32
      %dma_wait3A_71 = tpu.memref_slice %arg9[%add3A_15, %dma_wait3A_70] : memref<10000x128xf32, #tpu.memory_space<vmem_shared>> -> memref<125x128xf32, #tpu.memory_space<vmem_shared>>
      %dma_wait3A_72 = arith.constant 0 : i32
      %dma_wait3A_73 = tpu.memref_slice %arg9[%add3A_15, %dma_wait3A_72] : memref<10000x128xf32, #tpu.memory_space<vmem_shared>> -> memref<125x128xf32, #tpu.memory_space<vmem_shared>>
      tpu.wait_dma2 semaphore(%run_scoped3A_65 : memref<!tpu.dma_semaphore, #tpu.memory_space<semaphore_mem>>) src(%arg8 : memref<125x128xf32, #tpu.memory_space<vmem>>) dst(%dma_wait3A_73 : memref<125x128xf32, #tpu.memory_space<vmem_shared>>)
      tpu.yield
    }) : () -> ()
    %mul3A_16 = arith.constant 625 : i32
    %mul3A_17 = arith.muli %arg1, %mul3A_16 : i32
    %add3A_18 = arith.constant 250 : i32
    %add3A_19 = arith.addi %mul3A_17, %add3A_18 : i32
    "tpu.region"() ({
      %run_scoped3A_65 = tpu.sem_alloc : memref<!tpu.dma_semaphore, #tpu.memory_space<semaphore_mem>>
      %dma_start3A_66 = arith.constant 0 : i32
      %dma_start3A_67 = tpu.memref_slice %arg9[%add3A_19, %dma_start3A_66] : memref<10000x128xf32, #tpu.memory_space<vmem_shared>> -> memref<125x128xf32, #tpu.memory_space<vmem_shared>>
      %dma_start3A_68 = arith.constant 0 : i32
      %dma_start3A_69 = tpu.memref_slice %arg9[%add3A_19, %dma_start3A_68] : memref<10000x128xf32, #tpu.memory_space<vmem_shared>> -> memref<125x128xf32, #tpu.memory_space<vmem_shared>>
      tpu.enqueue_dma source(%arg8 : memref<125x128xf32, #tpu.memory_space<vmem>>) target(%dma_start3A_69 : memref<125x128xf32, #tpu.memory_space<vmem_shared>>) target_semaphore(%run_scoped3A_65 : memref<!tpu.dma_semaphore, #tpu.memory_space<semaphore_mem>>)
      %dma_wait3A_70 = arith.constant 0 : i32
      %dma_wait3A_71 = tpu.memref_slice %arg9[%add3A_19, %dma_wait3A_70] : memref<10000x128xf32, #tpu.memory_space<vmem_shared>> -> memref<125x128xf32, #tpu.memory_space<vmem_shared>>
      %dma_wait3A_72 = arith.constant 0 : i32
      %dma_wait3A_73 = tpu.memref_slice %arg9[%add3A_19, %dma_wait3A_72] : memref<10000x128xf32, #tpu.memory_space<vmem_shared>> -> memref<125x128xf32, #tpu.memory_space<vmem_shared>>
      tpu.wait_dma2 semaphore(%run_scoped3A_65 : memref<!tpu.dma_semaphore, #tpu.memory_space<semaphore_mem>>) src(%arg8 : memref<125x128xf32, #tpu.memory_space<vmem>>) dst(%dma_wait3A_73 : memref<125x128xf32, #tpu.memory_space<vmem_shared>>)
      tpu.yield
    }) : () -> ()
    %mul3A_20 = arith.constant 625 : i32
    %mul3A_21 = arith.muli %arg1, %mul3A_20 : i32
    %add3A_22 = arith.constant 375 : i32
    %add3A_23 = arith.addi %mul3A_21, %add3A_22 : i32
    "tpu.region"() ({
      %run_scoped3A_65 = tpu.sem_alloc : memref<!tpu.dma_semaphore, #tpu.memory_space<semaphore_mem>>
      %dma_start3A_66 = arith.constant 0 : i32
      %dma_start3A_67 = tpu.memref_slice %arg9[%add3A_23, %dma_start3A_66] : memref<10000x128xf32, #tpu.memory_space<vmem_shared>> -> memref<125x128xf32, #tpu.memory_space<vmem_shared>>
      %dma_start3A_68 = arith.constant 0 : i32
      %dma_start3A_69 = tpu.memref_slice %arg9[%add3A_23, %dma_start3A_68] : memref<10000x128xf32, #tpu.memory_space<vmem_shared>> -> memref<125x128xf32, #tpu.memory_space<vmem_shared>>
      tpu.enqueue_dma source(%arg8 : memref<125x128xf32, #tpu.memory_space<vmem>>) target(%dma_start3A_69 : memref<125x128xf32, #tpu.memory_space<vmem_shared>>) target_semaphore(%run_scoped3A_65 : memref<!tpu.dma_semaphore, #tpu.memory_space<semaphore_mem>>)
      %dma_wait3A_70 = arith.constant 0 : i32
      %dma_wait3A_71 = tpu.memref_slice %arg9[%add3A_23, %dma_wait3A_70] : memref<10000x128xf32, #tpu.memory_space<vmem_shared>> -> memref<125x128xf32, #tpu.memory_space<vmem_shared>>
      %dma_wait3A_72 = arith.constant 0 : i32
      %dma_wait3A_73 = tpu.memref_slice %arg9[%add3A_23, %dma_wait3A_72] : memref<10000x128xf32, #tpu.memory_space<vmem_shared>> -> memref<125x128xf32, #tpu.memory_space<vmem_shared>>
      tpu.wait_dma2 semaphore(%run_scoped3A_65 : memref<!tpu.dma_semaphore, #tpu.memory_space<semaphore_mem>>) src(%arg8 : memref<125x128xf32, #tpu.memory_space<vmem>>) dst(%dma_wait3A_73 : memref<125x128xf32, #tpu.memory_space<vmem_shared>>)
      tpu.yield
    }) : () -> ()
    %mul3A_24 = arith.constant 625 : i32
    %mul3A_25 = arith.muli %arg1, %mul3A_24 : i32
    %add3A_26 = arith.constant 500 : i32
    %add3A_27 = arith.addi %mul3A_25, %add3A_26 : i32
    "tpu.region"() ({
      %run_scoped3A_65 = tpu.sem_alloc : memref<!tpu.dma_semaphore, #tpu.memory_space<semaphore_mem>>
      %dma_start3A_66 = arith.constant 0 : i32
      %dma_start3A_67 = tpu.memref_slice %arg9[%add3A_27, %dma_start3A_66] : memref<10000x128xf32, #tpu.memory_space<vmem_shared>> -> memref<125x128xf32, #tpu.memory_space<vmem_shared>>
      %dma_start3A_68 = arith.constant 0 : i32
      %dma_start3A_69 = tpu.memref_slice %arg9[%add3A_27, %dma_start3A_68] : memref<10000x128xf32, #tpu.memory_space<vmem_shared>> -> memref<125x128xf32, #tpu.memory_space<vmem_shared>>
      tpu.enqueue_dma source(%arg8 : memref<125x128xf32, #tpu.memory_space<vmem>>) target(%dma_start3A_69 : memref<125x128xf32, #tpu.memory_space<vmem_shared>>) target_semaphore(%run_scoped3A_65 : memref<!tpu.dma_semaphore, #tpu.memory_space<semaphore_mem>>)
      %dma_wait3A_70 = arith.constant 0 : i32
      %dma_wait3A_71 = tpu.memref_slice %arg9[%add3A_27, %dma_wait3A_70] : memref<10000x128xf32, #tpu.memory_space<vmem_shared>> -> memref<125x128xf32, #tpu.memory_space<vmem_shared>>
      %dma_wait3A_72 = arith.constant 0 : i32
      %dma_wait3A_73 = tpu.memref_slice %arg9[%add3A_27, %dma_wait3A_72] : memref<10000x128xf32, #tpu.memory_space<vmem_shared>> -> memref<125x128xf32, #tpu.memory_space<vmem_shared>>
      tpu.wait_dma2 semaphore(%run_scoped3A_65 : memref<!tpu.dma_semaphore, #tpu.memory_space<semaphore_mem>>) src(%arg8 : memref<125x128xf32, #tpu.memory_space<vmem>>) dst(%dma_wait3A_73 : memref<125x128xf32, #tpu.memory_space<vmem_shared>>)
      tpu.yield
    }) : () -> ()
    "tpu.region"() ({
      %run_scoped3A_65 = tpu.sem_alloc : memref<!tpu.dma_semaphore, #tpu.memory_space<semaphore_mem>>
      %dma_start3A_66 = arith.constant 0 : i32
      %dma_start3A_67 = arith.constant 0 : i32
      %dma_start3A_68 = tpu.memref_slice %arg3[%add3A, %dma_start3A_66, %dma_start3A_67] : memref<32x65x80xi32, #tpu.memory_space<hbm>> -> memref<1x65x80xi32, #tpu.memory_space<hbm>>
      %dma_start3A_69 = tpu.memref_squeeze %dma_start3A_68 : memref<1x65x80xi32, #tpu.memory_space<hbm>> -> memref<65x80xi32, #tpu.memory_space<hbm>>
      %dma_start3A_70 = arith.constant 0 : i32
      %dma_start3A_71 = arith.constant 0 : i32
      %dma_start3A_72 = tpu.memref_slice %arg3[%add3A, %dma_start3A_70, %dma_start3A_71] : memref<32x65x80xi32, #tpu.memory_space<hbm>> -> memref<1x65x80xi32, #tpu.memory_space<hbm>>
      %dma_start3A_73 = tpu.memref_squeeze %dma_start3A_72 : memref<1x65x80xi32, #tpu.memory_space<hbm>> -> memref<65x80xi32, #tpu.memory_space<hbm>>
      tpu.enqueue_dma source(%dma_start3A_73 : memref<65x80xi32, #tpu.memory_space<hbm>>) target(%arg5 : memref<65x80xi32, #tpu.memory_space<vmem>>) target_semaphore(%run_scoped3A_65 : memref<!tpu.dma_semaphore, #tpu.memory_space<semaphore_mem>>)
      %dma_wait3A_74 = arith.constant 0 : i32
      %dma_wait3A_75 = arith.constant 0 : i32
      %dma_wait3A_76 = tpu.memref_slice %arg3[%add3A, %dma_wait3A_74, %dma_wait3A_75] : memref<32x65x80xi32, #tpu.memory_space<hbm>> -> memref<1x65x80xi32, #tpu.memory_space<hbm>>
      %dma_wait3A_77 = tpu.memref_squeeze %dma_wait3A_76 : memref<1x65x80xi32, #tpu.memory_space<hbm>> -> memref<65x80xi32, #tpu.memory_space<hbm>>
      %dma_wait3A_78 = arith.constant 0 : i32
      %dma_wait3A_79 = arith.constant 0 : i32
      %dma_wait3A_80 = tpu.memref_slice %arg3[%add3A, %dma_wait3A_78, %dma_wait3A_79] : memref<32x65x80xi32, #tpu.memory_space<hbm>> -> memref<1x65x80xi32, #tpu.memory_space<hbm>>
      %dma_wait3A_81 = tpu.memref_squeeze %dma_wait3A_80 : memref<1x65x80xi32, #tpu.memory_space<hbm>> -> memref<65x80xi32, #tpu.memory_space<hbm>>
      tpu.wait_dma2 semaphore(%run_scoped3A_65 : memref<!tpu.dma_semaphore, #tpu.memory_space<semaphore_mem>>) src(%dma_wait3A_81 : memref<65x80xi32, #tpu.memory_space<hbm>>) dst(%arg5 : memref<65x80xi32, #tpu.memory_space<vmem>>)
      tpu.yield
    }) : () -> ()
    %barrier3A = arith.constant 0 : index
    tpu.barrier barrier_id(%barrier3A)
    %add3A_28 = arith.constant 0 : i32
    %add3A_29 = arith.addi %mul3A_2, %add3A_28 : i32
    %dma_start3A = arith.constant 0 : i32
    %dma_start3A_30 = tpu.memref_slice %arg2[%add3A_29, %dma_start3A] : memref<166400x128xf32, #tpu.memory_space<hbm>> -> memref<80x128xf32, #tpu.memory_space<hbm>>
    %dma_start3A_31 = arith.constant 0 : i32
    %dma_start3A_32 = tpu.memref_slice %arg2[%add3A_29, %dma_start3A_31] : memref<166400x128xf32, #tpu.memory_space<hbm>> -> memref<80x128xf32, #tpu.memory_space<hbm>>
    tpu.enqueue_dma source(%dma_start3A_32 : memref<80x128xf32, #tpu.memory_space<hbm>>) target(%arg6 : memref<80x128xf32, #tpu.memory_space<vmem>>) target_semaphore(%arg10 : memref<!tpu.dma_semaphore, #tpu.memory_space<semaphore_mem>>)
    %scan3A_33 = arith.constant 0 : i32
    %scan3A_34 = arith.constant 0 : i32
    %scan3A_35 = arith.constant 32 : i32
    %scan3A_36 = arith.addi %scan3A_34, %scan3A_35 : i32
    %scan3A_37 = arith.constant 1 : i32
    scf.for %scan3A_65 = %scan3A_34 to %scan3A_36 step %scan3A_37  : i32 {
      %mul3A_66 = arith.constant 2 : i32
      %mul3A_67 = arith.muli %mul3A_66, %scan3A_65 : i32
      %add3A_68 = arith.constant 1 : i32
      %add3A_69 = arith.addi %mul3A_67, %add3A_68 : i32
      %mul3A_70 = arith.constant 80 : i32
      %mul3A_71 = arith.muli %add3A_69, %mul3A_70 : i32
      %add3A_72 = arith.addi %mul3A_2, %mul3A_71 : i32
      %dma_start3A_73 = arith.constant 0 : i32
      %dma_start3A_74 = tpu.memref_slice %arg2[%add3A_72, %dma_start3A_73] : memref<166400x128xf32, #tpu.memory_space<hbm>> -> memref<80x128xf32, #tpu.memory_space<hbm>>
      %dma_start3A_75 = arith.constant 0 : i32
      %dma_start3A_76 = tpu.memref_slice %arg2[%add3A_72, %dma_start3A_75] : memref<166400x128xf32, #tpu.memory_space<hbm>> -> memref<80x128xf32, #tpu.memory_space<hbm>>
      tpu.enqueue_dma source(%dma_start3A_76 : memref<80x128xf32, #tpu.memory_space<hbm>>) target(%arg7 : memref<80x128xf32, #tpu.memory_space<vmem>>) target_semaphore(%arg11 : memref<!tpu.dma_semaphore, #tpu.memory_space<semaphore_mem>>)
      %mul3A_77 = arith.constant 2 : i32
      %mul3A_78 = arith.muli %mul3A_77, %scan3A_65 : i32
      %mul3A_79 = arith.constant 80 : i32
      %mul3A_80 = arith.muli %mul3A_78, %mul3A_79 : i32
      %add3A_81 = arith.addi %mul3A_2, %mul3A_80 : i32
      %dma_wait3A_82 = arith.constant 0 : i32
      %dma_wait3A_83 = tpu.memref_slice %arg2[%add3A_81, %dma_wait3A_82] : memref<166400x128xf32, #tpu.memory_space<hbm>> -> memref<80x128xf32, #tpu.memory_space<hbm>>
      %dma_wait3A_84 = arith.constant 0 : i32
      %dma_wait3A_85 = tpu.memref_slice %arg2[%add3A_81, %dma_wait3A_84] : memref<166400x128xf32, #tpu.memory_space<hbm>> -> memref<80x128xf32, #tpu.memory_space<hbm>>
      tpu.wait_dma2 semaphore(%arg10 : memref<!tpu.dma_semaphore, #tpu.memory_space<semaphore_mem>>) src(%dma_wait3A_85 : memref<80x128xf32, #tpu.memory_space<hbm>>) dst(%arg6 : memref<80x128xf32, #tpu.memory_space<vmem>>)
      "tpu.region"() ({
        %run_scoped3A_108 = tpu.sem_alloc : memref<!tpu.dma_semaphore, #tpu.memory_space<semaphore_mem>>
        %dma_start3A_109 = arith.constant 0 : i32
        %dma_start3A_110 = tpu.memref_slice %arg5[%mul3A_78, %dma_start3A_109] : memref<65x80xi32, #tpu.memory_space<vmem>> -> memref<1x80xi32, #tpu.memory_space<vmem>>
        %dma_start3A_111 = tpu.memref_squeeze %dma_start3A_110 : memref<1x80xi32, #tpu.memory_space<vmem>> -> memref<80xi32, #tpu.memory_space<vmem>>
        %dma_start3A_112 = arith.constant 0 : i32
        %dma_start3A_113 = arith.constant 0 : i32
        %dma_start3A_114 = tpu.memref_slice %arg9[%dma_start3A_112, %dma_start3A_113] : memref<10000x128xf32, #tpu.memory_space<vmem_shared>> -> memref<10000x128xf32, #tpu.memory_space<vmem_shared>>
        tpu.enqueue_indirect_dma source(%arg6 : memref<80x128xf32, #tpu.memory_space<vmem>>) target(%dma_start3A_114 : memref<10000x128xf32, #tpu.memory_space<vmem_shared>>) offsets(%dma_start3A_111 : memref<80xi32, #tpu.memory_space<vmem>>) semaphore(%run_scoped3A_108 : memref<!tpu.dma_semaphore, #tpu.memory_space<semaphore_mem>>) {add = true}
        %dma_wait3A_115 = arith.constant 0 : i32
        %dma_wait3A_116 = tpu.memref_slice %arg5[%mul3A_78, %dma_wait3A_115] : memref<65x80xi32, #tpu.memory_space<vmem>> -> memref<1x80xi32, #tpu.memory_space<vmem>>
        %dma_wait3A_117 = tpu.memref_squeeze %dma_wait3A_116 : memref<1x80xi32, #tpu.memory_space<vmem>> -> memref<80xi32, #tpu.memory_space<vmem>>
        %dma_wait3A_118 = arith.constant 0 : i32
        %dma_wait3A_119 = arith.constant 0 : i32
        %dma_wait3A_120 = tpu.memref_slice %arg9[%dma_wait3A_118, %dma_wait3A_119] : memref<10000x128xf32, #tpu.memory_space<vmem_shared>> -> memref<10000x128xf32, #tpu.memory_space<vmem_shared>>
        tpu.wait_indirect_dma semaphore(%run_scoped3A_108 : memref<!tpu.dma_semaphore, #tpu.memory_space<semaphore_mem>>) src(%arg6 : memref<80x128xf32, #tpu.memory_space<vmem>>) dst(%dma_wait3A_120 : memref<10000x128xf32, #tpu.memory_space<vmem_shared>>)
        tpu.yield
      }) : () -> ()
      %mul3A_86 = arith.constant 2 : i32
      %mul3A_87 = arith.muli %mul3A_86, %scan3A_65 : i32
      %add3A_88 = arith.constant 2 : i32
      %add3A_89 = arith.addi %mul3A_87, %add3A_88 : i32
      %mul3A_90 = arith.constant 80 : i32
      %mul3A_91 = arith.muli %add3A_89, %mul3A_90 : i32
      %add3A_92 = arith.addi %mul3A_2, %mul3A_91 : i32
      %dma_start3A_93 = arith.constant 0 : i32
      %dma_start3A_94 = tpu.memref_slice %arg2[%add3A_92, %dma_start3A_93] : memref<166400x128xf32, #tpu.memory_space<hbm>> -> memref<80x128xf32, #tpu.memory_space<hbm>>
      %dma_start3A_95 = arith.constant 0 : i32
      %dma_start3A_96 = tpu.memref_slice %arg2[%add3A_92, %dma_start3A_95] : memref<166400x128xf32, #tpu.memory_space<hbm>> -> memref<80x128xf32, #tpu.memory_space<hbm>>
      tpu.enqueue_dma source(%dma_start3A_96 : memref<80x128xf32, #tpu.memory_space<hbm>>) target(%arg6 : memref<80x128xf32, #tpu.memory_space<vmem>>) target_semaphore(%arg10 : memref<!tpu.dma_semaphore, #tpu.memory_space<semaphore_mem>>)
      %mul3A_97 = arith.constant 2 : i32
      %mul3A_98 = arith.muli %mul3A_97, %scan3A_65 : i32
      %add3A_99 = arith.constant 1 : i32
      %add3A_100 = arith.addi %mul3A_98, %add3A_99 : i32
      %mul3A_101 = arith.constant 80 : i32
      %mul3A_102 = arith.muli %add3A_100, %mul3A_101 : i32
      %add3A_103 = arith.addi %mul3A_2, %mul3A_102 : i32
      %dma_wait3A_104 = arith.constant 0 : i32
      %dma_wait3A_105 = tpu.memref_slice %arg2[%add3A_103, %dma_wait3A_104] : memref<166400x128xf32, #tpu.memory_space<hbm>> -> memref<80x128xf32, #tpu.memory_space<hbm>>
      %dma_wait3A_106 = arith.constant 0 : i32
      %dma_wait3A_107 = tpu.memref_slice %arg2[%add3A_103, %dma_wait3A_106] : memref<166400x128xf32, #tpu.memory_space<hbm>> -> memref<80x128xf32, #tpu.memory_space<hbm>>
      tpu.wait_dma2 semaphore(%arg11 : memref<!tpu.dma_semaphore, #tpu.memory_space<semaphore_mem>>) src(%dma_wait3A_107 : memref<80x128xf32, #tpu.memory_space<hbm>>) dst(%arg7 : memref<80x128xf32, #tpu.memory_space<vmem>>)
      "tpu.region"() ({
        %run_scoped3A_108 = tpu.sem_alloc : memref<!tpu.dma_semaphore, #tpu.memory_space<semaphore_mem>>
        %dma_start3A_109 = arith.constant 0 : i32
        %dma_start3A_110 = tpu.memref_slice %arg5[%add3A_100, %dma_start3A_109] : memref<65x80xi32, #tpu.memory_space<vmem>> -> memref<1x80xi32, #tpu.memory_space<vmem>>
        %dma_start3A_111 = tpu.memref_squeeze %dma_start3A_110 : memref<1x80xi32, #tpu.memory_space<vmem>> -> memref<80xi32, #tpu.memory_space<vmem>>
        %dma_start3A_112 = arith.constant 0 : i32
        %dma_start3A_113 = arith.constant 0 : i32
        %dma_start3A_114 = tpu.memref_slice %arg9[%dma_start3A_112, %dma_start3A_113] : memref<10000x128xf32, #tpu.memory_space<vmem_shared>> -> memref<10000x128xf32, #tpu.memory_space<vmem_shared>>
        tpu.enqueue_indirect_dma source(%arg7 : memref<80x128xf32, #tpu.memory_space<vmem>>) target(%dma_start3A_114 : memref<10000x128xf32, #tpu.memory_space<vmem_shared>>) offsets(%dma_start3A_111 : memref<80xi32, #tpu.memory_space<vmem>>) semaphore(%run_scoped3A_108 : memref<!tpu.dma_semaphore, #tpu.memory_space<semaphore_mem>>) {add = true}
        %dma_wait3A_115 = arith.constant 0 : i32
        %dma_wait3A_116 = tpu.memref_slice %arg5[%add3A_100, %dma_wait3A_115] : memref<65x80xi32, #tpu.memory_space<vmem>> -> memref<1x80xi32, #tpu.memory_space<vmem>>
        %dma_wait3A_117 = tpu.memref_squeeze %dma_wait3A_116 : memref<1x80xi32, #tpu.memory_space<vmem>> -> memref<80xi32, #tpu.memory_space<vmem>>
        %dma_wait3A_118 = arith.constant 0 : i32
        %dma_wait3A_119 = arith.constant 0 : i32
        %dma_wait3A_120 = tpu.memref_slice %arg9[%dma_wait3A_118, %dma_wait3A_119] : memref<10000x128xf32, #tpu.memory_space<vmem_shared>> -> memref<10000x128xf32, #tpu.memory_space<vmem_shared>>
        tpu.wait_indirect_dma semaphore(%run_scoped3A_108 : memref<!tpu.dma_semaphore, #tpu.memory_space<semaphore_mem>>) src(%arg7 : memref<80x128xf32, #tpu.memory_space<vmem>>) dst(%dma_wait3A_120 : memref<10000x128xf32, #tpu.memory_space<vmem_shared>>)
        tpu.yield
      }) : () -> ()
    }
    %scan3A_38 = arith.constant 32 : i32
    %add3A_39 = arith.constant 5120 : i32
    %add3A_40 = arith.addi %mul3A_2, %add3A_39 : i32
    %dma_wait3A = arith.constant 0 : i32
    %dma_wait3A_41 = tpu.memref_slice %arg2[%add3A_40, %dma_wait3A] : memref<166400x128xf32, #tpu.memory_space<hbm>> -> memref<80x128xf32, #tpu.memory_space<hbm>>
    %dma_wait3A_42 = arith.constant 0 : i32
    %dma_wait3A_43 = tpu.memref_slice %arg2[%add3A_40, %dma_wait3A_42] : memref<166400x128xf32, #tpu.memory_space<hbm>> -> memref<80x128xf32, #tpu.memory_space<hbm>>
    tpu.wait_dma2 semaphore(%arg10 : memref<!tpu.dma_semaphore, #tpu.memory_space<semaphore_mem>>) src(%dma_wait3A_43 : memref<80x128xf32, #tpu.memory_space<hbm>>) dst(%arg6 : memref<80x128xf32, #tpu.memory_space<vmem>>)
    %run_scoped3A = arith.constant 64 : i32
    "tpu.region"() ({
      %run_scoped3A_65 = tpu.sem_alloc : memref<!tpu.dma_semaphore, #tpu.memory_space<semaphore_mem>>
      %dma_start3A_66 = arith.constant 0 : i32
      %dma_start3A_67 = tpu.memref_slice %arg5[%run_scoped3A, %dma_start3A_66] : memref<65x80xi32, #tpu.memory_space<vmem>> -> memref<1x80xi32, #tpu.memory_space<vmem>>
      %dma_start3A_68 = tpu.memref_squeeze %dma_start3A_67 : memref<1x80xi32, #tpu.memory_space<vmem>> -> memref<80xi32, #tpu.memory_space<vmem>>
      %dma_start3A_69 = arith.constant 0 : i32
      %dma_start3A_70 = arith.constant 0 : i32
      %dma_start3A_71 = tpu.memref_slice %arg9[%dma_start3A_69, %dma_start3A_70] : memref<10000x128xf32, #tpu.memory_space<vmem_shared>> -> memref<10000x128xf32, #tpu.memory_space<vmem_shared>>
      tpu.enqueue_indirect_dma source(%arg6 : memref<80x128xf32, #tpu.memory_space<vmem>>) target(%dma_start3A_71 : memref<10000x128xf32, #tpu.memory_space<vmem_shared>>) offsets(%dma_start3A_68 : memref<80xi32, #tpu.memory_space<vmem>>) semaphore(%run_scoped3A_65 : memref<!tpu.dma_semaphore, #tpu.memory_space<semaphore_mem>>) {add = true}
      %dma_wait3A_72 = arith.constant 0 : i32
      %dma_wait3A_73 = tpu.memref_slice %arg5[%run_scoped3A, %dma_wait3A_72] : memref<65x80xi32, #tpu.memory_space<vmem>> -> memref<1x80xi32, #tpu.memory_space<vmem>>
      %dma_wait3A_74 = tpu.memref_squeeze %dma_wait3A_73 : memref<1x80xi32, #tpu.memory_space<vmem>> -> memref<80xi32, #tpu.memory_space<vmem>>
      %dma_wait3A_75 = arith.constant 0 : i32
      %dma_wait3A_76 = arith.constant 0 : i32
      %dma_wait3A_77 = tpu.memref_slice %arg9[%dma_wait3A_75, %dma_wait3A_76] : memref<10000x128xf32, #tpu.memory_space<vmem_shared>> -> memref<10000x128xf32, #tpu.memory_space<vmem_shared>>
      tpu.wait_indirect_dma semaphore(%run_scoped3A_65 : memref<!tpu.dma_semaphore, #tpu.memory_space<semaphore_mem>>) src(%arg6 : memref<80x128xf32, #tpu.memory_space<vmem>>) dst(%dma_wait3A_77 : memref<10000x128xf32, #tpu.memory_space<vmem_shared>>)
      tpu.yield
    }) : () -> ()
    %barrier3A_44 = arith.constant 0 : index
    tpu.barrier barrier_id(%barrier3A_44)
    %mul3A_45 = arith.constant 625 : i32
    %mul3A_46 = arith.muli %arg1, %mul3A_45 : i32
    %add3A_47 = arith.constant 0 : i32
    %add3A_48 = arith.addi %mul3A_46, %add3A_47 : i32
    "tpu.region"() ({
      %run_scoped3A_65 = tpu.sem_alloc : memref<!tpu.dma_semaphore, #tpu.memory_space<semaphore_mem>>
      %dma_start3A_66 = arith.constant 0 : i32
      %dma_start3A_67 = tpu.memref_slice %arg9[%add3A_48, %dma_start3A_66] : memref<10000x128xf32, #tpu.memory_space<vmem_shared>> -> memref<125x128xf32, #tpu.memory_space<vmem_shared>>
      %dma_start3A_68 = arith.constant 0 : i32
      %dma_start3A_69 = tpu.memref_slice %arg9[%add3A_48, %dma_start3A_68] : memref<10000x128xf32, #tpu.memory_space<vmem_shared>> -> memref<125x128xf32, #tpu.memory_space<vmem_shared>>
      tpu.enqueue_dma source(%dma_start3A_69 : memref<125x128xf32, #tpu.memory_space<vmem_shared>>) target(%arg8 : memref<125x128xf32, #tpu.memory_space<vmem>>) target_semaphore(%run_scoped3A_65 : memref<!tpu.dma_semaphore, #tpu.memory_space<semaphore_mem>>)
      %dma_wait3A_70 = arith.constant 0 : i32
      %dma_wait3A_71 = tpu.memref_slice %arg9[%add3A_48, %dma_wait3A_70] : memref<10000x128xf32, #tpu.memory_space<vmem_shared>> -> memref<125x128xf32, #tpu.memory_space<vmem_shared>>
      %dma_wait3A_72 = arith.constant 0 : i32
      %dma_wait3A_73 = tpu.memref_slice %arg9[%add3A_48, %dma_wait3A_72] : memref<10000x128xf32, #tpu.memory_space<vmem_shared>> -> memref<125x128xf32, #tpu.memory_space<vmem_shared>>
      tpu.wait_dma2 semaphore(%run_scoped3A_65 : memref<!tpu.dma_semaphore, #tpu.memory_space<semaphore_mem>>) src(%dma_wait3A_73 : memref<125x128xf32, #tpu.memory_space<vmem_shared>>) dst(%arg8 : memref<125x128xf32, #tpu.memory_space<vmem>>)
      tpu.yield
    }) : () -> ()
    "tpu.region"() ({
      %run_scoped3A_65 = tpu.sem_alloc : memref<!tpu.dma_semaphore, #tpu.memory_space<semaphore_mem>>
      %dma_start3A_66 = arith.constant 0 : i32
      %dma_start3A_67 = tpu.memref_slice %arg4[%arg0, %add3A_48, %dma_start3A_66] : memref<2x10000x128xf32, #tpu.memory_space<hbm>> -> memref<1x125x128xf32, #tpu.memory_space<hbm>>
      %dma_start3A_68 = tpu.memref_squeeze %dma_start3A_67 : memref<1x125x128xf32, #tpu.memory_space<hbm>> -> memref<125x128xf32, #tpu.memory_space<hbm>>
      %dma_start3A_69 = arith.constant 0 : i32
      %dma_start3A_70 = tpu.memref_slice %arg4[%arg0, %add3A_48, %dma_start3A_69] : memref<2x10000x128xf32, #tpu.memory_space<hbm>> -> memref<1x125x128xf32, #tpu.memory_space<hbm>>
      %dma_start3A_71 = tpu.memref_squeeze %dma_start3A_70 : memref<1x125x128xf32, #tpu.memory_space<hbm>> -> memref<125x128xf32, #tpu.memory_space<hbm>>
      tpu.enqueue_dma source(%arg8 : memref<125x128xf32, #tpu.memory_space<vmem>>) target(%dma_start3A_71 : memref<125x128xf32, #tpu.memory_space<hbm>>) target_semaphore(%run_scoped3A_65 : memref<!tpu.dma_semaphore, #tpu.memory_space<semaphore_mem>>)
      %dma_wait3A_72 = arith.constant 0 : i32
      %dma_wait3A_73 = tpu.memref_slice %arg4[%arg0, %add3A_48, %dma_wait3A_72] : memref<2x10000x128xf32, #tpu.memory_space<hbm>> -> memref<1x125x128xf32, #tpu.memory_space<hbm>>
      %dma_wait3A_74 = tpu.memref_squeeze %dma_wait3A_73 : memref<1x125x128xf32, #tpu.memory_space<hbm>> -> memref<125x128xf32, #tpu.memory_space<hbm>>
      %dma_wait3A_75 = arith.constant 0 : i32
      %dma_wait3A_76 = tpu.memref_slice %arg4[%arg0, %add3A_48, %dma_wait3A_75] : memref<2x10000x128xf32, #tpu.memory_space<hbm>> -> memref<1x125x128xf32, #tpu.memory_space<hbm>>
      %dma_wait3A_77 = tpu.memref_squeeze %dma_wait3A_76 : memref<1x125x128xf32, #tpu.memory_space<hbm>> -> memref<125x128xf32, #tpu.memory_space<hbm>>
      tpu.wait_dma2 semaphore(%run_scoped3A_65 : memref<!tpu.dma_semaphore, #tpu.memory_space<semaphore_mem>>) src(%arg8 : memref<125x128xf32, #tpu.memory_space<vmem>>) dst(%dma_wait3A_77 : memref<125x128xf32, #tpu.memory_space<hbm>>)
      tpu.yield
    }) : () -> ()
    %mul3A_49 = arith.constant 625 : i32
    %mul3A_50 = arith.muli %arg1, %mul3A_49 : i32
    %add3A_51 = arith.constant 125 : i32
    %add3A_52 = arith.addi %mul3A_50, %add3A_51 : i32
    "tpu.region"() ({
      %run_scoped3A_65 = tpu.sem_alloc : memref<!tpu.dma_semaphore, #tpu.memory_space<semaphore_mem>>
      %dma_start3A_66 = arith.constant 0 : i32
      %dma_start3A_67 = tpu.memref_slice %arg9[%add3A_52, %dma_start3A_66] : memref<10000x128xf32, #tpu.memory_space<vmem_shared>> -> memref<125x128xf32, #tpu.memory_space<vmem_shared>>
      %dma_start3A_68 = arith.constant 0 : i32
      %dma_start3A_69 = tpu.memref_slice %arg9[%add3A_52, %dma_start3A_68] : memref<10000x128xf32, #tpu.memory_space<vmem_shared>> -> memref<125x128xf32, #tpu.memory_space<vmem_shared>>
      tpu.enqueue_dma source(%dma_start3A_69 : memref<125x128xf32, #tpu.memory_space<vmem_shared>>) target(%arg8 : memref<125x128xf32, #tpu.memory_space<vmem>>) target_semaphore(%run_scoped3A_65 : memref<!tpu.dma_semaphore, #tpu.memory_space<semaphore_mem>>)
      %dma_wait3A_70 = arith.constant 0 : i32
      %dma_wait3A_71 = tpu.memref_slice %arg9[%add3A_52, %dma_wait3A_70] : memref<10000x128xf32, #tpu.memory_space<vmem_shared>> -> memref<125x128xf32, #tpu.memory_space<vmem_shared>>
      %dma_wait3A_72 = arith.constant 0 : i32
      %dma_wait3A_73 = tpu.memref_slice %arg9[%add3A_52, %dma_wait3A_72] : memref<10000x128xf32, #tpu.memory_space<vmem_shared>> -> memref<125x128xf32, #tpu.memory_space<vmem_shared>>
      tpu.wait_dma2 semaphore(%run_scoped3A_65 : memref<!tpu.dma_semaphore, #tpu.memory_space<semaphore_mem>>) src(%dma_wait3A_73 : memref<125x128xf32, #tpu.memory_space<vmem_shared>>) dst(%arg8 : memref<125x128xf32, #tpu.memory_space<vmem>>)
      tpu.yield
    }) : () -> ()
    "tpu.region"() ({
      %run_scoped3A_65 = tpu.sem_alloc : memref<!tpu.dma_semaphore, #tpu.memory_space<semaphore_mem>>
      %dma_start3A_66 = arith.constant 0 : i32
      %dma_start3A_67 = tpu.memref_slice %arg4[%arg0, %add3A_52, %dma_start3A_66] : memref<2x10000x128xf32, #tpu.memory_space<hbm>> -> memref<1x125x128xf32, #tpu.memory_space<hbm>>
      %dma_start3A_68 = tpu.memref_squeeze %dma_start3A_67 : memref<1x125x128xf32, #tpu.memory_space<hbm>> -> memref<125x128xf32, #tpu.memory_space<hbm>>
      %dma_start3A_69 = arith.constant 0 : i32
      %dma_start3A_70 = tpu.memref_slice %arg4[%arg0, %add3A_52, %dma_start3A_69] : memref<2x10000x128xf32, #tpu.memory_space<hbm>> -> memref<1x125x128xf32, #tpu.memory_space<hbm>>
      %dma_start3A_71 = tpu.memref_squeeze %dma_start3A_70 : memref<1x125x128xf32, #tpu.memory_space<hbm>> -> memref<125x128xf32, #tpu.memory_space<hbm>>
      tpu.enqueue_dma source(%arg8 : memref<125x128xf32, #tpu.memory_space<vmem>>) target(%dma_start3A_71 : memref<125x128xf32, #tpu.memory_space<hbm>>) target_semaphore(%run_scoped3A_65 : memref<!tpu.dma_semaphore, #tpu.memory_space<semaphore_mem>>)
      %dma_wait3A_72 = arith.constant 0 : i32
      %dma_wait3A_73 = tpu.memref_slice %arg4[%arg0, %add3A_52, %dma_wait3A_72] : memref<2x10000x128xf32, #tpu.memory_space<hbm>> -> memref<1x125x128xf32, #tpu.memory_space<hbm>>
      %dma_wait3A_74 = tpu.memref_squeeze %dma_wait3A_73 : memref<1x125x128xf32, #tpu.memory_space<hbm>> -> memref<125x128xf32, #tpu.memory_space<hbm>>
      %dma_wait3A_75 = arith.constant 0 : i32
      %dma_wait3A_76 = tpu.memref_slice %arg4[%arg0, %add3A_52, %dma_wait3A_75] : memref<2x10000x128xf32, #tpu.memory_space<hbm>> -> memref<1x125x128xf32, #tpu.memory_space<hbm>>
      %dma_wait3A_77 = tpu.memref_squeeze %dma_wait3A_76 : memref<1x125x128xf32, #tpu.memory_space<hbm>> -> memref<125x128xf32, #tpu.memory_space<hbm>>
      tpu.wait_dma2 semaphore(%run_scoped3A_65 : memref<!tpu.dma_semaphore, #tpu.memory_space<semaphore_mem>>) src(%arg8 : memref<125x128xf32, #tpu.memory_space<vmem>>) dst(%dma_wait3A_77 : memref<125x128xf32, #tpu.memory_space<hbm>>)
      tpu.yield
    }) : () -> ()
    %mul3A_53 = arith.constant 625 : i32
    %mul3A_54 = arith.muli %arg1, %mul3A_53 : i32
    %add3A_55 = arith.constant 250 : i32
    %add3A_56 = arith.addi %mul3A_54, %add3A_55 : i32
    "tpu.region"() ({
      %run_scoped3A_65 = tpu.sem_alloc : memref<!tpu.dma_semaphore, #tpu.memory_space<semaphore_mem>>
      %dma_start3A_66 = arith.constant 0 : i32
      %dma_start3A_67 = tpu.memref_slice %arg9[%add3A_56, %dma_start3A_66] : memref<10000x128xf32, #tpu.memory_space<vmem_shared>> -> memref<125x128xf32, #tpu.memory_space<vmem_shared>>
      %dma_start3A_68 = arith.constant 0 : i32
      %dma_start3A_69 = tpu.memref_slice %arg9[%add3A_56, %dma_start3A_68] : memref<10000x128xf32, #tpu.memory_space<vmem_shared>> -> memref<125x128xf32, #tpu.memory_space<vmem_shared>>
      tpu.enqueue_dma source(%dma_start3A_69 : memref<125x128xf32, #tpu.memory_space<vmem_shared>>) target(%arg8 : memref<125x128xf32, #tpu.memory_space<vmem>>) target_semaphore(%run_scoped3A_65 : memref<!tpu.dma_semaphore, #tpu.memory_space<semaphore_mem>>)
      %dma_wait3A_70 = arith.constant 0 : i32
      %dma_wait3A_71 = tpu.memref_slice %arg9[%add3A_56, %dma_wait3A_70] : memref<10000x128xf32, #tpu.memory_space<vmem_shared>> -> memref<125x128xf32, #tpu.memory_space<vmem_shared>>
      %dma_wait3A_72 = arith.constant 0 : i32
      %dma_wait3A_73 = tpu.memref_slice %arg9[%add3A_56, %dma_wait3A_72] : memref<10000x128xf32, #tpu.memory_space<vmem_shared>> -> memref<125x128xf32, #tpu.memory_space<vmem_shared>>
      tpu.wait_dma2 semaphore(%run_scoped3A_65 : memref<!tpu.dma_semaphore, #tpu.memory_space<semaphore_mem>>) src(%dma_wait3A_73 : memref<125x128xf32, #tpu.memory_space<vmem_shared>>) dst(%arg8 : memref<125x128xf32, #tpu.memory_space<vmem>>)
      tpu.yield
    }) : () -> ()
    "tpu.region"() ({
      %run_scoped3A_65 = tpu.sem_alloc : memref<!tpu.dma_semaphore, #tpu.memory_space<semaphore_mem>>
      %dma_start3A_66 = arith.constant 0 : i32
      %dma_start3A_67 = tpu.memref_slice %arg4[%arg0, %add3A_56, %dma_start3A_66] : memref<2x10000x128xf32, #tpu.memory_space<hbm>> -> memref<1x125x128xf32, #tpu.memory_space<hbm>>
      %dma_start3A_68 = tpu.memref_squeeze %dma_start3A_67 : memref<1x125x128xf32, #tpu.memory_space<hbm>> -> memref<125x128xf32, #tpu.memory_space<hbm>>
      %dma_start3A_69 = arith.constant 0 : i32
      %dma_start3A_70 = tpu.memref_slice %arg4[%arg0, %add3A_56, %dma_start3A_69] : memref<2x10000x128xf32, #tpu.memory_space<hbm>> -> memref<1x125x128xf32, #tpu.memory_space<hbm>>
      %dma_start3A_71 = tpu.memref_squeeze %dma_start3A_70 : memref<1x125x128xf32, #tpu.memory_space<hbm>> -> memref<125x128xf32, #tpu.memory_space<hbm>>
      tpu.enqueue_dma source(%arg8 : memref<125x128xf32, #tpu.memory_space<vmem>>) target(%dma_start3A_71 : memref<125x128xf32, #tpu.memory_space<hbm>>) target_semaphore(%run_scoped3A_65 : memref<!tpu.dma_semaphore, #tpu.memory_space<semaphore_mem>>)
      %dma_wait3A_72 = arith.constant 0 : i32
      %dma_wait3A_73 = tpu.memref_slice %arg4[%arg0, %add3A_56, %dma_wait3A_72] : memref<2x10000x128xf32, #tpu.memory_space<hbm>> -> memref<1x125x128xf32, #tpu.memory_space<hbm>>
      %dma_wait3A_74 = tpu.memref_squeeze %dma_wait3A_73 : memref<1x125x128xf32, #tpu.memory_space<hbm>> -> memref<125x128xf32, #tpu.memory_space<hbm>>
      %dma_wait3A_75 = arith.constant 0 : i32
      %dma_wait3A_76 = tpu.memref_slice %arg4[%arg0, %add3A_56, %dma_wait3A_75] : memref<2x10000x128xf32, #tpu.memory_space<hbm>> -> memref<1x125x128xf32, #tpu.memory_space<hbm>>
      %dma_wait3A_77 = tpu.memref_squeeze %dma_wait3A_76 : memref<1x125x128xf32, #tpu.memory_space<hbm>> -> memref<125x128xf32, #tpu.memory_space<hbm>>
      tpu.wait_dma2 semaphore(%run_scoped3A_65 : memref<!tpu.dma_semaphore, #tpu.memory_space<semaphore_mem>>) src(%arg8 : memref<125x128xf32, #tpu.memory_space<vmem>>) dst(%dma_wait3A_77 : memref<125x128xf32, #tpu.memory_space<hbm>>)
      tpu.yield
    }) : () -> ()
    %mul3A_57 = arith.constant 625 : i32
    %mul3A_58 = arith.muli %arg1, %mul3A_57 : i32
    %add3A_59 = arith.constant 375 : i32
    %add3A_60 = arith.addi %mul3A_58, %add3A_59 : i32
    "tpu.region"() ({
      %run_scoped3A_65 = tpu.sem_alloc : memref<!tpu.dma_semaphore, #tpu.memory_space<semaphore_mem>>
      %dma_start3A_66 = arith.constant 0 : i32
      %dma_start3A_67 = tpu.memref_slice %arg9[%add3A_60, %dma_start3A_66] : memref<10000x128xf32, #tpu.memory_space<vmem_shared>> -> memref<125x128xf32, #tpu.memory_space<vmem_shared>>
      %dma_start3A_68 = arith.constant 0 : i32
      %dma_start3A_69 = tpu.memref_slice %arg9[%add3A_60, %dma_start3A_68] : memref<10000x128xf32, #tpu.memory_space<vmem_shared>> -> memref<125x128xf32, #tpu.memory_space<vmem_shared>>
      tpu.enqueue_dma source(%dma_start3A_69 : memref<125x128xf32, #tpu.memory_space<vmem_shared>>) target(%arg8 : memref<125x128xf32, #tpu.memory_space<vmem>>) target_semaphore(%run_scoped3A_65 : memref<!tpu.dma_semaphore, #tpu.memory_space<semaphore_mem>>)
      %dma_wait3A_70 = arith.constant 0 : i32
      %dma_wait3A_71 = tpu.memref_slice %arg9[%add3A_60, %dma_wait3A_70] : memref<10000x128xf32, #tpu.memory_space<vmem_shared>> -> memref<125x128xf32, #tpu.memory_space<vmem_shared>>
      %dma_wait3A_72 = arith.constant 0 : i32
      %dma_wait3A_73 = tpu.memref_slice %arg9[%add3A_60, %dma_wait3A_72] : memref<10000x128xf32, #tpu.memory_space<vmem_shared>> -> memref<125x128xf32, #tpu.memory_space<vmem_shared>>
      tpu.wait_dma2 semaphore(%run_scoped3A_65 : memref<!tpu.dma_semaphore, #tpu.memory_space<semaphore_mem>>) src(%dma_wait3A_73 : memref<125x128xf32, #tpu.memory_space<vmem_shared>>) dst(%arg8 : memref<125x128xf32, #tpu.memory_space<vmem>>)
      tpu.yield
    }) : () -> ()
    "tpu.region"() ({
      %run_scoped3A_65 = tpu.sem_alloc : memref<!tpu.dma_semaphore, #tpu.memory_space<semaphore_mem>>
      %dma_start3A_66 = arith.constant 0 : i32
      %dma_start3A_67 = tpu.memref_slice %arg4[%arg0, %add3A_60, %dma_start3A_66] : memref<2x10000x128xf32, #tpu.memory_space<hbm>> -> memref<1x125x128xf32, #tpu.memory_space<hbm>>
      %dma_start3A_68 = tpu.memref_squeeze %dma_start3A_67 : memref<1x125x128xf32, #tpu.memory_space<hbm>> -> memref<125x128xf32, #tpu.memory_space<hbm>>
      %dma_start3A_69 = arith.constant 0 : i32
      %dma_start3A_70 = tpu.memref_slice %arg4[%arg0, %add3A_60, %dma_start3A_69] : memref<2x10000x128xf32, #tpu.memory_space<hbm>> -> memref<1x125x128xf32, #tpu.memory_space<hbm>>
      %dma_start3A_71 = tpu.memref_squeeze %dma_start3A_70 : memref<1x125x128xf32, #tpu.memory_space<hbm>> -> memref<125x128xf32, #tpu.memory_space<hbm>>
      tpu.enqueue_dma source(%arg8 : memref<125x128xf32, #tpu.memory_space<vmem>>) target(%dma_start3A_71 : memref<125x128xf32, #tpu.memory_space<hbm>>) target_semaphore(%run_scoped3A_65 : memref<!tpu.dma_semaphore, #tpu.memory_space<semaphore_mem>>)
      %dma_wait3A_72 = arith.constant 0 : i32
      %dma_wait3A_73 = tpu.memref_slice %arg4[%arg0, %add3A_60, %dma_wait3A_72] : memref<2x10000x128xf32, #tpu.memory_space<hbm>> -> memref<1x125x128xf32, #tpu.memory_space<hbm>>
      %dma_wait3A_74 = tpu.memref_squeeze %dma_wait3A_73 : memref<1x125x128xf32, #tpu.memory_space<hbm>> -> memref<125x128xf32, #tpu.memory_space<hbm>>
      %dma_wait3A_75 = arith.constant 0 : i32
      %dma_wait3A_76 = tpu.memref_slice %arg4[%arg0, %add3A_60, %dma_wait3A_75] : memref<2x10000x128xf32, #tpu.memory_space<hbm>> -> memref<1x125x128xf32, #tpu.memory_space<hbm>>
      %dma_wait3A_77 = tpu.memref_squeeze %dma_wait3A_76 : memref<1x125x128xf32, #tpu.memory_space<hbm>> -> memref<125x128xf32, #tpu.memory_space<hbm>>
      tpu.wait_dma2 semaphore(%run_scoped3A_65 : memref<!tpu.dma_semaphore, #tpu.memory_space<semaphore_mem>>) src(%arg8 : memref<125x128xf32, #tpu.memory_space<vmem>>) dst(%dma_wait3A_77 : memref<125x128xf32, #tpu.memory_space<hbm>>)
      tpu.yield
    }) : () -> ()
    %mul3A_61 = arith.constant 625 : i32
    %mul3A_62 = arith.muli %arg1, %mul3A_61 : i32
    %add3A_63 = arith.constant 500 : i32
    %add3A_64 = arith.addi %mul3A_62, %add3A_63 : i32
    "tpu.region"() ({
      %run_scoped3A_65 = tpu.sem_alloc : memref<!tpu.dma_semaphore, #tpu.memory_space<semaphore_mem>>
      %dma_start3A_66 = arith.constant 0 : i32
      %dma_start3A_67 = tpu.memref_slice %arg9[%add3A_64, %dma_start3A_66] : memref<10000x128xf32, #tpu.memory_space<vmem_shared>> -> memref<125x128xf32, #tpu.memory_space<vmem_shared>>
      %dma_start3A_68 = arith.constant 0 : i32
      %dma_start3A_69 = tpu.memref_slice %arg9[%add3A_64, %dma_start3A_68] : memref<10000x128xf32, #tpu.memory_space<vmem_shared>> -> memref<125x128xf32, #tpu.memory_space<vmem_shared>>
      tpu.enqueue_dma source(%dma_start3A_69 : memref<125x128xf32, #tpu.memory_space<vmem_shared>>) target(%arg8 : memref<125x128xf32, #tpu.memory_space<vmem>>) target_semaphore(%run_scoped3A_65 : memref<!tpu.dma_semaphore, #tpu.memory_space<semaphore_mem>>)
      %dma_wait3A_70 = arith.constant 0 : i32
      %dma_wait3A_71 = tpu.memref_slice %arg9[%add3A_64, %dma_wait3A_70] : memref<10000x128xf32, #tpu.memory_space<vmem_shared>> -> memref<125x128xf32, #tpu.memory_space<vmem_shared>>
      %dma_wait3A_72 = arith.constant 0 : i32
      %dma_wait3A_73 = tpu.memref_slice %arg9[%add3A_64, %dma_wait3A_72] : memref<10000x128xf32, #tpu.memory_space<vmem_shared>> -> memref<125x128xf32, #tpu.memory_space<vmem_shared>>
      tpu.wait_dma2 semaphore(%run_scoped3A_65 : memref<!tpu.dma_semaphore, #tpu.memory_space<semaphore_mem>>) src(%dma_wait3A_73 : memref<125x128xf32, #tpu.memory_space<vmem_shared>>) dst(%arg8 : memref<125x128xf32, #tpu.memory_space<vmem>>)
      tpu.yield
    }) : () -> ()
    "tpu.region"() ({
      %run_scoped3A_65 = tpu.sem_alloc : memref<!tpu.dma_semaphore, #tpu.memory_space<semaphore_mem>>
      %dma_start3A_66 = arith.constant 0 : i32
      %dma_start3A_67 = tpu.memref_slice %arg4[%arg0, %add3A_64, %dma_start3A_66] : memref<2x10000x128xf32, #tpu.memory_space<hbm>> -> memref<1x125x128xf32, #tpu.memory_space<hbm>>
      %dma_start3A_68 = tpu.memref_squeeze %dma_start3A_67 : memref<1x125x128xf32, #tpu.memory_space<hbm>> -> memref<125x128xf32, #tpu.memory_space<hbm>>
      %dma_start3A_69 = arith.constant 0 : i32
      %dma_start3A_70 = tpu.memref_slice %arg4[%arg0, %add3A_64, %dma_start3A_69] : memref<2x10000x128xf32, #tpu.memory_space<hbm>> -> memref<1x125x128xf32, #tpu.memory_space<hbm>>
      %dma_start3A_71 = tpu.memref_squeeze %dma_start3A_70 : memref<1x125x128xf32, #tpu.memory_space<hbm>> -> memref<125x128xf32, #tpu.memory_space<hbm>>
      tpu.enqueue_dma source(%arg8 : memref<125x128xf32, #tpu.memory_space<vmem>>) target(%dma_start3A_71 : memref<125x128xf32, #tpu.memory_space<hbm>>) target_semaphore(%run_scoped3A_65 : memref<!tpu.dma_semaphore, #tpu.memory_space<semaphore_mem>>)
      %dma_wait3A_72 = arith.constant 0 : i32
      %dma_wait3A_73 = tpu.memref_slice %arg4[%arg0, %add3A_64, %dma_wait3A_72] : memref<2x10000x128xf32, #tpu.memory_space<hbm>> -> memref<1x125x128xf32, #tpu.memory_space<hbm>>
      %dma_wait3A_74 = tpu.memref_squeeze %dma_wait3A_73 : memref<1x125x128xf32, #tpu.memory_space<hbm>> -> memref<125x128xf32, #tpu.memory_space<hbm>>
      %dma_wait3A_75 = arith.constant 0 : i32
      %dma_wait3A_76 = tpu.memref_slice %arg4[%arg0, %add3A_64, %dma_wait3A_75] : memref<2x10000x128xf32, #tpu.memory_space<hbm>> -> memref<1x125x128xf32, #tpu.memory_space<hbm>>
      %dma_wait3A_77 = tpu.memref_squeeze %dma_wait3A_76 : memref<1x125x128xf32, #tpu.memory_space<hbm>> -> memref<125x128xf32, #tpu.memory_space<hbm>>
      tpu.wait_dma2 semaphore(%run_scoped3A_65 : memref<!tpu.dma_semaphore, #tpu.memory_space<semaphore_mem>>) src(%arg8 : memref<125x128xf32, #tpu.memory_space<vmem>>) dst(%dma_wait3A_77 : memref<125x128xf32, #tpu.memory_space<hbm>>)
      tpu.yield
    }) : () -> ()
    return
  }
}

#map = affine_map<(d0, d1) -> (0, 0)>
#map1 = affine_map<(d0, d1) -> (0, 0, 0)>
module attributes {stable_mosaic.version = 14 : i64} {
  func.func @_gather_body(%arg0: i32, %arg1: i32, %arg2: memref<10000x16xf32, #tpu.memory_space<hbm>>, %arg3: memref<32x65x80xi32, #tpu.memory_space<hbm>>, %arg4: memref<166400x16xf32, #tpu.memory_space<hbm>>, %arg5: memref<65x80xi32, #tpu.memory_space<vmem>>, %arg6: memref<80x16xf32, #tpu.memory_space<vmem>>, %arg7: memref<80x16xf32, #tpu.memory_space<vmem>>, %arg8: memref<!tpu.dma_semaphore, #tpu.memory_space<semaphore_mem>>, %arg9: memref<!tpu.dma_semaphore, #tpu.memory_space<semaphore_mem>>) attributes {dimension_semantics = [#tpu.dimension_semantics<core_parallel>, #tpu.dimension_semantics<subcore_parallel>], iteration_bounds = array<i64: 2, 16>, scalar_prefetch = 0 : i64, scratch_operands = 5 : i64, tpu.core_type = #tpu.core_type<sc_vector_subcore>, window_params = [{transform_indices = #map}, {transform_indices = #map1}, {transform_indices = #map}]} {
    %mul3A = arith.constant 16 : i32
    %mul3A_0 = arith.muli %arg0, %mul3A : i32
    %add3A = arith.addi %mul3A_0, %arg1 : i32
    %mul3A_1 = arith.constant 5200 : i32
    %mul3A_2 = arith.muli %add3A, %mul3A_1 : i32
    "tpu.region"() ({
      %run_scoped3A = tpu.sem_alloc : memref<!tpu.dma_semaphore, #tpu.memory_space<semaphore_mem>>
      %dma_start3A_22 = arith.constant 0 : i32
      %dma_start3A_23 = arith.constant 0 : i32
      %dma_start3A_24 = tpu.memref_slice %arg3[%add3A, %dma_start3A_22, %dma_start3A_23] : memref<32x65x80xi32, #tpu.memory_space<hbm>> -> memref<1x65x80xi32, #tpu.memory_space<hbm>>
      %dma_start3A_25 = tpu.memref_squeeze %dma_start3A_24 : memref<1x65x80xi32, #tpu.memory_space<hbm>> -> memref<65x80xi32, #tpu.memory_space<hbm>>
      %dma_start3A_26 = arith.constant 0 : i32
      %dma_start3A_27 = arith.constant 0 : i32
      %dma_start3A_28 = tpu.memref_slice %arg3[%add3A, %dma_start3A_26, %dma_start3A_27] : memref<32x65x80xi32, #tpu.memory_space<hbm>> -> memref<1x65x80xi32, #tpu.memory_space<hbm>>
      %dma_start3A_29 = tpu.memref_squeeze %dma_start3A_28 : memref<1x65x80xi32, #tpu.memory_space<hbm>> -> memref<65x80xi32, #tpu.memory_space<hbm>>
      tpu.enqueue_dma source(%dma_start3A_29 : memref<65x80xi32, #tpu.memory_space<hbm>>) target(%arg5 : memref<65x80xi32, #tpu.memory_space<vmem>>) target_semaphore(%run_scoped3A : memref<!tpu.dma_semaphore, #tpu.memory_space<semaphore_mem>>)
      %dma_wait3A_30 = arith.constant 0 : i32
      %dma_wait3A_31 = arith.constant 0 : i32
      %dma_wait3A_32 = tpu.memref_slice %arg3[%add3A, %dma_wait3A_30, %dma_wait3A_31] : memref<32x65x80xi32, #tpu.memory_space<hbm>> -> memref<1x65x80xi32, #tpu.memory_space<hbm>>
      %dma_wait3A_33 = tpu.memref_squeeze %dma_wait3A_32 : memref<1x65x80xi32, #tpu.memory_space<hbm>> -> memref<65x80xi32, #tpu.memory_space<hbm>>
      %dma_wait3A_34 = arith.constant 0 : i32
      %dma_wait3A_35 = arith.constant 0 : i32
      %dma_wait3A_36 = tpu.memref_slice %arg3[%add3A, %dma_wait3A_34, %dma_wait3A_35] : memref<32x65x80xi32, #tpu.memory_space<hbm>> -> memref<1x65x80xi32, #tpu.memory_space<hbm>>
      %dma_wait3A_37 = tpu.memref_squeeze %dma_wait3A_36 : memref<1x65x80xi32, #tpu.memory_space<hbm>> -> memref<65x80xi32, #tpu.memory_space<hbm>>
      tpu.wait_dma2 semaphore(%run_scoped3A : memref<!tpu.dma_semaphore, #tpu.memory_space<semaphore_mem>>) src(%dma_wait3A_37 : memref<65x80xi32, #tpu.memory_space<hbm>>) dst(%arg5 : memref<65x80xi32, #tpu.memory_space<vmem>>)
      tpu.yield
    }) : () -> ()
    %dma_start3A = arith.constant 0 : i32
    %dma_start3A_3 = arith.constant 0 : i32
    %dma_start3A_4 = tpu.memref_slice %arg5[%dma_start3A, %dma_start3A_3] : memref<65x80xi32, #tpu.memory_space<vmem>> -> memref<1x80xi32, #tpu.memory_space<vmem>>
    %dma_start3A_5 = tpu.memref_squeeze %dma_start3A_4 : memref<1x80xi32, #tpu.memory_space<vmem>> -> memref<80xi32, #tpu.memory_space<vmem>>
    %dma_start3A_6 = arith.constant 0 : i32
    %dma_start3A_7 = arith.constant 0 : i32
    %dma_start3A_8 = tpu.memref_slice %arg2[%dma_start3A_6, %dma_start3A_7] : memref<10000x16xf32, #tpu.memory_space<hbm>> -> memref<10000x16xf32, #tpu.memory_space<hbm>>
    tpu.enqueue_indirect_dma source(%dma_start3A_8 : memref<10000x16xf32, #tpu.memory_space<hbm>>) target(%arg6 : memref<80x16xf32, #tpu.memory_space<vmem>>) offsets(%dma_start3A_5 : memref<80xi32, #tpu.memory_space<vmem>>) semaphore(%arg8 : memref<!tpu.dma_semaphore, #tpu.memory_space<semaphore_mem>>)
    %scan3A = arith.constant 0 : i32
    %scan3A_9 = arith.constant 0 : i32
    %scan3A_10 = arith.constant 32 : i32
    %scan3A_11 = arith.addi %scan3A_9, %scan3A_10 : i32
    %scan3A_12 = arith.constant 1 : i32
    scf.for %scan3A_22 = %scan3A_9 to %scan3A_11 step %scan3A_12  : i32 {
      %mul3A_23 = arith.constant 2 : i32
      %mul3A_24 = arith.muli %mul3A_23, %scan3A_22 : i32
      %add3A_25 = arith.constant 1 : i32
      %add3A_26 = arith.addi %mul3A_24, %add3A_25 : i32
      %dma_start3A_27 = arith.constant 0 : i32
      %dma_start3A_28 = tpu.memref_slice %arg5[%add3A_26, %dma_start3A_27] : memref<65x80xi32, #tpu.memory_space<vmem>> -> memref<1x80xi32, #tpu.memory_space<vmem>>
      %dma_start3A_29 = tpu.memref_squeeze %dma_start3A_28 : memref<1x80xi32, #tpu.memory_space<vmem>> -> memref<80xi32, #tpu.memory_space<vmem>>
      %dma_start3A_30 = arith.constant 0 : i32
      %dma_start3A_31 = arith.constant 0 : i32
      %dma_start3A_32 = tpu.memref_slice %arg2[%dma_start3A_30, %dma_start3A_31] : memref<10000x16xf32, #tpu.memory_space<hbm>> -> memref<10000x16xf32, #tpu.memory_space<hbm>>
      tpu.enqueue_indirect_dma source(%dma_start3A_32 : memref<10000x16xf32, #tpu.memory_space<hbm>>) target(%arg7 : memref<80x16xf32, #tpu.memory_space<vmem>>) offsets(%dma_start3A_29 : memref<80xi32, #tpu.memory_space<vmem>>) semaphore(%arg9 : memref<!tpu.dma_semaphore, #tpu.memory_space<semaphore_mem>>)
      %mul3A_33 = arith.constant 2 : i32
      %mul3A_34 = arith.muli %mul3A_33, %scan3A_22 : i32
      %dma_wait3A_35 = arith.constant 0 : i32
      %dma_wait3A_36 = tpu.memref_slice %arg5[%mul3A_34, %dma_wait3A_35] : memref<65x80xi32, #tpu.memory_space<vmem>> -> memref<1x80xi32, #tpu.memory_space<vmem>>
      %dma_wait3A_37 = tpu.memref_squeeze %dma_wait3A_36 : memref<1x80xi32, #tpu.memory_space<vmem>> -> memref<80xi32, #tpu.memory_space<vmem>>
      %dma_wait3A_38 = arith.constant 0 : i32
      %dma_wait3A_39 = arith.constant 0 : i32
      %dma_wait3A_40 = tpu.memref_slice %arg2[%dma_wait3A_38, %dma_wait3A_39] : memref<10000x16xf32, #tpu.memory_space<hbm>> -> memref<10000x16xf32, #tpu.memory_space<hbm>>
      tpu.wait_indirect_dma semaphore(%arg8 : memref<!tpu.dma_semaphore, #tpu.memory_space<semaphore_mem>>) src(%dma_wait3A_40 : memref<10000x16xf32, #tpu.memory_space<hbm>>) dst(%arg6 : memref<80x16xf32, #tpu.memory_space<vmem>>)
      %mul3A_41 = arith.constant 80 : i32
      %mul3A_42 = arith.muli %mul3A_34, %mul3A_41 : i32
      %add3A_43 = arith.addi %mul3A_2, %mul3A_42 : i32
      "tpu.region"() ({
        %run_scoped3A = tpu.sem_alloc : memref<!tpu.dma_semaphore, #tpu.memory_space<semaphore_mem>>
        %dma_start3A_67 = arith.constant 0 : i32
        %dma_start3A_68 = tpu.memref_slice %arg4[%add3A_43, %dma_start3A_67] : memref<166400x16xf32, #tpu.memory_space<hbm>> -> memref<80x16xf32, #tpu.memory_space<hbm>>
        %dma_start3A_69 = arith.constant 0 : i32
        %dma_start3A_70 = tpu.memref_slice %arg4[%add3A_43, %dma_start3A_69] : memref<166400x16xf32, #tpu.memory_space<hbm>> -> memref<80x16xf32, #tpu.memory_space<hbm>>
        tpu.enqueue_dma source(%arg6 : memref<80x16xf32, #tpu.memory_space<vmem>>) target(%dma_start3A_70 : memref<80x16xf32, #tpu.memory_space<hbm>>) target_semaphore(%run_scoped3A : memref<!tpu.dma_semaphore, #tpu.memory_space<semaphore_mem>>)
        %dma_wait3A_71 = arith.constant 0 : i32
        %dma_wait3A_72 = tpu.memref_slice %arg4[%add3A_43, %dma_wait3A_71] : memref<166400x16xf32, #tpu.memory_space<hbm>> -> memref<80x16xf32, #tpu.memory_space<hbm>>
        %dma_wait3A_73 = arith.constant 0 : i32
        %dma_wait3A_74 = tpu.memref_slice %arg4[%add3A_43, %dma_wait3A_73] : memref<166400x16xf32, #tpu.memory_space<hbm>> -> memref<80x16xf32, #tpu.memory_space<hbm>>
        tpu.wait_dma2 semaphore(%run_scoped3A : memref<!tpu.dma_semaphore, #tpu.memory_space<semaphore_mem>>) src(%arg6 : memref<80x16xf32, #tpu.memory_space<vmem>>) dst(%dma_wait3A_74 : memref<80x16xf32, #tpu.memory_space<hbm>>)
        tpu.yield
      }) : () -> ()
      %mul3A_44 = arith.constant 2 : i32
      %mul3A_45 = arith.muli %mul3A_44, %scan3A_22 : i32
      %add3A_46 = arith.constant 2 : i32
      %add3A_47 = arith.addi %mul3A_45, %add3A_46 : i32
      %dma_start3A_48 = arith.constant 0 : i32
      %dma_start3A_49 = tpu.memref_slice %arg5[%add3A_47, %dma_start3A_48] : memref<65x80xi32, #tpu.memory_space<vmem>> -> memref<1x80xi32, #tpu.memory_space<vmem>>
      %dma_start3A_50 = tpu.memref_squeeze %dma_start3A_49 : memref<1x80xi32, #tpu.memory_space<vmem>> -> memref<80xi32, #tpu.memory_space<vmem>>
      %dma_start3A_51 = arith.constant 0 : i32
      %dma_start3A_52 = arith.constant 0 : i32
      %dma_start3A_53 = tpu.memref_slice %arg2[%dma_start3A_51, %dma_start3A_52] : memref<10000x16xf32, #tpu.memory_space<hbm>> -> memref<10000x16xf32, #tpu.memory_space<hbm>>
      tpu.enqueue_indirect_dma source(%dma_start3A_53 : memref<10000x16xf32, #tpu.memory_space<hbm>>) target(%arg6 : memref<80x16xf32, #tpu.memory_space<vmem>>) offsets(%dma_start3A_50 : memref<80xi32, #tpu.memory_space<vmem>>) semaphore(%arg8 : memref<!tpu.dma_semaphore, #tpu.memory_space<semaphore_mem>>)
      %mul3A_54 = arith.constant 2 : i32
      %mul3A_55 = arith.muli %mul3A_54, %scan3A_22 : i32
      %add3A_56 = arith.constant 1 : i32
      %add3A_57 = arith.addi %mul3A_55, %add3A_56 : i32
      %dma_wait3A_58 = arith.constant 0 : i32
      %dma_wait3A_59 = tpu.memref_slice %arg5[%add3A_57, %dma_wait3A_58] : memref<65x80xi32, #tpu.memory_space<vmem>> -> memref<1x80xi32, #tpu.memory_space<vmem>>
      %dma_wait3A_60 = tpu.memref_squeeze %dma_wait3A_59 : memref<1x80xi32, #tpu.memory_space<vmem>> -> memref<80xi32, #tpu.memory_space<vmem>>
      %dma_wait3A_61 = arith.constant 0 : i32
      %dma_wait3A_62 = arith.constant 0 : i32
      %dma_wait3A_63 = tpu.memref_slice %arg2[%dma_wait3A_61, %dma_wait3A_62] : memref<10000x16xf32, #tpu.memory_space<hbm>> -> memref<10000x16xf32, #tpu.memory_space<hbm>>
      tpu.wait_indirect_dma semaphore(%arg9 : memref<!tpu.dma_semaphore, #tpu.memory_space<semaphore_mem>>) src(%dma_wait3A_63 : memref<10000x16xf32, #tpu.memory_space<hbm>>) dst(%arg7 : memref<80x16xf32, #tpu.memory_space<vmem>>)
      %mul3A_64 = arith.constant 80 : i32
      %mul3A_65 = arith.muli %add3A_57, %mul3A_64 : i32
      %add3A_66 = arith.addi %mul3A_2, %mul3A_65 : i32
      "tpu.region"() ({
        %run_scoped3A = tpu.sem_alloc : memref<!tpu.dma_semaphore, #tpu.memory_space<semaphore_mem>>
        %dma_start3A_67 = arith.constant 0 : i32
        %dma_start3A_68 = tpu.memref_slice %arg4[%add3A_66, %dma_start3A_67] : memref<166400x16xf32, #tpu.memory_space<hbm>> -> memref<80x16xf32, #tpu.memory_space<hbm>>
        %dma_start3A_69 = arith.constant 0 : i32
        %dma_start3A_70 = tpu.memref_slice %arg4[%add3A_66, %dma_start3A_69] : memref<166400x16xf32, #tpu.memory_space<hbm>> -> memref<80x16xf32, #tpu.memory_space<hbm>>
        tpu.enqueue_dma source(%arg7 : memref<80x16xf32, #tpu.memory_space<vmem>>) target(%dma_start3A_70 : memref<80x16xf32, #tpu.memory_space<hbm>>) target_semaphore(%run_scoped3A : memref<!tpu.dma_semaphore, #tpu.memory_space<semaphore_mem>>)
        %dma_wait3A_71 = arith.constant 0 : i32
        %dma_wait3A_72 = tpu.memref_slice %arg4[%add3A_66, %dma_wait3A_71] : memref<166400x16xf32, #tpu.memory_space<hbm>> -> memref<80x16xf32, #tpu.memory_space<hbm>>
        %dma_wait3A_73 = arith.constant 0 : i32
        %dma_wait3A_74 = tpu.memref_slice %arg4[%add3A_66, %dma_wait3A_73] : memref<166400x16xf32, #tpu.memory_space<hbm>> -> memref<80x16xf32, #tpu.memory_space<hbm>>
        tpu.wait_dma2 semaphore(%run_scoped3A : memref<!tpu.dma_semaphore, #tpu.memory_space<semaphore_mem>>) src(%arg7 : memref<80x16xf32, #tpu.memory_space<vmem>>) dst(%dma_wait3A_74 : memref<80x16xf32, #tpu.memory_space<hbm>>)
        tpu.yield
      }) : () -> ()
    }
    %scan3A_13 = arith.constant 32 : i32
    %dma_wait3A = arith.constant 64 : i32
    %dma_wait3A_14 = arith.constant 0 : i32
    %dma_wait3A_15 = tpu.memref_slice %arg5[%dma_wait3A, %dma_wait3A_14] : memref<65x80xi32, #tpu.memory_space<vmem>> -> memref<1x80xi32, #tpu.memory_space<vmem>>
    %dma_wait3A_16 = tpu.memref_squeeze %dma_wait3A_15 : memref<1x80xi32, #tpu.memory_space<vmem>> -> memref<80xi32, #tpu.memory_space<vmem>>
    %dma_wait3A_17 = arith.constant 0 : i32
    %dma_wait3A_18 = arith.constant 0 : i32
    %dma_wait3A_19 = tpu.memref_slice %arg2[%dma_wait3A_17, %dma_wait3A_18] : memref<10000x16xf32, #tpu.memory_space<hbm>> -> memref<10000x16xf32, #tpu.memory_space<hbm>>
    tpu.wait_indirect_dma semaphore(%arg8 : memref<!tpu.dma_semaphore, #tpu.memory_space<semaphore_mem>>) src(%dma_wait3A_19 : memref<10000x16xf32, #tpu.memory_space<hbm>>) dst(%arg6 : memref<80x16xf32, #tpu.memory_space<vmem>>)
    %add3A_20 = arith.constant 5120 : i32
    %add3A_21 = arith.addi %mul3A_2, %add3A_20 : i32
    "tpu.region"() ({
      %run_scoped3A = tpu.sem_alloc : memref<!tpu.dma_semaphore, #tpu.memory_space<semaphore_mem>>
      %dma_start3A_22 = arith.constant 0 : i32
      %dma_start3A_23 = tpu.memref_slice %arg4[%add3A_21, %dma_start3A_22] : memref<166400x16xf32, #tpu.memory_space<hbm>> -> memref<80x16xf32, #tpu.memory_space<hbm>>
      %dma_start3A_24 = arith.constant 0 : i32
      %dma_start3A_25 = tpu.memref_slice %arg4[%add3A_21, %dma_start3A_24] : memref<166400x16xf32, #tpu.memory_space<hbm>> -> memref<80x16xf32, #tpu.memory_space<hbm>>
      tpu.enqueue_dma source(%arg6 : memref<80x16xf32, #tpu.memory_space<vmem>>) target(%dma_start3A_25 : memref<80x16xf32, #tpu.memory_space<hbm>>) target_semaphore(%run_scoped3A : memref<!tpu.dma_semaphore, #tpu.memory_space<semaphore_mem>>)
      %dma_wait3A_26 = arith.constant 0 : i32
      %dma_wait3A_27 = tpu.memref_slice %arg4[%add3A_21, %dma_wait3A_26] : memref<166400x16xf32, #tpu.memory_space<hbm>> -> memref<80x16xf32, #tpu.memory_space<hbm>>
      %dma_wait3A_28 = arith.constant 0 : i32
      %dma_wait3A_29 = tpu.memref_slice %arg4[%add3A_21, %dma_wait3A_28] : memref<166400x16xf32, #tpu.memory_space<hbm>> -> memref<80x16xf32, #tpu.memory_space<hbm>>
      tpu.wait_dma2 semaphore(%run_scoped3A : memref<!tpu.dma_semaphore, #tpu.memory_space<semaphore_mem>>) src(%arg6 : memref<80x16xf32, #tpu.memory_space<vmem>>) dst(%dma_wait3A_29 : memref<80x16xf32, #tpu.memory_space<hbm>>)
      tpu.yield
    }) : () -> ()
    return
  }
}

#map = affine_map<(d0, d1) -> (0, 0)>
#map1 = affine_map<(d0, d1) -> (0, 0, 0)>
module attributes {stable_mosaic.version = 14 : i64} {
  func.func @_scatter_body(%arg0: i32, %arg1: i32, %arg2: memref<153600x128xf32, #tpu.memory_space<hbm>>, %arg3: memref<32x75x64xi32, #tpu.memory_space<hbm>>, %arg4: memref<2x10000x128xf32, #tpu.memory_space<hbm>>, %arg5: memref<75x64xi32, #tpu.memory_space<vmem>>, %arg6: memref<64x128xf32, #tpu.memory_space<vmem>>, %arg7: memref<64x128xf32, #tpu.memory_space<vmem>>, %arg8: memref<125x128xf32, #tpu.memory_space<vmem>>, %arg9: memref<10000x128xf32, #tpu.memory_space<vmem_shared>>, %arg10: memref<!tpu.dma_semaphore, #tpu.memory_space<semaphore_mem>>, %arg11: memref<!tpu.dma_semaphore, #tpu.memory_space<semaphore_mem>>) attributes {dimension_semantics = [#tpu.dimension_semantics<core_parallel>, #tpu.dimension_semantics<subcore_parallel>], iteration_bounds = array<i64: 2, 16>, scalar_prefetch = 0 : i64, scratch_operands = 7 : i64, tpu.core_type = #tpu.core_type<sc_vector_subcore>, window_params = [{transform_indices = #map}, {transform_indices = #map1}, {transform_indices = #map1}]} {
    %mul3A = arith.constant 16 : i32
    %mul3A_0 = arith.muli %arg0, %mul3A : i32
    %add3A = arith.addi %mul3A_0, %arg1 : i32
    %mul3A_1 = arith.constant 4800 : i32
    %mul3A_2 = arith.muli %add3A, %mul3A_1 : i32
    %scan3A = arith.constant 0 : i32
    %scan3A_3 = arith.constant 0 : i32
    %scan3A_4 = arith.constant 125 : i32
    %scan3A_5 = arith.addi %scan3A_3, %scan3A_4 : i32
    %scan3A_6 = arith.constant 1 : i32
    scf.for %scan3A_65 = %scan3A_3 to %scan3A_5 step %scan3A_6  : i32 {
      %broadcast_in_dim3A = arith.constant 0.000000e+00 : f32
      %broadcast_in_dim3A_66 = vector.broadcast %broadcast_in_dim3A : f32 to vector<16xf32>
      %swap3A = arith.index_cast %scan3A_65 : i32 to index
      %swap3A_67 = arith.constant 0 : index
      %swap3A_68 = tpu.vector_load %arg8[%swap3A, %swap3A_67] {strides = array<i32>} : memref<125x128xf32, #tpu.memory_space<vmem>>, vector<1x16xf32>,
      %swap3A_69 = vector.shape_cast %swap3A_68 : vector<1x16xf32> to vector<16xf32>
      %swap3A_70 = vector.shape_cast %broadcast_in_dim3A_66 : vector<16xf32> to vector<1x16xf32>
      tpu.vector_store %arg8[%swap3A, %swap3A_67], %swap3A_70 {strides = array<i32>} : memref<125x128xf32, #tpu.memory_space<vmem>>, vector<1x16xf32>,
      %broadcast_in_dim3A_71 = arith.constant 0.000000e+00 : f32
      %broadcast_in_dim3A_72 = vector.broadcast %broadcast_in_dim3A_71 : f32 to vector<16xf32>
      %swap3A_73 = arith.index_cast %scan3A_65 : i32 to index
      %swap3A_74 = arith.constant 16 : index
      %swap3A_75 = tpu.vector_load %arg8[%swap3A_73, %swap3A_74] {strides = array<i32>} : memref<125x128xf32, #tpu.memory_space<vmem>>, vector<1x16xf32>,
      %swap3A_76 = vector.shape_cast %swap3A_75 : vector<1x16xf32> to vector<16xf32>
      %swap3A_77 = vector.shape_cast %broadcast_in_dim3A_72 : vector<16xf32> to vector<1x16xf32>
      tpu.vector_store %arg8[%swap3A_73, %swap3A_74], %swap3A_77 {strides = array<i32>} : memref<125x128xf32, #tpu.memory_space<vmem>>, vector<1x16xf32>,
      %broadcast_in_dim3A_78 = arith.constant 0.000000e+00 : f32
      %broadcast_in_dim3A_79 = vector.broadcast %broadcast_in_dim3A_78 : f32 to vector<16xf32>
      %swap3A_80 = arith.index_cast %scan3A_65 : i32 to index
      %swap3A_81 = arith.constant 32 : index
      %swap3A_82 = tpu.vector_load %arg8[%swap3A_80, %swap3A_81] {strides = array<i32>} : memref<125x128xf32, #tpu.memory_space<vmem>>, vector<1x16xf32>,
      %swap3A_83 = vector.shape_cast %swap3A_82 : vector<1x16xf32> to vector<16xf32>
      %swap3A_84 = vector.shape_cast %broadcast_in_dim3A_79 : vector<16xf32> to vector<1x16xf32>
      tpu.vector_store %arg8[%swap3A_80, %swap3A_81], %swap3A_84 {strides = array<i32>} : memref<125x128xf32, #tpu.memory_space<vmem>>, vector<1x16xf32>,
      %broadcast_in_dim3A_85 = arith.constant 0.000000e+00 : f32
      %broadcast_in_dim3A_86 = vector.broadcast %broadcast_in_dim3A_85 : f32 to vector<16xf32>
      %swap3A_87 = arith.index_cast %scan3A_65 : i32 to index
      %swap3A_88 = arith.constant 48 : index
      %swap3A_89 = tpu.vector_load %arg8[%swap3A_87, %swap3A_88] {strides = array<i32>} : memref<125x128xf32, #tpu.memory_space<vmem>>, vector<1x16xf32>,
      %swap3A_90 = vector.shape_cast %swap3A_89 : vector<1x16xf32> to vector<16xf32>
      %swap3A_91 = vector.shape_cast %broadcast_in_dim3A_86 : vector<16xf32> to vector<1x16xf32>
      tpu.vector_store %arg8[%swap3A_87, %swap3A_88], %swap3A_91 {strides = array<i32>} : memref<125x128xf32, #tpu.memory_space<vmem>>, vector<1x16xf32>,
      %broadcast_in_dim3A_92 = arith.constant 0.000000e+00 : f32
      %broadcast_in_dim3A_93 = vector.broadcast %broadcast_in_dim3A_92 : f32 to vector<16xf32>
      %swap3A_94 = arith.index_cast %scan3A_65 : i32 to index
      %swap3A_95 = arith.constant 64 : index
      %swap3A_96 = tpu.vector_load %arg8[%swap3A_94, %swap3A_95] {strides = array<i32>} : memref<125x128xf32, #tpu.memory_space<vmem>>, vector<1x16xf32>,
      %swap3A_97 = vector.shape_cast %swap3A_96 : vector<1x16xf32> to vector<16xf32>
      %swap3A_98 = vector.shape_cast %broadcast_in_dim3A_93 : vector<16xf32> to vector<1x16xf32>
      tpu.vector_store %arg8[%swap3A_94, %swap3A_95], %swap3A_98 {strides = array<i32>} : memref<125x128xf32, #tpu.memory_space<vmem>>, vector<1x16xf32>,
      %broadcast_in_dim3A_99 = arith.constant 0.000000e+00 : f32
      %broadcast_in_dim3A_100 = vector.broadcast %broadcast_in_dim3A_99 : f32 to vector<16xf32>
      %swap3A_101 = arith.index_cast %scan3A_65 : i32 to index
      %swap3A_102 = arith.constant 80 : index
      %swap3A_103 = tpu.vector_load %arg8[%swap3A_101, %swap3A_102] {strides = array<i32>} : memref<125x128xf32, #tpu.memory_space<vmem>>, vector<1x16xf32>,
      %swap3A_104 = vector.shape_cast %swap3A_103 : vector<1x16xf32> to vector<16xf32>
      %swap3A_105 = vector.shape_cast %broadcast_in_dim3A_100 : vector<16xf32> to vector<1x16xf32>
      tpu.vector_store %arg8[%swap3A_101, %swap3A_102], %swap3A_105 {strides = array<i32>} : memref<125x128xf32, #tpu.memory_space<vmem>>, vector<1x16xf32>,
      %broadcast_in_dim3A_106 = arith.constant 0.000000e+00 : f32
      %broadcast_in_dim3A_107 = vector.broadcast %broadcast_in_dim3A_106 : f32 to vector<16xf32>
      %swap3A_108 = arith.index_cast %scan3A_65 : i32 to index
      %swap3A_109 = arith.constant 96 : index
      %swap3A_110 = tpu.vector_load %arg8[%swap3A_108, %swap3A_109] {strides = array<i32>} : memref<125x128xf32, #tpu.memory_space<vmem>>, vector<1x16xf32>,
      %swap3A_111 = vector.shape_cast %swap3A_110 : vector<1x16xf32> to vector<16xf32>
      %swap3A_112 = vector.shape_cast %broadcast_in_dim3A_107 : vector<16xf32> to vector<1x16xf32>
      tpu.vector_store %arg8[%swap3A_108, %swap3A_109], %swap3A_112 {strides = array<i32>} : memref<125x128xf32, #tpu.memory_space<vmem>>, vector<1x16xf32>,
      %broadcast_in_dim3A_113 = arith.constant 0.000000e+00 : f32
      %broadcast_in_dim3A_114 = vector.broadcast %broadcast_in_dim3A_113 : f32 to vector<16xf32>
      %swap3A_115 = arith.index_cast %scan3A_65 : i32 to index
      %swap3A_116 = arith.constant 112 : index
      %swap3A_117 = tpu.vector_load %arg8[%swap3A_115, %swap3A_116] {strides = array<i32>} : memref<125x128xf32, #tpu.memory_space<vmem>>, vector<1x16xf32>,
      %swap3A_118 = vector.shape_cast %swap3A_117 : vector<1x16xf32> to vector<16xf32>
      %swap3A_119 = vector.shape_cast %broadcast_in_dim3A_114 : vector<16xf32> to vector<1x16xf32>
      tpu.vector_store %arg8[%swap3A_115, %swap3A_116], %swap3A_119 {strides = array<i32>} : memref<125x128xf32, #tpu.memory_space<vmem>>, vector<1x16xf32>,
    }
    %scan3A_7 = arith.constant 125 : i32
    %mul3A_8 = arith.constant 625 : i32
    %mul3A_9 = arith.muli %arg1, %mul3A_8 : i32
    %add3A_10 = arith.constant 0 : i32
    %add3A_11 = arith.addi %mul3A_9, %add3A_10 : i32
    "tpu.region"() ({
      %run_scoped3A_65 = tpu.sem_alloc : memref<!tpu.dma_semaphore, #tpu.memory_space<semaphore_mem>>
      %dma_start3A_66 = arith.constant 0 : i32
      %dma_start3A_67 = tpu.memref_slice %arg9[%add3A_11, %dma_start3A_66] : memref<10000x128xf32, #tpu.memory_space<vmem_shared>> -> memref<125x128xf32, #tpu.memory_space<vmem_shared>>
      %dma_start3A_68 = arith.constant 0 : i32
      %dma_start3A_69 = tpu.memref_slice %arg9[%add3A_11, %dma_start3A_68] : memref<10000x128xf32, #tpu.memory_space<vmem_shared>> -> memref<125x128xf32, #tpu.memory_space<vmem_shared>>
      tpu.enqueue_dma source(%arg8 : memref<125x128xf32, #tpu.memory_space<vmem>>) target(%dma_start3A_69 : memref<125x128xf32, #tpu.memory_space<vmem_shared>>) target_semaphore(%run_scoped3A_65 : memref<!tpu.dma_semaphore, #tpu.memory_space<semaphore_mem>>)
      %dma_wait3A_70 = arith.constant 0 : i32
      %dma_wait3A_71 = tpu.memref_slice %arg9[%add3A_11, %dma_wait3A_70] : memref<10000x128xf32, #tpu.memory_space<vmem_shared>> -> memref<125x128xf32, #tpu.memory_space<vmem_shared>>
      %dma_wait3A_72 = arith.constant 0 : i32
      %dma_wait3A_73 = tpu.memref_slice %arg9[%add3A_11, %dma_wait3A_72] : memref<10000x128xf32, #tpu.memory_space<vmem_shared>> -> memref<125x128xf32, #tpu.memory_space<vmem_shared>>
      tpu.wait_dma2 semaphore(%run_scoped3A_65 : memref<!tpu.dma_semaphore, #tpu.memory_space<semaphore_mem>>) src(%arg8 : memref<125x128xf32, #tpu.memory_space<vmem>>) dst(%dma_wait3A_73 : memref<125x128xf32, #tpu.memory_space<vmem_shared>>)
      tpu.yield
    }) : () -> ()
    %mul3A_12 = arith.constant 625 : i32
    %mul3A_13 = arith.muli %arg1, %mul3A_12 : i32
    %add3A_14 = arith.constant 125 : i32
    %add3A_15 = arith.addi %mul3A_13, %add3A_14 : i32
    "tpu.region"() ({
      %run_scoped3A_65 = tpu.sem_alloc : memref<!tpu.dma_semaphore, #tpu.memory_space<semaphore_mem>>
      %dma_start3A_66 = arith.constant 0 : i32
      %dma_start3A_67 = tpu.memref_slice %arg9[%add3A_15, %dma_start3A_66] : memref<10000x128xf32, #tpu.memory_space<vmem_shared>> -> memref<125x128xf32, #tpu.memory_space<vmem_shared>>
      %dma_start3A_68 = arith.constant 0 : i32
      %dma_start3A_69 = tpu.memref_slice %arg9[%add3A_15, %dma_start3A_68] : memref<10000x128xf32, #tpu.memory_space<vmem_shared>> -> memref<125x128xf32, #tpu.memory_space<vmem_shared>>
      tpu.enqueue_dma source(%arg8 : memref<125x128xf32, #tpu.memory_space<vmem>>) target(%dma_start3A_69 : memref<125x128xf32, #tpu.memory_space<vmem_shared>>) target_semaphore(%run_scoped3A_65 : memref<!tpu.dma_semaphore, #tpu.memory_space<semaphore_mem>>)
      %dma_wait3A_70 = arith.constant 0 : i32
      %dma_wait3A_71 = tpu.memref_slice %arg9[%add3A_15, %dma_wait3A_70] : memref<10000x128xf32, #tpu.memory_space<vmem_shared>> -> memref<125x128xf32, #tpu.memory_space<vmem_shared>>
      %dma_wait3A_72 = arith.constant 0 : i32
      %dma_wait3A_73 = tpu.memref_slice %arg9[%add3A_15, %dma_wait3A_72] : memref<10000x128xf32, #tpu.memory_space<vmem_shared>> -> memref<125x128xf32, #tpu.memory_space<vmem_shared>>
      tpu.wait_dma2 semaphore(%run_scoped3A_65 : memref<!tpu.dma_semaphore, #tpu.memory_space<semaphore_mem>>) src(%arg8 : memref<125x128xf32, #tpu.memory_space<vmem>>) dst(%dma_wait3A_73 : memref<125x128xf32, #tpu.memory_space<vmem_shared>>)
      tpu.yield
    }) : () -> ()
    %mul3A_16 = arith.constant 625 : i32
    %mul3A_17 = arith.muli %arg1, %mul3A_16 : i32
    %add3A_18 = arith.constant 250 : i32
    %add3A_19 = arith.addi %mul3A_17, %add3A_18 : i32
    "tpu.region"() ({
      %run_scoped3A_65 = tpu.sem_alloc : memref<!tpu.dma_semaphore, #tpu.memory_space<semaphore_mem>>
      %dma_start3A_66 = arith.constant 0 : i32
      %dma_start3A_67 = tpu.memref_slice %arg9[%add3A_19, %dma_start3A_66] : memref<10000x128xf32, #tpu.memory_space<vmem_shared>> -> memref<125x128xf32, #tpu.memory_space<vmem_shared>>
      %dma_start3A_68 = arith.constant 0 : i32
      %dma_start3A_69 = tpu.memref_slice %arg9[%add3A_19, %dma_start3A_68] : memref<10000x128xf32, #tpu.memory_space<vmem_shared>> -> memref<125x128xf32, #tpu.memory_space<vmem_shared>>
      tpu.enqueue_dma source(%arg8 : memref<125x128xf32, #tpu.memory_space<vmem>>) target(%dma_start3A_69 : memref<125x128xf32, #tpu.memory_space<vmem_shared>>) target_semaphore(%run_scoped3A_65 : memref<!tpu.dma_semaphore, #tpu.memory_space<semaphore_mem>>)
      %dma_wait3A_70 = arith.constant 0 : i32
      %dma_wait3A_71 = tpu.memref_slice %arg9[%add3A_19, %dma_wait3A_70] : memref<10000x128xf32, #tpu.memory_space<vmem_shared>> -> memref<125x128xf32, #tpu.memory_space<vmem_shared>>
      %dma_wait3A_72 = arith.constant 0 : i32
      %dma_wait3A_73 = tpu.memref_slice %arg9[%add3A_19, %dma_wait3A_72] : memref<10000x128xf32, #tpu.memory_space<vmem_shared>> -> memref<125x128xf32, #tpu.memory_space<vmem_shared>>
      tpu.wait_dma2 semaphore(%run_scoped3A_65 : memref<!tpu.dma_semaphore, #tpu.memory_space<semaphore_mem>>) src(%arg8 : memref<125x128xf32, #tpu.memory_space<vmem>>) dst(%dma_wait3A_73 : memref<125x128xf32, #tpu.memory_space<vmem_shared>>)
      tpu.yield
    }) : () -> ()
    %mul3A_20 = arith.constant 625 : i32
    %mul3A_21 = arith.muli %arg1, %mul3A_20 : i32
    %add3A_22 = arith.constant 375 : i32
    %add3A_23 = arith.addi %mul3A_21, %add3A_22 : i32
    "tpu.region"() ({
      %run_scoped3A_65 = tpu.sem_alloc : memref<!tpu.dma_semaphore, #tpu.memory_space<semaphore_mem>>
      %dma_start3A_66 = arith.constant 0 : i32
      %dma_start3A_67 = tpu.memref_slice %arg9[%add3A_23, %dma_start3A_66] : memref<10000x128xf32, #tpu.memory_space<vmem_shared>> -> memref<125x128xf32, #tpu.memory_space<vmem_shared>>
      %dma_start3A_68 = arith.constant 0 : i32
      %dma_start3A_69 = tpu.memref_slice %arg9[%add3A_23, %dma_start3A_68] : memref<10000x128xf32, #tpu.memory_space<vmem_shared>> -> memref<125x128xf32, #tpu.memory_space<vmem_shared>>
      tpu.enqueue_dma source(%arg8 : memref<125x128xf32, #tpu.memory_space<vmem>>) target(%dma_start3A_69 : memref<125x128xf32, #tpu.memory_space<vmem_shared>>) target_semaphore(%run_scoped3A_65 : memref<!tpu.dma_semaphore, #tpu.memory_space<semaphore_mem>>)
      %dma_wait3A_70 = arith.constant 0 : i32
      %dma_wait3A_71 = tpu.memref_slice %arg9[%add3A_23, %dma_wait3A_70] : memref<10000x128xf32, #tpu.memory_space<vmem_shared>> -> memref<125x128xf32, #tpu.memory_space<vmem_shared>>
      %dma_wait3A_72 = arith.constant 0 : i32
      %dma_wait3A_73 = tpu.memref_slice %arg9[%add3A_23, %dma_wait3A_72] : memref<10000x128xf32, #tpu.memory_space<vmem_shared>> -> memref<125x128xf32, #tpu.memory_space<vmem_shared>>
      tpu.wait_dma2 semaphore(%run_scoped3A_65 : memref<!tpu.dma_semaphore, #tpu.memory_space<semaphore_mem>>) src(%arg8 : memref<125x128xf32, #tpu.memory_space<vmem>>) dst(%dma_wait3A_73 : memref<125x128xf32, #tpu.memory_space<vmem_shared>>)
      tpu.yield
    }) : () -> ()
    %mul3A_24 = arith.constant 625 : i32
    %mul3A_25 = arith.muli %arg1, %mul3A_24 : i32
    %add3A_26 = arith.constant 500 : i32
    %add3A_27 = arith.addi %mul3A_25, %add3A_26 : i32
    "tpu.region"() ({
      %run_scoped3A_65 = tpu.sem_alloc : memref<!tpu.dma_semaphore, #tpu.memory_space<semaphore_mem>>
      %dma_start3A_66 = arith.constant 0 : i32
      %dma_start3A_67 = tpu.memref_slice %arg9[%add3A_27, %dma_start3A_66] : memref<10000x128xf32, #tpu.memory_space<vmem_shared>> -> memref<125x128xf32, #tpu.memory_space<vmem_shared>>
      %dma_start3A_68 = arith.constant 0 : i32
      %dma_start3A_69 = tpu.memref_slice %arg9[%add3A_27, %dma_start3A_68] : memref<10000x128xf32, #tpu.memory_space<vmem_shared>> -> memref<125x128xf32, #tpu.memory_space<vmem_shared>>
      tpu.enqueue_dma source(%arg8 : memref<125x128xf32, #tpu.memory_space<vmem>>) target(%dma_start3A_69 : memref<125x128xf32, #tpu.memory_space<vmem_shared>>) target_semaphore(%run_scoped3A_65 : memref<!tpu.dma_semaphore, #tpu.memory_space<semaphore_mem>>)
      %dma_wait3A_70 = arith.constant 0 : i32
      %dma_wait3A_71 = tpu.memref_slice %arg9[%add3A_27, %dma_wait3A_70] : memref<10000x128xf32, #tpu.memory_space<vmem_shared>> -> memref<125x128xf32, #tpu.memory_space<vmem_shared>>
      %dma_wait3A_72 = arith.constant 0 : i32
      %dma_wait3A_73 = tpu.memref_slice %arg9[%add3A_27, %dma_wait3A_72] : memref<10000x128xf32, #tpu.memory_space<vmem_shared>> -> memref<125x128xf32, #tpu.memory_space<vmem_shared>>
      tpu.wait_dma2 semaphore(%run_scoped3A_65 : memref<!tpu.dma_semaphore, #tpu.memory_space<semaphore_mem>>) src(%arg8 : memref<125x128xf32, #tpu.memory_space<vmem>>) dst(%dma_wait3A_73 : memref<125x128xf32, #tpu.memory_space<vmem_shared>>)
      tpu.yield
    }) : () -> ()
    "tpu.region"() ({
      %run_scoped3A_65 = tpu.sem_alloc : memref<!tpu.dma_semaphore, #tpu.memory_space<semaphore_mem>>
      %dma_start3A_66 = arith.constant 0 : i32
      %dma_start3A_67 = arith.constant 0 : i32
      %dma_start3A_68 = tpu.memref_slice %arg3[%add3A, %dma_start3A_66, %dma_start3A_67] : memref<32x75x64xi32, #tpu.memory_space<hbm>> -> memref<1x75x64xi32, #tpu.memory_space<hbm>>
      %dma_start3A_69 = tpu.memref_squeeze %dma_start3A_68 : memref<1x75x64xi32, #tpu.memory_space<hbm>> -> memref<75x64xi32, #tpu.memory_space<hbm>>
      %dma_start3A_70 = arith.constant 0 : i32
      %dma_start3A_71 = arith.constant 0 : i32
      %dma_start3A_72 = tpu.memref_slice %arg3[%add3A, %dma_start3A_70, %dma_start3A_71] : memref<32x75x64xi32, #tpu.memory_space<hbm>> -> memref<1x75x64xi32, #tpu.memory_space<hbm>>
      %dma_start3A_73 = tpu.memref_squeeze %dma_start3A_72 : memref<1x75x64xi32, #tpu.memory_space<hbm>> -> memref<75x64xi32, #tpu.memory_space<hbm>>
      tpu.enqueue_dma source(%dma_start3A_73 : memref<75x64xi32, #tpu.memory_space<hbm>>) target(%arg5 : memref<75x64xi32, #tpu.memory_space<vmem>>) target_semaphore(%run_scoped3A_65 : memref<!tpu.dma_semaphore, #tpu.memory_space<semaphore_mem>>)
      %dma_wait3A_74 = arith.constant 0 : i32
      %dma_wait3A_75 = arith.constant 0 : i32
      %dma_wait3A_76 = tpu.memref_slice %arg3[%add3A, %dma_wait3A_74, %dma_wait3A_75] : memref<32x75x64xi32, #tpu.memory_space<hbm>> -> memref<1x75x64xi32, #tpu.memory_space<hbm>>
      %dma_wait3A_77 = tpu.memref_squeeze %dma_wait3A_76 : memref<1x75x64xi32, #tpu.memory_space<hbm>> -> memref<75x64xi32, #tpu.memory_space<hbm>>
      %dma_wait3A_78 = arith.constant 0 : i32
      %dma_wait3A_79 = arith.constant 0 : i32
      %dma_wait3A_80 = tpu.memref_slice %arg3[%add3A, %dma_wait3A_78, %dma_wait3A_79] : memref<32x75x64xi32, #tpu.memory_space<hbm>> -> memref<1x75x64xi32, #tpu.memory_space<hbm>>
      %dma_wait3A_81 = tpu.memref_squeeze %dma_wait3A_80 : memref<1x75x64xi32, #tpu.memory_space<hbm>> -> memref<75x64xi32, #tpu.memory_space<hbm>>
      tpu.wait_dma2 semaphore(%run_scoped3A_65 : memref<!tpu.dma_semaphore, #tpu.memory_space<semaphore_mem>>) src(%dma_wait3A_81 : memref<75x64xi32, #tpu.memory_space<hbm>>) dst(%arg5 : memref<75x64xi32, #tpu.memory_space<vmem>>)
      tpu.yield
    }) : () -> ()
    %barrier3A = arith.constant 0 : index
    tpu.barrier barrier_id(%barrier3A)
    %add3A_28 = arith.constant 0 : i32
    %add3A_29 = arith.addi %mul3A_2, %add3A_28 : i32
    %dma_start3A = arith.constant 0 : i32
    %dma_start3A_30 = tpu.memref_slice %arg2[%add3A_29, %dma_start3A] : memref<153600x128xf32, #tpu.memory_space<hbm>> -> memref<64x128xf32, #tpu.memory_space<hbm>>
    %dma_start3A_31 = arith.constant 0 : i32
    %dma_start3A_32 = tpu.memref_slice %arg2[%add3A_29, %dma_start3A_31] : memref<153600x128xf32, #tpu.memory_space<hbm>> -> memref<64x128xf32, #tpu.memory_space<hbm>>
    tpu.enqueue_dma source(%dma_start3A_32 : memref<64x128xf32, #tpu.memory_space<hbm>>) target(%arg6 : memref<64x128xf32, #tpu.memory_space<vmem>>) target_semaphore(%arg10 : memref<!tpu.dma_semaphore, #tpu.memory_space<semaphore_mem>>)
    %scan3A_33 = arith.constant 0 : i32
    %scan3A_34 = arith.constant 0 : i32
    %scan3A_35 = arith.constant 37 : i32
    %scan3A_36 = arith.addi %scan3A_34, %scan3A_35 : i32
    %scan3A_37 = arith.constant 1 : i32
    scf.for %scan3A_65 = %scan3A_34 to %scan3A_36 step %scan3A_37  : i32 {
      %mul3A_66 = arith.constant 2 : i32
      %mul3A_67 = arith.muli %mul3A_66, %scan3A_65 : i32
      %add3A_68 = arith.constant 1 : i32
      %add3A_69 = arith.addi %mul3A_67, %add3A_68 : i32
      %mul3A_70 = arith.constant 64 : i32
      %mul3A_71 = arith.muli %add3A_69, %mul3A_70 : i32
      %add3A_72 = arith.addi %mul3A_2, %mul3A_71 : i32
      %dma_start3A_73 = arith.constant 0 : i32
      %dma_start3A_74 = tpu.memref_slice %arg2[%add3A_72, %dma_start3A_73] : memref<153600x128xf32, #tpu.memory_space<hbm>> -> memref<64x128xf32, #tpu.memory_space<hbm>>
      %dma_start3A_75 = arith.constant 0 : i32
      %dma_start3A_76 = tpu.memref_slice %arg2[%add3A_72, %dma_start3A_75] : memref<153600x128xf32, #tpu.memory_space<hbm>> -> memref<64x128xf32, #tpu.memory_space<hbm>>
      tpu.enqueue_dma source(%dma_start3A_76 : memref<64x128xf32, #tpu.memory_space<hbm>>) target(%arg7 : memref<64x128xf32, #tpu.memory_space<vmem>>) target_semaphore(%arg11 : memref<!tpu.dma_semaphore, #tpu.memory_space<semaphore_mem>>)
      %mul3A_77 = arith.constant 2 : i32
      %mul3A_78 = arith.muli %mul3A_77, %scan3A_65 : i32
      %mul3A_79 = arith.constant 64 : i32
      %mul3A_80 = arith.muli %mul3A_78, %mul3A_79 : i32
      %add3A_81 = arith.addi %mul3A_2, %mul3A_80 : i32
      %dma_wait3A_82 = arith.constant 0 : i32
      %dma_wait3A_83 = tpu.memref_slice %arg2[%add3A_81, %dma_wait3A_82] : memref<153600x128xf32, #tpu.memory_space<hbm>> -> memref<64x128xf32, #tpu.memory_space<hbm>>
      %dma_wait3A_84 = arith.constant 0 : i32
      %dma_wait3A_85 = tpu.memref_slice %arg2[%add3A_81, %dma_wait3A_84] : memref<153600x128xf32, #tpu.memory_space<hbm>> -> memref<64x128xf32, #tpu.memory_space<hbm>>
      tpu.wait_dma2 semaphore(%arg10 : memref<!tpu.dma_semaphore, #tpu.memory_space<semaphore_mem>>) src(%dma_wait3A_85 : memref<64x128xf32, #tpu.memory_space<hbm>>) dst(%arg6 : memref<64x128xf32, #tpu.memory_space<vmem>>)
      "tpu.region"() ({
        %run_scoped3A_108 = tpu.sem_alloc : memref<!tpu.dma_semaphore, #tpu.memory_space<semaphore_mem>>
        %dma_start3A_109 = arith.constant 0 : i32
        %dma_start3A_110 = tpu.memref_slice %arg5[%mul3A_78, %dma_start3A_109] : memref<75x64xi32, #tpu.memory_space<vmem>> -> memref<1x64xi32, #tpu.memory_space<vmem>>
        %dma_start3A_111 = tpu.memref_squeeze %dma_start3A_110 : memref<1x64xi32, #tpu.memory_space<vmem>> -> memref<64xi32, #tpu.memory_space<vmem>>
        %dma_start3A_112 = arith.constant 0 : i32
        %dma_start3A_113 = arith.constant 0 : i32
        %dma_start3A_114 = tpu.memref_slice %arg9[%dma_start3A_112, %dma_start3A_113] : memref<10000x128xf32, #tpu.memory_space<vmem_shared>> -> memref<10000x128xf32, #tpu.memory_space<vmem_shared>>
        tpu.enqueue_indirect_dma source(%arg6 : memref<64x128xf32, #tpu.memory_space<vmem>>) target(%dma_start3A_114 : memref<10000x128xf32, #tpu.memory_space<vmem_shared>>) offsets(%dma_start3A_111 : memref<64xi32, #tpu.memory_space<vmem>>) semaphore(%run_scoped3A_108 : memref<!tpu.dma_semaphore, #tpu.memory_space<semaphore_mem>>) {add = true}
        %dma_wait3A_115 = arith.constant 0 : i32
        %dma_wait3A_116 = tpu.memref_slice %arg5[%mul3A_78, %dma_wait3A_115] : memref<75x64xi32, #tpu.memory_space<vmem>> -> memref<1x64xi32, #tpu.memory_space<vmem>>
        %dma_wait3A_117 = tpu.memref_squeeze %dma_wait3A_116 : memref<1x64xi32, #tpu.memory_space<vmem>> -> memref<64xi32, #tpu.memory_space<vmem>>
        %dma_wait3A_118 = arith.constant 0 : i32
        %dma_wait3A_119 = arith.constant 0 : i32
        %dma_wait3A_120 = tpu.memref_slice %arg9[%dma_wait3A_118, %dma_wait3A_119] : memref<10000x128xf32, #tpu.memory_space<vmem_shared>> -> memref<10000x128xf32, #tpu.memory_space<vmem_shared>>
        tpu.wait_indirect_dma semaphore(%run_scoped3A_108 : memref<!tpu.dma_semaphore, #tpu.memory_space<semaphore_mem>>) src(%arg6 : memref<64x128xf32, #tpu.memory_space<vmem>>) dst(%dma_wait3A_120 : memref<10000x128xf32, #tpu.memory_space<vmem_shared>>)
        tpu.yield
      }) : () -> ()
      %mul3A_86 = arith.constant 2 : i32
      %mul3A_87 = arith.muli %mul3A_86, %scan3A_65 : i32
      %add3A_88 = arith.constant 2 : i32
      %add3A_89 = arith.addi %mul3A_87, %add3A_88 : i32
      %mul3A_90 = arith.constant 64 : i32
      %mul3A_91 = arith.muli %add3A_89, %mul3A_90 : i32
      %add3A_92 = arith.addi %mul3A_2, %mul3A_91 : i32
      %dma_start3A_93 = arith.constant 0 : i32
      %dma_start3A_94 = tpu.memref_slice %arg2[%add3A_92, %dma_start3A_93] : memref<153600x128xf32, #tpu.memory_space<hbm>> -> memref<64x128xf32, #tpu.memory_space<hbm>>
      %dma_start3A_95 = arith.constant 0 : i32
      %dma_start3A_96 = tpu.memref_slice %arg2[%add3A_92, %dma_start3A_95] : memref<153600x128xf32, #tpu.memory_space<hbm>> -> memref<64x128xf32, #tpu.memory_space<hbm>>
      tpu.enqueue_dma source(%dma_start3A_96 : memref<64x128xf32, #tpu.memory_space<hbm>>) target(%arg6 : memref<64x128xf32, #tpu.memory_space<vmem>>) target_semaphore(%arg10 : memref<!tpu.dma_semaphore, #tpu.memory_space<semaphore_mem>>)
      %mul3A_97 = arith.constant 2 : i32
      %mul3A_98 = arith.muli %mul3A_97, %scan3A_65 : i32
      %add3A_99 = arith.constant 1 : i32
      %add3A_100 = arith.addi %mul3A_98, %add3A_99 : i32
      %mul3A_101 = arith.constant 64 : i32
      %mul3A_102 = arith.muli %add3A_100, %mul3A_101 : i32
      %add3A_103 = arith.addi %mul3A_2, %mul3A_102 : i32
      %dma_wait3A_104 = arith.constant 0 : i32
      %dma_wait3A_105 = tpu.memref_slice %arg2[%add3A_103, %dma_wait3A_104] : memref<153600x128xf32, #tpu.memory_space<hbm>> -> memref<64x128xf32, #tpu.memory_space<hbm>>
      %dma_wait3A_106 = arith.constant 0 : i32
      %dma_wait3A_107 = tpu.memref_slice %arg2[%add3A_103, %dma_wait3A_106] : memref<153600x128xf32, #tpu.memory_space<hbm>> -> memref<64x128xf32, #tpu.memory_space<hbm>>
      tpu.wait_dma2 semaphore(%arg11 : memref<!tpu.dma_semaphore, #tpu.memory_space<semaphore_mem>>) src(%dma_wait3A_107 : memref<64x128xf32, #tpu.memory_space<hbm>>) dst(%arg7 : memref<64x128xf32, #tpu.memory_space<vmem>>)
      "tpu.region"() ({
        %run_scoped3A_108 = tpu.sem_alloc : memref<!tpu.dma_semaphore, #tpu.memory_space<semaphore_mem>>
        %dma_start3A_109 = arith.constant 0 : i32
        %dma_start3A_110 = tpu.memref_slice %arg5[%add3A_100, %dma_start3A_109] : memref<75x64xi32, #tpu.memory_space<vmem>> -> memref<1x64xi32, #tpu.memory_space<vmem>>
        %dma_start3A_111 = tpu.memref_squeeze %dma_start3A_110 : memref<1x64xi32, #tpu.memory_space<vmem>> -> memref<64xi32, #tpu.memory_space<vmem>>
        %dma_start3A_112 = arith.constant 0 : i32
        %dma_start3A_113 = arith.constant 0 : i32
        %dma_start3A_114 = tpu.memref_slice %arg9[%dma_start3A_112, %dma_start3A_113] : memref<10000x128xf32, #tpu.memory_space<vmem_shared>> -> memref<10000x128xf32, #tpu.memory_space<vmem_shared>>
        tpu.enqueue_indirect_dma source(%arg7 : memref<64x128xf32, #tpu.memory_space<vmem>>) target(%dma_start3A_114 : memref<10000x128xf32, #tpu.memory_space<vmem_shared>>) offsets(%dma_start3A_111 : memref<64xi32, #tpu.memory_space<vmem>>) semaphore(%run_scoped3A_108 : memref<!tpu.dma_semaphore, #tpu.memory_space<semaphore_mem>>) {add = true}
        %dma_wait3A_115 = arith.constant 0 : i32
        %dma_wait3A_116 = tpu.memref_slice %arg5[%add3A_100, %dma_wait3A_115] : memref<75x64xi32, #tpu.memory_space<vmem>> -> memref<1x64xi32, #tpu.memory_space<vmem>>
        %dma_wait3A_117 = tpu.memref_squeeze %dma_wait3A_116 : memref<1x64xi32, #tpu.memory_space<vmem>> -> memref<64xi32, #tpu.memory_space<vmem>>
        %dma_wait3A_118 = arith.constant 0 : i32
        %dma_wait3A_119 = arith.constant 0 : i32
        %dma_wait3A_120 = tpu.memref_slice %arg9[%dma_wait3A_118, %dma_wait3A_119] : memref<10000x128xf32, #tpu.memory_space<vmem_shared>> -> memref<10000x128xf32, #tpu.memory_space<vmem_shared>>
        tpu.wait_indirect_dma semaphore(%run_scoped3A_108 : memref<!tpu.dma_semaphore, #tpu.memory_space<semaphore_mem>>) src(%arg7 : memref<64x128xf32, #tpu.memory_space<vmem>>) dst(%dma_wait3A_120 : memref<10000x128xf32, #tpu.memory_space<vmem_shared>>)
        tpu.yield
      }) : () -> ()
    }
    %scan3A_38 = arith.constant 37 : i32
    %add3A_39 = arith.constant 4736 : i32
    %add3A_40 = arith.addi %mul3A_2, %add3A_39 : i32
    %dma_wait3A = arith.constant 0 : i32
    %dma_wait3A_41 = tpu.memref_slice %arg2[%add3A_40, %dma_wait3A] : memref<153600x128xf32, #tpu.memory_space<hbm>> -> memref<64x128xf32, #tpu.memory_space<hbm>>
    %dma_wait3A_42 = arith.constant 0 : i32
    %dma_wait3A_43 = tpu.memref_slice %arg2[%add3A_40, %dma_wait3A_42] : memref<153600x128xf32, #tpu.memory_space<hbm>> -> memref<64x128xf32, #tpu.memory_space<hbm>>
    tpu.wait_dma2 semaphore(%arg10 : memref<!tpu.dma_semaphore, #tpu.memory_space<semaphore_mem>>) src(%dma_wait3A_43 : memref<64x128xf32, #tpu.memory_space<hbm>>) dst(%arg6 : memref<64x128xf32, #tpu.memory_space<vmem>>)
    %run_scoped3A = arith.constant 74 : i32
    "tpu.region"() ({
      %run_scoped3A_65 = tpu.sem_alloc : memref<!tpu.dma_semaphore, #tpu.memory_space<semaphore_mem>>
      %dma_start3A_66 = arith.constant 0 : i32
      %dma_start3A_67 = tpu.memref_slice %arg5[%run_scoped3A, %dma_start3A_66] : memref<75x64xi32, #tpu.memory_space<vmem>> -> memref<1x64xi32, #tpu.memory_space<vmem>>
      %dma_start3A_68 = tpu.memref_squeeze %dma_start3A_67 : memref<1x64xi32, #tpu.memory_space<vmem>> -> memref<64xi32, #tpu.memory_space<vmem>>
      %dma_start3A_69 = arith.constant 0 : i32
      %dma_start3A_70 = arith.constant 0 : i32
      %dma_start3A_71 = tpu.memref_slice %arg9[%dma_start3A_69, %dma_start3A_70] : memref<10000x128xf32, #tpu.memory_space<vmem_shared>> -> memref<10000x128xf32, #tpu.memory_space<vmem_shared>>
      tpu.enqueue_indirect_dma source(%arg6 : memref<64x128xf32, #tpu.memory_space<vmem>>) target(%dma_start3A_71 : memref<10000x128xf32, #tpu.memory_space<vmem_shared>>) offsets(%dma_start3A_68 : memref<64xi32, #tpu.memory_space<vmem>>) semaphore(%run_scoped3A_65 : memref<!tpu.dma_semaphore, #tpu.memory_space<semaphore_mem>>) {add = true}
      %dma_wait3A_72 = arith.constant 0 : i32
      %dma_wait3A_73 = tpu.memref_slice %arg5[%run_scoped3A, %dma_wait3A_72] : memref<75x64xi32, #tpu.memory_space<vmem>> -> memref<1x64xi32, #tpu.memory_space<vmem>>
      %dma_wait3A_74 = tpu.memref_squeeze %dma_wait3A_73 : memref<1x64xi32, #tpu.memory_space<vmem>> -> memref<64xi32, #tpu.memory_space<vmem>>
      %dma_wait3A_75 = arith.constant 0 : i32
      %dma_wait3A_76 = arith.constant 0 : i32
      %dma_wait3A_77 = tpu.memref_slice %arg9[%dma_wait3A_75, %dma_wait3A_76] : memref<10000x128xf32, #tpu.memory_space<vmem_shared>> -> memref<10000x128xf32, #tpu.memory_space<vmem_shared>>
      tpu.wait_indirect_dma semaphore(%run_scoped3A_65 : memref<!tpu.dma_semaphore, #tpu.memory_space<semaphore_mem>>) src(%arg6 : memref<64x128xf32, #tpu.memory_space<vmem>>) dst(%dma_wait3A_77 : memref<10000x128xf32, #tpu.memory_space<vmem_shared>>)
      tpu.yield
    }) : () -> ()
    %barrier3A_44 = arith.constant 0 : index
    tpu.barrier barrier_id(%barrier3A_44)
    %mul3A_45 = arith.constant 625 : i32
    %mul3A_46 = arith.muli %arg1, %mul3A_45 : i32
    %add3A_47 = arith.constant 0 : i32
    %add3A_48 = arith.addi %mul3A_46, %add3A_47 : i32
    "tpu.region"() ({
      %run_scoped3A_65 = tpu.sem_alloc : memref<!tpu.dma_semaphore, #tpu.memory_space<semaphore_mem>>
      %dma_start3A_66 = arith.constant 0 : i32
      %dma_start3A_67 = tpu.memref_slice %arg9[%add3A_48, %dma_start3A_66] : memref<10000x128xf32, #tpu.memory_space<vmem_shared>> -> memref<125x128xf32, #tpu.memory_space<vmem_shared>>
      %dma_start3A_68 = arith.constant 0 : i32
      %dma_start3A_69 = tpu.memref_slice %arg9[%add3A_48, %dma_start3A_68] : memref<10000x128xf32, #tpu.memory_space<vmem_shared>> -> memref<125x128xf32, #tpu.memory_space<vmem_shared>>
      tpu.enqueue_dma source(%dma_start3A_69 : memref<125x128xf32, #tpu.memory_space<vmem_shared>>) target(%arg8 : memref<125x128xf32, #tpu.memory_space<vmem>>) target_semaphore(%run_scoped3A_65 : memref<!tpu.dma_semaphore, #tpu.memory_space<semaphore_mem>>)
      %dma_wait3A_70 = arith.constant 0 : i32
      %dma_wait3A_71 = tpu.memref_slice %arg9[%add3A_48, %dma_wait3A_70] : memref<10000x128xf32, #tpu.memory_space<vmem_shared>> -> memref<125x128xf32, #tpu.memory_space<vmem_shared>>
      %dma_wait3A_72 = arith.constant 0 : i32
      %dma_wait3A_73 = tpu.memref_slice %arg9[%add3A_48, %dma_wait3A_72] : memref<10000x128xf32, #tpu.memory_space<vmem_shared>> -> memref<125x128xf32, #tpu.memory_space<vmem_shared>>
      tpu.wait_dma2 semaphore(%run_scoped3A_65 : memref<!tpu.dma_semaphore, #tpu.memory_space<semaphore_mem>>) src(%dma_wait3A_73 : memref<125x128xf32, #tpu.memory_space<vmem_shared>>) dst(%arg8 : memref<125x128xf32, #tpu.memory_space<vmem>>)
      tpu.yield
    }) : () -> ()
    "tpu.region"() ({
      %run_scoped3A_65 = tpu.sem_alloc : memref<!tpu.dma_semaphore, #tpu.memory_space<semaphore_mem>>
      %dma_start3A_66 = arith.constant 0 : i32
      %dma_start3A_67 = tpu.memref_slice %arg4[%arg0, %add3A_48, %dma_start3A_66] : memref<2x10000x128xf32, #tpu.memory_space<hbm>> -> memref<1x125x128xf32, #tpu.memory_space<hbm>>
      %dma_start3A_68 = tpu.memref_squeeze %dma_start3A_67 : memref<1x125x128xf32, #tpu.memory_space<hbm>> -> memref<125x128xf32, #tpu.memory_space<hbm>>
      %dma_start3A_69 = arith.constant 0 : i32
      %dma_start3A_70 = tpu.memref_slice %arg4[%arg0, %add3A_48, %dma_start3A_69] : memref<2x10000x128xf32, #tpu.memory_space<hbm>> -> memref<1x125x128xf32, #tpu.memory_space<hbm>>
      %dma_start3A_71 = tpu.memref_squeeze %dma_start3A_70 : memref<1x125x128xf32, #tpu.memory_space<hbm>> -> memref<125x128xf32, #tpu.memory_space<hbm>>
      tpu.enqueue_dma source(%arg8 : memref<125x128xf32, #tpu.memory_space<vmem>>) target(%dma_start3A_71 : memref<125x128xf32, #tpu.memory_space<hbm>>) target_semaphore(%run_scoped3A_65 : memref<!tpu.dma_semaphore, #tpu.memory_space<semaphore_mem>>)
      %dma_wait3A_72 = arith.constant 0 : i32
      %dma_wait3A_73 = tpu.memref_slice %arg4[%arg0, %add3A_48, %dma_wait3A_72] : memref<2x10000x128xf32, #tpu.memory_space<hbm>> -> memref<1x125x128xf32, #tpu.memory_space<hbm>>
      %dma_wait3A_74 = tpu.memref_squeeze %dma_wait3A_73 : memref<1x125x128xf32, #tpu.memory_space<hbm>> -> memref<125x128xf32, #tpu.memory_space<hbm>>
      %dma_wait3A_75 = arith.constant 0 : i32
      %dma_wait3A_76 = tpu.memref_slice %arg4[%arg0, %add3A_48, %dma_wait3A_75] : memref<2x10000x128xf32, #tpu.memory_space<hbm>> -> memref<1x125x128xf32, #tpu.memory_space<hbm>>
      %dma_wait3A_77 = tpu.memref_squeeze %dma_wait3A_76 : memref<1x125x128xf32, #tpu.memory_space<hbm>> -> memref<125x128xf32, #tpu.memory_space<hbm>>
      tpu.wait_dma2 semaphore(%run_scoped3A_65 : memref<!tpu.dma_semaphore, #tpu.memory_space<semaphore_mem>>) src(%arg8 : memref<125x128xf32, #tpu.memory_space<vmem>>) dst(%dma_wait3A_77 : memref<125x128xf32, #tpu.memory_space<hbm>>)
      tpu.yield
    }) : () -> ()
    %mul3A_49 = arith.constant 625 : i32
    %mul3A_50 = arith.muli %arg1, %mul3A_49 : i32
    %add3A_51 = arith.constant 125 : i32
    %add3A_52 = arith.addi %mul3A_50, %add3A_51 : i32
    "tpu.region"() ({
      %run_scoped3A_65 = tpu.sem_alloc : memref<!tpu.dma_semaphore, #tpu.memory_space<semaphore_mem>>
      %dma_start3A_66 = arith.constant 0 : i32
      %dma_start3A_67 = tpu.memref_slice %arg9[%add3A_52, %dma_start3A_66] : memref<10000x128xf32, #tpu.memory_space<vmem_shared>> -> memref<125x128xf32, #tpu.memory_space<vmem_shared>>
      %dma_start3A_68 = arith.constant 0 : i32
      %dma_start3A_69 = tpu.memref_slice %arg9[%add3A_52, %dma_start3A_68] : memref<10000x128xf32, #tpu.memory_space<vmem_shared>> -> memref<125x128xf32, #tpu.memory_space<vmem_shared>>
      tpu.enqueue_dma source(%dma_start3A_69 : memref<125x128xf32, #tpu.memory_space<vmem_shared>>) target(%arg8 : memref<125x128xf32, #tpu.memory_space<vmem>>) target_semaphore(%run_scoped3A_65 : memref<!tpu.dma_semaphore, #tpu.memory_space<semaphore_mem>>)
      %dma_wait3A_70 = arith.constant 0 : i32
      %dma_wait3A_71 = tpu.memref_slice %arg9[%add3A_52, %dma_wait3A_70] : memref<10000x128xf32, #tpu.memory_space<vmem_shared>> -> memref<125x128xf32, #tpu.memory_space<vmem_shared>>
      %dma_wait3A_72 = arith.constant 0 : i32
      %dma_wait3A_73 = tpu.memref_slice %arg9[%add3A_52, %dma_wait3A_72] : memref<10000x128xf32, #tpu.memory_space<vmem_shared>> -> memref<125x128xf32, #tpu.memory_space<vmem_shared>>
      tpu.wait_dma2 semaphore(%run_scoped3A_65 : memref<!tpu.dma_semaphore, #tpu.memory_space<semaphore_mem>>) src(%dma_wait3A_73 : memref<125x128xf32, #tpu.memory_space<vmem_shared>>) dst(%arg8 : memref<125x128xf32, #tpu.memory_space<vmem>>)
      tpu.yield
    }) : () -> ()
    "tpu.region"() ({
      %run_scoped3A_65 = tpu.sem_alloc : memref<!tpu.dma_semaphore, #tpu.memory_space<semaphore_mem>>
      %dma_start3A_66 = arith.constant 0 : i32
      %dma_start3A_67 = tpu.memref_slice %arg4[%arg0, %add3A_52, %dma_start3A_66] : memref<2x10000x128xf32, #tpu.memory_space<hbm>> -> memref<1x125x128xf32, #tpu.memory_space<hbm>>
      %dma_start3A_68 = tpu.memref_squeeze %dma_start3A_67 : memref<1x125x128xf32, #tpu.memory_space<hbm>> -> memref<125x128xf32, #tpu.memory_space<hbm>>
      %dma_start3A_69 = arith.constant 0 : i32
      %dma_start3A_70 = tpu.memref_slice %arg4[%arg0, %add3A_52, %dma_start3A_69] : memref<2x10000x128xf32, #tpu.memory_space<hbm>> -> memref<1x125x128xf32, #tpu.memory_space<hbm>>
      %dma_start3A_71 = tpu.memref_squeeze %dma_start3A_70 : memref<1x125x128xf32, #tpu.memory_space<hbm>> -> memref<125x128xf32, #tpu.memory_space<hbm>>
      tpu.enqueue_dma source(%arg8 : memref<125x128xf32, #tpu.memory_space<vmem>>) target(%dma_start3A_71 : memref<125x128xf32, #tpu.memory_space<hbm>>) target_semaphore(%run_scoped3A_65 : memref<!tpu.dma_semaphore, #tpu.memory_space<semaphore_mem>>)
      %dma_wait3A_72 = arith.constant 0 : i32
      %dma_wait3A_73 = tpu.memref_slice %arg4[%arg0, %add3A_52, %dma_wait3A_72] : memref<2x10000x128xf32, #tpu.memory_space<hbm>> -> memref<1x125x128xf32, #tpu.memory_space<hbm>>
      %dma_wait3A_74 = tpu.memref_squeeze %dma_wait3A_73 : memref<1x125x128xf32, #tpu.memory_space<hbm>> -> memref<125x128xf32, #tpu.memory_space<hbm>>
      %dma_wait3A_75 = arith.constant 0 : i32
      %dma_wait3A_76 = tpu.memref_slice %arg4[%arg0, %add3A_52, %dma_wait3A_75] : memref<2x10000x128xf32, #tpu.memory_space<hbm>> -> memref<1x125x128xf32, #tpu.memory_space<hbm>>
      %dma_wait3A_77 = tpu.memref_squeeze %dma_wait3A_76 : memref<1x125x128xf32, #tpu.memory_space<hbm>> -> memref<125x128xf32, #tpu.memory_space<hbm>>
      tpu.wait_dma2 semaphore(%run_scoped3A_65 : memref<!tpu.dma_semaphore, #tpu.memory_space<semaphore_mem>>) src(%arg8 : memref<125x128xf32, #tpu.memory_space<vmem>>) dst(%dma_wait3A_77 : memref<125x128xf32, #tpu.memory_space<hbm>>)
      tpu.yield
    }) : () -> ()
    %mul3A_53 = arith.constant 625 : i32
    %mul3A_54 = arith.muli %arg1, %mul3A_53 : i32
    %add3A_55 = arith.constant 250 : i32
    %add3A_56 = arith.addi %mul3A_54, %add3A_55 : i32
    "tpu.region"() ({
      %run_scoped3A_65 = tpu.sem_alloc : memref<!tpu.dma_semaphore, #tpu.memory_space<semaphore_mem>>
      %dma_start3A_66 = arith.constant 0 : i32
      %dma_start3A_67 = tpu.memref_slice %arg9[%add3A_56, %dma_start3A_66] : memref<10000x128xf32, #tpu.memory_space<vmem_shared>> -> memref<125x128xf32, #tpu.memory_space<vmem_shared>>
      %dma_start3A_68 = arith.constant 0 : i32
      %dma_start3A_69 = tpu.memref_slice %arg9[%add3A_56, %dma_start3A_68] : memref<10000x128xf32, #tpu.memory_space<vmem_shared>> -> memref<125x128xf32, #tpu.memory_space<vmem_shared>>
      tpu.enqueue_dma source(%dma_start3A_69 : memref<125x128xf32, #tpu.memory_space<vmem_shared>>) target(%arg8 : memref<125x128xf32, #tpu.memory_space<vmem>>) target_semaphore(%run_scoped3A_65 : memref<!tpu.dma_semaphore, #tpu.memory_space<semaphore_mem>>)
      %dma_wait3A_70 = arith.constant 0 : i32
      %dma_wait3A_71 = tpu.memref_slice %arg9[%add3A_56, %dma_wait3A_70] : memref<10000x128xf32, #tpu.memory_space<vmem_shared>> -> memref<125x128xf32, #tpu.memory_space<vmem_shared>>
      %dma_wait3A_72 = arith.constant 0 : i32
      %dma_wait3A_73 = tpu.memref_slice %arg9[%add3A_56, %dma_wait3A_72] : memref<10000x128xf32, #tpu.memory_space<vmem_shared>> -> memref<125x128xf32, #tpu.memory_space<vmem_shared>>
      tpu.wait_dma2 semaphore(%run_scoped3A_65 : memref<!tpu.dma_semaphore, #tpu.memory_space<semaphore_mem>>) src(%dma_wait3A_73 : memref<125x128xf32, #tpu.memory_space<vmem_shared>>) dst(%arg8 : memref<125x128xf32, #tpu.memory_space<vmem>>)
      tpu.yield
    }) : () -> ()
    "tpu.region"() ({
      %run_scoped3A_65 = tpu.sem_alloc : memref<!tpu.dma_semaphore, #tpu.memory_space<semaphore_mem>>
      %dma_start3A_66 = arith.constant 0 : i32
      %dma_start3A_67 = tpu.memref_slice %arg4[%arg0, %add3A_56, %dma_start3A_66] : memref<2x10000x128xf32, #tpu.memory_space<hbm>> -> memref<1x125x128xf32, #tpu.memory_space<hbm>>
      %dma_start3A_68 = tpu.memref_squeeze %dma_start3A_67 : memref<1x125x128xf32, #tpu.memory_space<hbm>> -> memref<125x128xf32, #tpu.memory_space<hbm>>
      %dma_start3A_69 = arith.constant 0 : i32
      %dma_start3A_70 = tpu.memref_slice %arg4[%arg0, %add3A_56, %dma_start3A_69] : memref<2x10000x128xf32, #tpu.memory_space<hbm>> -> memref<1x125x128xf32, #tpu.memory_space<hbm>>
      %dma_start3A_71 = tpu.memref_squeeze %dma_start3A_70 : memref<1x125x128xf32, #tpu.memory_space<hbm>> -> memref<125x128xf32, #tpu.memory_space<hbm>>
      tpu.enqueue_dma source(%arg8 : memref<125x128xf32, #tpu.memory_space<vmem>>) target(%dma_start3A_71 : memref<125x128xf32, #tpu.memory_space<hbm>>) target_semaphore(%run_scoped3A_65 : memref<!tpu.dma_semaphore, #tpu.memory_space<semaphore_mem>>)
      %dma_wait3A_72 = arith.constant 0 : i32
      %dma_wait3A_73 = tpu.memref_slice %arg4[%arg0, %add3A_56, %dma_wait3A_72] : memref<2x10000x128xf32, #tpu.memory_space<hbm>> -> memref<1x125x128xf32, #tpu.memory_space<hbm>>
      %dma_wait3A_74 = tpu.memref_squeeze %dma_wait3A_73 : memref<1x125x128xf32, #tpu.memory_space<hbm>> -> memref<125x128xf32, #tpu.memory_space<hbm>>
      %dma_wait3A_75 = arith.constant 0 : i32
      %dma_wait3A_76 = tpu.memref_slice %arg4[%arg0, %add3A_56, %dma_wait3A_75] : memref<2x10000x128xf32, #tpu.memory_space<hbm>> -> memref<1x125x128xf32, #tpu.memory_space<hbm>>
      %dma_wait3A_77 = tpu.memref_squeeze %dma_wait3A_76 : memref<1x125x128xf32, #tpu.memory_space<hbm>> -> memref<125x128xf32, #tpu.memory_space<hbm>>
      tpu.wait_dma2 semaphore(%run_scoped3A_65 : memref<!tpu.dma_semaphore, #tpu.memory_space<semaphore_mem>>) src(%arg8 : memref<125x128xf32, #tpu.memory_space<vmem>>) dst(%dma_wait3A_77 : memref<125x128xf32, #tpu.memory_space<hbm>>)
      tpu.yield
    }) : () -> ()
    %mul3A_57 = arith.constant 625 : i32
    %mul3A_58 = arith.muli %arg1, %mul3A_57 : i32
    %add3A_59 = arith.constant 375 : i32
    %add3A_60 = arith.addi %mul3A_58, %add3A_59 : i32
    "tpu.region"() ({
      %run_scoped3A_65 = tpu.sem_alloc : memref<!tpu.dma_semaphore, #tpu.memory_space<semaphore_mem>>
      %dma_start3A_66 = arith.constant 0 : i32
      %dma_start3A_67 = tpu.memref_slice %arg9[%add3A_60, %dma_start3A_66] : memref<10000x128xf32, #tpu.memory_space<vmem_shared>> -> memref<125x128xf32, #tpu.memory_space<vmem_shared>>
      %dma_start3A_68 = arith.constant 0 : i32
      %dma_start3A_69 = tpu.memref_slice %arg9[%add3A_60, %dma_start3A_68] : memref<10000x128xf32, #tpu.memory_space<vmem_shared>> -> memref<125x128xf32, #tpu.memory_space<vmem_shared>>
      tpu.enqueue_dma source(%dma_start3A_69 : memref<125x128xf32, #tpu.memory_space<vmem_shared>>) target(%arg8 : memref<125x128xf32, #tpu.memory_space<vmem>>) target_semaphore(%run_scoped3A_65 : memref<!tpu.dma_semaphore, #tpu.memory_space<semaphore_mem>>)
      %dma_wait3A_70 = arith.constant 0 : i32
      %dma_wait3A_71 = tpu.memref_slice %arg9[%add3A_60, %dma_wait3A_70] : memref<10000x128xf32, #tpu.memory_space<vmem_shared>> -> memref<125x128xf32, #tpu.memory_space<vmem_shared>>
      %dma_wait3A_72 = arith.constant 0 : i32
      %dma_wait3A_73 = tpu.memref_slice %arg9[%add3A_60, %dma_wait3A_72] : memref<10000x128xf32, #tpu.memory_space<vmem_shared>> -> memref<125x128xf32, #tpu.memory_space<vmem_shared>>
      tpu.wait_dma2 semaphore(%run_scoped3A_65 : memref<!tpu.dma_semaphore, #tpu.memory_space<semaphore_mem>>) src(%dma_wait3A_73 : memref<125x128xf32, #tpu.memory_space<vmem_shared>>) dst(%arg8 : memref<125x128xf32, #tpu.memory_space<vmem>>)
      tpu.yield
    }) : () -> ()
    "tpu.region"() ({
      %run_scoped3A_65 = tpu.sem_alloc : memref<!tpu.dma_semaphore, #tpu.memory_space<semaphore_mem>>
      %dma_start3A_66 = arith.constant 0 : i32
      %dma_start3A_67 = tpu.memref_slice %arg4[%arg0, %add3A_60, %dma_start3A_66] : memref<2x10000x128xf32, #tpu.memory_space<hbm>> -> memref<1x125x128xf32, #tpu.memory_space<hbm>>
      %dma_start3A_68 = tpu.memref_squeeze %dma_start3A_67 : memref<1x125x128xf32, #tpu.memory_space<hbm>> -> memref<125x128xf32, #tpu.memory_space<hbm>>
      %dma_start3A_69 = arith.constant 0 : i32
      %dma_start3A_70 = tpu.memref_slice %arg4[%arg0, %add3A_60, %dma_start3A_69] : memref<2x10000x128xf32, #tpu.memory_space<hbm>> -> memref<1x125x128xf32, #tpu.memory_space<hbm>>
      %dma_start3A_71 = tpu.memref_squeeze %dma_start3A_70 : memref<1x125x128xf32, #tpu.memory_space<hbm>> -> memref<125x128xf32, #tpu.memory_space<hbm>>
      tpu.enqueue_dma source(%arg8 : memref<125x128xf32, #tpu.memory_space<vmem>>) target(%dma_start3A_71 : memref<125x128xf32, #tpu.memory_space<hbm>>) target_semaphore(%run_scoped3A_65 : memref<!tpu.dma_semaphore, #tpu.memory_space<semaphore_mem>>)
      %dma_wait3A_72 = arith.constant 0 : i32
      %dma_wait3A_73 = tpu.memref_slice %arg4[%arg0, %add3A_60, %dma_wait3A_72] : memref<2x10000x128xf32, #tpu.memory_space<hbm>> -> memref<1x125x128xf32, #tpu.memory_space<hbm>>
      %dma_wait3A_74 = tpu.memref_squeeze %dma_wait3A_73 : memref<1x125x128xf32, #tpu.memory_space<hbm>> -> memref<125x128xf32, #tpu.memory_space<hbm>>
      %dma_wait3A_75 = arith.constant 0 : i32
      %dma_wait3A_76 = tpu.memref_slice %arg4[%arg0, %add3A_60, %dma_wait3A_75] : memref<2x10000x128xf32, #tpu.memory_space<hbm>> -> memref<1x125x128xf32, #tpu.memory_space<hbm>>
      %dma_wait3A_77 = tpu.memref_squeeze %dma_wait3A_76 : memref<1x125x128xf32, #tpu.memory_space<hbm>> -> memref<125x128xf32, #tpu.memory_space<hbm>>
      tpu.wait_dma2 semaphore(%run_scoped3A_65 : memref<!tpu.dma_semaphore, #tpu.memory_space<semaphore_mem>>) src(%arg8 : memref<125x128xf32, #tpu.memory_space<vmem>>) dst(%dma_wait3A_77 : memref<125x128xf32, #tpu.memory_space<hbm>>)
      tpu.yield
    }) : () -> ()
    %mul3A_61 = arith.constant 625 : i32
    %mul3A_62 = arith.muli %arg1, %mul3A_61 : i32
    %add3A_63 = arith.constant 500 : i32
    %add3A_64 = arith.addi %mul3A_62, %add3A_63 : i32
    "tpu.region"() ({
      %run_scoped3A_65 = tpu.sem_alloc : memref<!tpu.dma_semaphore, #tpu.memory_space<semaphore_mem>>
      %dma_start3A_66 = arith.constant 0 : i32
      %dma_start3A_67 = tpu.memref_slice %arg9[%add3A_64, %dma_start3A_66] : memref<10000x128xf32, #tpu.memory_space<vmem_shared>> -> memref<125x128xf32, #tpu.memory_space<vmem_shared>>
      %dma_start3A_68 = arith.constant 0 : i32
      %dma_start3A_69 = tpu.memref_slice %arg9[%add3A_64, %dma_start3A_68] : memref<10000x128xf32, #tpu.memory_space<vmem_shared>> -> memref<125x128xf32, #tpu.memory_space<vmem_shared>>
      tpu.enqueue_dma source(%dma_start3A_69 : memref<125x128xf32, #tpu.memory_space<vmem_shared>>) target(%arg8 : memref<125x128xf32, #tpu.memory_space<vmem>>) target_semaphore(%run_scoped3A_65 : memref<!tpu.dma_semaphore, #tpu.memory_space<semaphore_mem>>)
      %dma_wait3A_70 = arith.constant 0 : i32
      %dma_wait3A_71 = tpu.memref_slice %arg9[%add3A_64, %dma_wait3A_70] : memref<10000x128xf32, #tpu.memory_space<vmem_shared>> -> memref<125x128xf32, #tpu.memory_space<vmem_shared>>
      %dma_wait3A_72 = arith.constant 0 : i32
      %dma_wait3A_73 = tpu.memref_slice %arg9[%add3A_64, %dma_wait3A_72] : memref<10000x128xf32, #tpu.memory_space<vmem_shared>> -> memref<125x128xf32, #tpu.memory_space<vmem_shared>>
      tpu.wait_dma2 semaphore(%run_scoped3A_65 : memref<!tpu.dma_semaphore, #tpu.memory_space<semaphore_mem>>) src(%dma_wait3A_73 : memref<125x128xf32, #tpu.memory_space<vmem_shared>>) dst(%arg8 : memref<125x128xf32, #tpu.memory_space<vmem>>)
      tpu.yield
    }) : () -> ()
    "tpu.region"() ({
      %run_scoped3A_65 = tpu.sem_alloc : memref<!tpu.dma_semaphore, #tpu.memory_space<semaphore_mem>>
      %dma_start3A_66 = arith.constant 0 : i32
      %dma_start3A_67 = tpu.memref_slice %arg4[%arg0, %add3A_64, %dma_start3A_66] : memref<2x10000x128xf32, #tpu.memory_space<hbm>> -> memref<1x125x128xf32, #tpu.memory_space<hbm>>
      %dma_start3A_68 = tpu.memref_squeeze %dma_start3A_67 : memref<1x125x128xf32, #tpu.memory_space<hbm>> -> memref<125x128xf32, #tpu.memory_space<hbm>>
      %dma_start3A_69 = arith.constant 0 : i32
      %dma_start3A_70 = tpu.memref_slice %arg4[%arg0, %add3A_64, %dma_start3A_69] : memref<2x10000x128xf32, #tpu.memory_space<hbm>> -> memref<1x125x128xf32, #tpu.memory_space<hbm>>
      %dma_start3A_71 = tpu.memref_squeeze %dma_start3A_70 : memref<1x125x128xf32, #tpu.memory_space<hbm>> -> memref<125x128xf32, #tpu.memory_space<hbm>>
      tpu.enqueue_dma source(%arg8 : memref<125x128xf32, #tpu.memory_space<vmem>>) target(%dma_start3A_71 : memref<125x128xf32, #tpu.memory_space<hbm>>) target_semaphore(%run_scoped3A_65 : memref<!tpu.dma_semaphore, #tpu.memory_space<semaphore_mem>>)
      %dma_wait3A_72 = arith.constant 0 : i32
      %dma_wait3A_73 = tpu.memref_slice %arg4[%arg0, %add3A_64, %dma_wait3A_72] : memref<2x10000x128xf32, #tpu.memory_space<hbm>> -> memref<1x125x128xf32, #tpu.memory_space<hbm>>
      %dma_wait3A_74 = tpu.memref_squeeze %dma_wait3A_73 : memref<1x125x128xf32, #tpu.memory_space<hbm>> -> memref<125x128xf32, #tpu.memory_space<hbm>>
      %dma_wait3A_75 = arith.constant 0 : i32
      %dma_wait3A_76 = tpu.memref_slice %arg4[%arg0, %add3A_64, %dma_wait3A_75] : memref<2x10000x128xf32, #tpu.memory_space<hbm>> -> memref<1x125x128xf32, #tpu.memory_space<hbm>>
      %dma_wait3A_77 = tpu.memref_squeeze %dma_wait3A_76 : memref<1x125x128xf32, #tpu.memory_space<hbm>> -> memref<125x128xf32, #tpu.memory_space<hbm>>
      tpu.wait_dma2 semaphore(%run_scoped3A_65 : memref<!tpu.dma_semaphore, #tpu.memory_space<semaphore_mem>>) src(%arg8 : memref<125x128xf32, #tpu.memory_space<vmem>>) dst(%dma_wait3A_77 : memref<125x128xf32, #tpu.memory_space<hbm>>)
      tpu.yield
    }) : () -> ()
    return
  }
}

module attributes {stable_mosaic.version = 14 : i64} {
  func.func @_node_body(%arg0: memref<10000x128xf32, #tpu.memory_space<vmem>>, %arg1: memref<128x16xf32, #tpu.memory_space<vmem>>, %arg2: memref<1x16xf32, #tpu.memory_space<vmem>>, %arg3: memref<16x128xf32, #tpu.memory_space<vmem>>, %arg4: memref<1x128xf32, #tpu.memory_space<vmem>>, %arg5: memref<128x16xf32, #tpu.memory_space<vmem>>, %arg6: memref<10000x16xf32, #tpu.memory_space<vmem>>) attributes {dimension_semantics = [], scalar_prefetch = 0 : i64, scratch_operands = 0 : i64, tpu.core_type = #tpu.core_type<tc>} {
    %get3A = arith.constant 0 : index
    %get3A_0 = arith.constant 0 : index
    %get3A_1 = vector.load %arg0[%get3A, %get3A_0] : memref<10000x128xf32, #tpu.memory_space<vmem>>, vector<10000x128xf32>
    %get3A_2 = arith.constant 0 : index
    %get3A_3 = arith.constant 0 : index
    %get3A_4 = vector.load %arg1[%get3A_2, %get3A_3] : memref<128x16xf32, #tpu.memory_space<vmem>>, vector<128x16xf32>
    %dot_general3A = arith.constant dense<0.000000e+00> : vector<10000x16xf32>
    %dot_general3A_5 = tpu.matmul %get3A_1, %get3A_4, %dot_general3A {dimension_numbers = #tpu.dot_dimension_numbers<[1], [0], [0], [1], [0, 0, 1, 1], [], []>, transpose_lhs_hint = false} : vector<10000x128xf32>, vector<128x16xf32>, vector<10000x16xf32> -> vector<10000x16xf32>
    %get3A_6 = arith.constant 0 : index
    %get3A_7 = arith.constant 0 : index
    %get3A_8 = vector.load %arg2[%get3A_6, %get3A_7] : memref<1x16xf32, #tpu.memory_space<vmem>>, vector<1x16xf32>
    %add3A = vector.broadcast %get3A_8 : vector<1x16xf32> to vector<10000x16xf32>
    %add3A_9 = arith.addf %dot_general3A_5, %add3A : vector<10000x16xf32>
    %gt3A = arith.constant 0.000000e+00 : f32
    %gt3A_10 = vector.broadcast %gt3A : f32 to vector<10000x16xf32>
    %gt3A_11 = arith.cmpf ogt, %add3A_9, %gt3A_10 : vector<10000x16xf32>
    %mul3A = arith.constant 0.00999999977 : f32
    %mul3A_12 = vector.broadcast %mul3A : f32 to vector<10000x16xf32>
    %mul3A_13 = arith.mulf %mul3A_12, %add3A_9 : vector<10000x16xf32>
    %select_n3A = arith.select %gt3A_11, %add3A_9, %mul3A_13 : vector<10000x16xi1>, vector<10000x16xf32>
    %get3A_14 = arith.constant 0 : index
    %get3A_15 = arith.constant 0 : index
    %get3A_16 = vector.load %arg3[%get3A_14, %get3A_15] : memref<16x128xf32, #tpu.memory_space<vmem>>, vector<16x128xf32>
    %dot_general3A_17 = arith.constant dense<0.000000e+00> : vector<10000x128xf32>
    %dot_general3A_18 = tpu.matmul %select_n3A, %get3A_16, %dot_general3A_17 {dimension_numbers = #tpu.dot_dimension_numbers<[1], [0], [0], [1], [0, 0, 1, 1], [], []>, transpose_lhs_hint = false} : vector<10000x16xf32>, vector<16x128xf32>, vector<10000x128xf32> -> vector<10000x128xf32>
    %get3A_19 = arith.constant 0 : index
    %get3A_20 = arith.constant 0 : index
    %get3A_21 = vector.load %arg4[%get3A_19, %get3A_20] : memref<1x128xf32, #tpu.memory_space<vmem>>, vector<1x128xf32>
    %add3A_22 = vector.broadcast %get3A_21 : vector<1x128xf32> to vector<10000x128xf32>
    %add3A_23 = arith.addf %dot_general3A_18, %add3A_22 : vector<10000x128xf32>
    %gt3A_24 = arith.constant 0.000000e+00 : f32
    %gt3A_25 = vector.broadcast %gt3A_24 : f32 to vector<10000x128xf32>
    %gt3A_26 = arith.cmpf ogt, %add3A_23, %gt3A_25 : vector<10000x128xf32>
    %mul3A_27 = arith.constant 0.00999999977 : f32
    %mul3A_28 = vector.broadcast %mul3A_27 : f32 to vector<10000x128xf32>
    %mul3A_29 = arith.mulf %mul3A_28, %add3A_23 : vector<10000x128xf32>
    %select_n3A_30 = arith.select %gt3A_26, %add3A_23, %mul3A_29 : vector<10000x128xi1>, vector<10000x128xf32>
    %get3A_31 = arith.constant 0 : index
    %get3A_32 = arith.constant 0 : index
    %get3A_33 = vector.load %arg5[%get3A_31, %get3A_32] : memref<128x16xf32, #tpu.memory_space<vmem>>, vector<128x16xf32>
    %dot_general3A_34 = arith.constant dense<0.000000e+00> : vector<10000x16xf32>
    %dot_general3A_35 = tpu.matmul %select_n3A_30, %get3A_33, %dot_general3A_34 {dimension_numbers = #tpu.dot_dimension_numbers<[1], [0], [0], [1], [0, 0, 1, 1], [], []>, transpose_lhs_hint = false} : vector<10000x128xf32>, vector<128x16xf32>, vector<10000x16xf32> -> vector<10000x16xf32>
    %swap3A = arith.constant 0 : index
    %swap3A_36 = arith.constant 0 : index
    %swap3A_37 = vector.load %arg6[%swap3A, %swap3A_36] : memref<10000x16xf32, #tpu.memory_space<vmem>>, vector<10000x16xf32>
    tpu.vector_store %arg6[%swap3A, %swap3A_36], %dot_general3A_35 {strides = array<i32>} : memref<10000x16xf32, #tpu.memory_space<vmem>>, vector<10000x16xf32>,
    return
  }
}

module attributes {stable_mosaic.version = 14 : i64} {
  func.func @_msg_body(%arg0: i32, %arg1: memref<400x128xf32, #tpu.memory_space<vmem>>, %arg2: memref<400x128xf32, #tpu.memory_space<vmem>>, %arg3: memref<128x128xf32, #tpu.memory_space<vmem>>, %arg4: memref<1x128xf32, #tpu.memory_space<vmem>>, %arg5: memref<128x512xf32, #tpu.memory_space<vmem>>, %arg6: memref<1x512xf32, #tpu.memory_space<vmem>>, %arg7: memref<512x128xf32, #tpu.memory_space<vmem>>, %arg8: memref<1x128xf32, #tpu.memory_space<vmem>>, %arg9: memref<128x1024xf32, #tpu.memory_space<vmem>>, %arg10: memref<1x128xf32, #tpu.memory_space<vmem>>, %arg11: memref<3200x128xf32, #tpu.memory_space<vmem>>) attributes {dimension_semantics = [#tpu.dimension_semantics<arbitrary>], iteration_bounds = array<i64: 52>, scalar_prefetch = 0 : i64, scratch_operands = 0 : i64, tpu.core_type = #tpu.core_type<tc>, window_params = [{transform_indices = @transform_0, window_bounds = array<i64: 400, 128>}, {transform_indices = @transform_1, window_bounds = array<i64: 400, 128>}, {pipeline_mode = #tpu.pipeline_mode<synchronous>, transform_indices = @transform_2, window_bounds = array<i64: 128, 128>}, {pipeline_mode = #tpu.pipeline_mode<synchronous>, transform_indices = @transform_3, window_bounds = array<i64: 1, 128>}, {pipeline_mode = #tpu.pipeline_mode<synchronous>, transform_indices = @transform_4, window_bounds = array<i64: 128, 512>}, {pipeline_mode = #tpu.pipeline_mode<synchronous>, transform_indices = @transform_5, window_bounds = array<i64: 1, 512>}, {pipeline_mode = #tpu.pipeline_mode<synchronous>, transform_indices = @transform_6, window_bounds = array<i64: 512, 128>}, {pipeline_mode = #tpu.pipeline_mode<synchronous>, transform_indices = @transform_7, window_bounds = array<i64: 1, 128>}, {pipeline_mode = #tpu.pipeline_mode<synchronous>, transform_indices = @transform_8, window_bounds = array<i64: 128, 1024>}, {pipeline_mode = #tpu.pipeline_mode<synchronous>, transform_indices = @transform_9, window_bounds = array<i64: 1, 128>}, {transform_indices = @transform_10, window_bounds = array<i64: 3200, 128>}]} {
    %get3A = arith.constant 0 : index
    %get3A_0 = arith.constant 0 : index
    %get3A_1 = vector.load %arg1[%get3A, %get3A_0] : memref<400x128xf32, #tpu.memory_space<vmem>>, vector<400x128xf32>
    %get3A_2 = arith.constant 0 : index
    %get3A_3 = arith.constant 0 : index
    %get3A_4 = vector.load %arg3[%get3A_2, %get3A_3] : memref<128x128xf32, #tpu.memory_space<vmem>>, vector<128x128xf32>
    %dot_general3A = arith.constant dense<0.000000e+00> : vector<400x128xf32>
    %dot_general3A_5 = tpu.matmul %get3A_1, %get3A_4, %dot_general3A {dimension_numbers = #tpu.dot_dimension_numbers<[1], [0], [0], [1], [0, 0, 1, 1], [], []>, transpose_lhs_hint = false} : vector<400x128xf32>, vector<128x128xf32>, vector<400x128xf32> -> vector<400x128xf32>
    %get3A_6 = arith.constant 0 : index
    %get3A_7 = arith.constant 0 : index
    %get3A_8 = vector.load %arg4[%get3A_6, %get3A_7] : memref<1x128xf32, #tpu.memory_space<vmem>>, vector<1x128xf32>
    %add3A = vector.broadcast %get3A_8 : vector<1x128xf32> to vector<400x128xf32>
    %add3A_9 = arith.addf %dot_general3A_5, %add3A : vector<400x128xf32>
    %gt3A = arith.constant 0.000000e+00 : f32
    %gt3A_10 = vector.broadcast %gt3A : f32 to vector<400x128xf32>
    %gt3A_11 = arith.cmpf ogt, %add3A_9, %gt3A_10 : vector<400x128xf32>
    %mul3A = arith.constant 0.00999999977 : f32
    %mul3A_12 = vector.broadcast %mul3A : f32 to vector<400x128xf32>
    %mul3A_13 = arith.mulf %mul3A_12, %add3A_9 : vector<400x128xf32>
    %select_n3A = arith.select %gt3A_11, %add3A_9, %mul3A_13 : vector<400x128xi1>, vector<400x128xf32>
    %get3A_14 = arith.constant 0 : index
    %get3A_15 = arith.constant 0 : index
    %get3A_16 = vector.load %arg5[%get3A_14, %get3A_15] : memref<128x512xf32, #tpu.memory_space<vmem>>, vector<128x512xf32>
    %dot_general3A_17 = arith.constant dense<0.000000e+00> : vector<400x512xf32>
    %dot_general3A_18 = tpu.matmul %select_n3A, %get3A_16, %dot_general3A_17 {dimension_numbers = #tpu.dot_dimension_numbers<[1], [0], [0], [1], [0, 0, 1, 1], [], []>, transpose_lhs_hint = false} : vector<400x128xf32>, vector<128x512xf32>, vector<400x512xf32> -> vector<400x512xf32>
    %get3A_19 = arith.constant 0 : index
    %get3A_20 = arith.constant 0 : index
    %get3A_21 = vector.load %arg6[%get3A_19, %get3A_20] : memref<1x512xf32, #tpu.memory_space<vmem>>, vector<1x512xf32>
    %add3A_22 = vector.broadcast %get3A_21 : vector<1x512xf32> to vector<400x512xf32>
    %add3A_23 = arith.addf %dot_general3A_18, %add3A_22 : vector<400x512xf32>
    %gt3A_24 = arith.constant 0.000000e+00 : f32
    %gt3A_25 = vector.broadcast %gt3A_24 : f32 to vector<400x512xf32>
    %gt3A_26 = arith.cmpf ogt, %add3A_23, %gt3A_25 : vector<400x512xf32>
    %mul3A_27 = arith.constant 0.00999999977 : f32
    %mul3A_28 = vector.broadcast %mul3A_27 : f32 to vector<400x512xf32>
    %mul3A_29 = arith.mulf %mul3A_28, %add3A_23 : vector<400x512xf32>
    %select_n3A_30 = arith.select %gt3A_26, %add3A_23, %mul3A_29 : vector<400x512xi1>, vector<400x512xf32>
    %get3A_31 = arith.constant 0 : index
    %get3A_32 = arith.constant 0 : index
    %get3A_33 = vector.load %arg7[%get3A_31, %get3A_32] : memref<512x128xf32, #tpu.memory_space<vmem>>, vector<512x128xf32>
    %dot_general3A_34 = arith.constant dense<0.000000e+00> : vector<400x128xf32>
    %dot_general3A_35 = tpu.matmul %select_n3A_30, %get3A_33, %dot_general3A_34 {dimension_numbers = #tpu.dot_dimension_numbers<[1], [0], [0], [1], [0, 0, 1, 1], [], []>, transpose_lhs_hint = false} : vector<400x512xf32>, vector<512x128xf32>, vector<400x128xf32> -> vector<400x128xf32>
    %get3A_36 = arith.constant 0 : index
    %get3A_37 = arith.constant 0 : index
    %get3A_38 = vector.load %arg2[%get3A_36, %get3A_37] : memref<400x128xf32, #tpu.memory_space<vmem>>, vector<400x128xf32>
    %add3A_39 = arith.addf %dot_general3A_35, %get3A_38 : vector<400x128xf32>
    %get3A_40 = arith.constant 0 : index
    %get3A_41 = arith.constant 0 : index
    %get3A_42 = vector.load %arg8[%get3A_40, %get3A_41] : memref<1x128xf32, #tpu.memory_space<vmem>>, vector<1x128xf32>
    %add3A_43 = vector.broadcast %get3A_42 : vector<1x128xf32> to vector<400x128xf32>
    %add3A_44 = arith.addf %add3A_39, %add3A_43 : vector<400x128xf32>
    %gt3A_45 = arith.constant 0.000000e+00 : f32
    %gt3A_46 = vector.broadcast %gt3A_45 : f32 to vector<400x128xf32>
    %gt3A_47 = arith.cmpf ogt, %add3A_44, %gt3A_46 : vector<400x128xf32>
    %mul3A_48 = arith.constant 0.00999999977 : f32
    %mul3A_49 = vector.broadcast %mul3A_48 : f32 to vector<400x128xf32>
    %mul3A_50 = arith.mulf %mul3A_49, %add3A_44 : vector<400x128xf32>
    %select_n3A_51 = arith.select %gt3A_47, %add3A_44, %mul3A_50 : vector<400x128xi1>, vector<400x128xf32>
    %get3A_52 = arith.constant 0 : index
    %get3A_53 = arith.constant 0 : index
    %get3A_54 = vector.load %arg9[%get3A_52, %get3A_53] : memref<128x1024xf32, #tpu.memory_space<vmem>>, vector<128x1024xf32>
    %dot_general3A_55 = arith.constant dense<0.000000e+00> : vector<400x1024xf32>
    %dot_general3A_56 = tpu.matmul %select_n3A_51, %get3A_54, %dot_general3A_55 {dimension_numbers = #tpu.dot_dimension_numbers<[1], [0], [0], [1], [0, 0, 1, 1], [], []>, transpose_lhs_hint = false} : vector<400x128xf32>, vector<128x1024xf32>, vector<400x1024xf32> -> vector<400x1024xf32>
    %slice3A = vector.extract_strided_slice %dot_general3A_56 {offsets = [0, 0], sizes = [400, 128], strides = [1, 1]} : vector<400x1024xf32> to vector<400x128xf32>
    %get3A_57 = arith.constant 0 : index
    %get3A_58 = arith.constant 0 : index
    %get3A_59 = vector.load %arg10[%get3A_57, %get3A_58] : memref<1x128xf32, #tpu.memory_space<vmem>>, vector<1x128xf32>
    %add3A_60 = vector.broadcast %get3A_59 : vector<1x128xf32> to vector<400x128xf32>
    %add3A_61 = arith.addf %slice3A, %add3A_60 : vector<400x128xf32>
    %gt3A_62 = arith.constant 0.000000e+00 : f32
    %gt3A_63 = vector.broadcast %gt3A_62 : f32 to vector<400x128xf32>
    %gt3A_64 = arith.cmpf ogt, %add3A_61, %gt3A_63 : vector<400x128xf32>
    %mul3A_65 = arith.constant 0.00999999977 : f32
    %mul3A_66 = vector.broadcast %mul3A_65 : f32 to vector<400x128xf32>
    %mul3A_67 = arith.mulf %mul3A_66, %add3A_61 : vector<400x128xf32>
    %select_n3A_68 = arith.select %gt3A_64, %add3A_61, %mul3A_67 : vector<400x128xi1>, vector<400x128xf32>
    %swap3A = arith.constant 0 : index
    %swap3A_69 = arith.constant 0 : index
    %swap3A_70 = vector.load %arg11[%swap3A, %swap3A_69] : memref<3200x128xf32, #tpu.memory_space<vmem>>, vector<400x128xf32>
    tpu.vector_store %arg11[%swap3A, %swap3A_69], %select_n3A_68 {strides = array<i32>} : memref<3200x128xf32, #tpu.memory_space<vmem>>, vector<400x128xf32>,
    %slice3A_71 = vector.extract_strided_slice %dot_general3A_56 {offsets = [0, 128], sizes = [400, 128], strides = [1, 1]} : vector<400x1024xf32> to vector<400x128xf32>
    %get3A_72 = arith.constant 0 : index
    %get3A_73 = arith.constant 0 : index
    %get3A_74 = vector.load %arg10[%get3A_72, %get3A_73] : memref<1x128xf32, #tpu.memory_space<vmem>>, vector<1x128xf32>
    %add3A_75 = vector.broadcast %get3A_74 : vector<1x128xf32> to vector<400x128xf32>
    %add3A_76 = arith.addf %slice3A_71, %add3A_75 : vector<400x128xf32>
    %gt3A_77 = arith.constant 0.000000e+00 : f32
    %gt3A_78 = vector.broadcast %gt3A_77 : f32 to vector<400x128xf32>
    %gt3A_79 = arith.cmpf ogt, %add3A_76, %gt3A_78 : vector<400x128xf32>
    %mul3A_80 = arith.constant 0.00999999977 : f32
    %mul3A_81 = vector.broadcast %mul3A_80 : f32 to vector<400x128xf32>
    %mul3A_82 = arith.mulf %mul3A_81, %add3A_76 : vector<400x128xf32>
    %select_n3A_83 = arith.select %gt3A_79, %add3A_76, %mul3A_82 : vector<400x128xi1>, vector<400x128xf32>
    %swap3A_84 = arith.constant 400 : index
    %swap3A_85 = arith.constant 0 : index
    %swap3A_86 = vector.load %arg11[%swap3A_84, %swap3A_85] : memref<3200x128xf32, #tpu.memory_space<vmem>>, vector<400x128xf32>
    tpu.vector_store %arg11[%swap3A_84, %swap3A_85], %select_n3A_83 {strides = array<i32>} : memref<3200x128xf32, #tpu.memory_space<vmem>>, vector<400x128xf32>,
    %slice3A_87 = vector.extract_strided_slice %dot_general3A_56 {offsets = [0, 256], sizes = [400, 128], strides = [1, 1]} : vector<400x1024xf32> to vector<400x128xf32>
    %get3A_88 = arith.constant 0 : index
    %get3A_89 = arith.constant 0 : index
    %get3A_90 = vector.load %arg10[%get3A_88, %get3A_89] : memref<1x128xf32, #tpu.memory_space<vmem>>, vector<1x128xf32>
    %add3A_91 = vector.broadcast %get3A_90 : vector<1x128xf32> to vector<400x128xf32>
    %add3A_92 = arith.addf %slice3A_87, %add3A_91 : vector<400x128xf32>
    %gt3A_93 = arith.constant 0.000000e+00 : f32
    %gt3A_94 = vector.broadcast %gt3A_93 : f32 to vector<400x128xf32>
    %gt3A_95 = arith.cmpf ogt, %add3A_92, %gt3A_94 : vector<400x128xf32>
    %mul3A_96 = arith.constant 0.00999999977 : f32
    %mul3A_97 = vector.broadcast %mul3A_96 : f32 to vector<400x128xf32>
    %mul3A_98 = arith.mulf %mul3A_97, %add3A_92 : vector<400x128xf32>
    %select_n3A_99 = arith.select %gt3A_95, %add3A_92, %mul3A_98 : vector<400x128xi1>, vector<400x128xf32>
    %swap3A_100 = arith.constant 800 : index
    %swap3A_101 = arith.constant 0 : index
    %swap3A_102 = vector.load %arg11[%swap3A_100, %swap3A_101] : memref<3200x128xf32, #tpu.memory_space<vmem>>, vector<400x128xf32>
    tpu.vector_store %arg11[%swap3A_100, %swap3A_101], %select_n3A_99 {strides = array<i32>} : memref<3200x128xf32, #tpu.memory_space<vmem>>, vector<400x128xf32>,
    %slice3A_103 = vector.extract_strided_slice %dot_general3A_56 {offsets = [0, 384], sizes = [400, 128], strides = [1, 1]} : vector<400x1024xf32> to vector<400x128xf32>
    %get3A_104 = arith.constant 0 : index
    %get3A_105 = arith.constant 0 : index
    %get3A_106 = vector.load %arg10[%get3A_104, %get3A_105] : memref<1x128xf32, #tpu.memory_space<vmem>>, vector<1x128xf32>
    %add3A_107 = vector.broadcast %get3A_106 : vector<1x128xf32> to vector<400x128xf32>
    %add3A_108 = arith.addf %slice3A_103, %add3A_107 : vector<400x128xf32>
    %gt3A_109 = arith.constant 0.000000e+00 : f32
    %gt3A_110 = vector.broadcast %gt3A_109 : f32 to vector<400x128xf32>
    %gt3A_111 = arith.cmpf ogt, %add3A_108, %gt3A_110 : vector<400x128xf32>
    %mul3A_112 = arith.constant 0.00999999977 : f32
    %mul3A_113 = vector.broadcast %mul3A_112 : f32 to vector<400x128xf32>
    %mul3A_114 = arith.mulf %mul3A_113, %add3A_108 : vector<400x128xf32>
    %select_n3A_115 = arith.select %gt3A_111, %add3A_108, %mul3A_114 : vector<400x128xi1>, vector<400x128xf32>
    %swap3A_116 = arith.constant 1200 : index
    %swap3A_117 = arith.constant 0 : index
    %swap3A_118 = vector.load %arg11[%swap3A_116, %swap3A_117] : memref<3200x128xf32, #tpu.memory_space<vmem>>, vector<400x128xf32>
    tpu.vector_store %arg11[%swap3A_116, %swap3A_117], %select_n3A_115 {strides = array<i32>} : memref<3200x128xf32, #tpu.memory_space<vmem>>, vector<400x128xf32>,
    %slice3A_119 = vector.extract_strided_slice %dot_general3A_56 {offsets = [0, 512], sizes = [400, 128], strides = [1, 1]} : vector<400x1024xf32> to vector<400x128xf32>
    %get3A_120 = arith.constant 0 : index
    %get3A_121 = arith.constant 0 : index
    %get3A_122 = vector.load %arg10[%get3A_120, %get3A_121] : memref<1x128xf32, #tpu.memory_space<vmem>>, vector<1x128xf32>
    %add3A_123 = vector.broadcast %get3A_122 : vector<1x128xf32> to vector<400x128xf32>
    %add3A_124 = arith.addf %slice3A_119, %add3A_123 : vector<400x128xf32>
    %gt3A_125 = arith.constant 0.000000e+00 : f32
    %gt3A_126 = vector.broadcast %gt3A_125 : f32 to vector<400x128xf32>
    %gt3A_127 = arith.cmpf ogt, %add3A_124, %gt3A_126 : vector<400x128xf32>
    %mul3A_128 = arith.constant 0.00999999977 : f32
    %mul3A_129 = vector.broadcast %mul3A_128 : f32 to vector<400x128xf32>
    %mul3A_130 = arith.mulf %mul3A_129, %add3A_124 : vector<400x128xf32>
    %select_n3A_131 = arith.select %gt3A_127, %add3A_124, %mul3A_130 : vector<400x128xi1>, vector<400x128xf32>
    %swap3A_132 = arith.constant 1600 : index
    %swap3A_133 = arith.constant 0 : index
    %swap3A_134 = vector.load %arg11[%swap3A_132, %swap3A_133] : memref<3200x128xf32, #tpu.memory_space<vmem>>, vector<400x128xf32>
    tpu.vector_store %arg11[%swap3A_132, %swap3A_133], %select_n3A_131 {strides = array<i32>} : memref<3200x128xf32, #tpu.memory_space<vmem>>, vector<400x128xf32>,
    %slice3A_135 = vector.extract_strided_slice %dot_general3A_56 {offsets = [0, 640], sizes = [400, 128], strides = [1, 1]} : vector<400x1024xf32> to vector<400x128xf32>
    %get3A_136 = arith.constant 0 : index
    %get3A_137 = arith.constant 0 : index
    %get3A_138 = vector.load %arg10[%get3A_136, %get3A_137] : memref<1x128xf32, #tpu.memory_space<vmem>>, vector<1x128xf32>
    %add3A_139 = vector.broadcast %get3A_138 : vector<1x128xf32> to vector<400x128xf32>
    %add3A_140 = arith.addf %slice3A_135, %add3A_139 : vector<400x128xf32>
    %gt3A_141 = arith.constant 0.000000e+00 : f32
    %gt3A_142 = vector.broadcast %gt3A_141 : f32 to vector<400x128xf32>
    %gt3A_143 = arith.cmpf ogt, %add3A_140, %gt3A_142 : vector<400x128xf32>
    %mul3A_144 = arith.constant 0.00999999977 : f32
    %mul3A_145 = vector.broadcast %mul3A_144 : f32 to vector<400x128xf32>
    %mul3A_146 = arith.mulf %mul3A_145, %add3A_140 : vector<400x128xf32>
    %select_n3A_147 = arith.select %gt3A_143, %add3A_140, %mul3A_146 : vector<400x128xi1>, vector<400x128xf32>
    %swap3A_148 = arith.constant 2000 : index
    %swap3A_149 = arith.constant 0 : index
    %swap3A_150 = vector.load %arg11[%swap3A_148, %swap3A_149] : memref<3200x128xf32, #tpu.memory_space<vmem>>, vector<400x128xf32>
    tpu.vector_store %arg11[%swap3A_148, %swap3A_149], %select_n3A_147 {strides = array<i32>} : memref<3200x128xf32, #tpu.memory_space<vmem>>, vector<400x128xf32>,
    %slice3A_151 = vector.extract_strided_slice %dot_general3A_56 {offsets = [0, 768], sizes = [400, 128], strides = [1, 1]} : vector<400x1024xf32> to vector<400x128xf32>
    %get3A_152 = arith.constant 0 : index
    %get3A_153 = arith.constant 0 : index
    %get3A_154 = vector.load %arg10[%get3A_152, %get3A_153] : memref<1x128xf32, #tpu.memory_space<vmem>>, vector<1x128xf32>
    %add3A_155 = vector.broadcast %get3A_154 : vector<1x128xf32> to vector<400x128xf32>
    %add3A_156 = arith.addf %slice3A_151, %add3A_155 : vector<400x128xf32>
    %gt3A_157 = arith.constant 0.000000e+00 : f32
    %gt3A_158 = vector.broadcast %gt3A_157 : f32 to vector<400x128xf32>
    %gt3A_159 = arith.cmpf ogt, %add3A_156, %gt3A_158 : vector<400x128xf32>
    %mul3A_160 = arith.constant 0.00999999977 : f32
    %mul3A_161 = vector.broadcast %mul3A_160 : f32 to vector<400x128xf32>
    %mul3A_162 = arith.mulf %mul3A_161, %add3A_156 : vector<400x128xf32>
    %select_n3A_163 = arith.select %gt3A_159, %add3A_156, %mul3A_162 : vector<400x128xi1>, vector<400x128xf32>
    %swap3A_164 = arith.constant 2400 : index
    %swap3A_165 = arith.constant 0 : index
    %swap3A_166 = vector.load %arg11[%swap3A_164, %swap3A_165] : memref<3200x128xf32, #tpu.memory_space<vmem>>, vector<400x128xf32>
    tpu.vector_store %arg11[%swap3A_164, %swap3A_165], %select_n3A_163 {strides = array<i32>} : memref<3200x128xf32, #tpu.memory_space<vmem>>, vector<400x128xf32>,
    %slice3A_167 = vector.extract_strided_slice %dot_general3A_56 {offsets = [0, 896], sizes = [400, 128], strides = [1, 1]} : vector<400x1024xf32> to vector<400x128xf32>
    %get3A_168 = arith.constant 0 : index
    %get3A_169 = arith.constant 0 : index
    %get3A_170 = vector.load %arg10[%get3A_168, %get3A_169] : memref<1x128xf32, #tpu.memory_space<vmem>>, vector<1x128xf32>
    %add3A_171 = vector.broadcast %get3A_170 : vector<1x128xf32> to vector<400x128xf32>
    %add3A_172 = arith.addf %slice3A_167, %add3A_171 : vector<400x128xf32>
    %gt3A_173 = arith.constant 0.000000e+00 : f32
    %gt3A_174 = vector.broadcast %gt3A_173 : f32 to vector<400x128xf32>
    %gt3A_175 = arith.cmpf ogt, %add3A_172, %gt3A_174 : vector<400x128xf32>
    %mul3A_176 = arith.constant 0.00999999977 : f32
    %mul3A_177 = vector.broadcast %mul3A_176 : f32 to vector<400x128xf32>
    %mul3A_178 = arith.mulf %mul3A_177, %add3A_172 : vector<400x128xf32>
    %select_n3A_179 = arith.select %gt3A_175, %add3A_172, %mul3A_178 : vector<400x128xi1>, vector<400x128xf32>
    %swap3A_180 = arith.constant 2800 : index
    %swap3A_181 = arith.constant 0 : index
    %swap3A_182 = vector.load %arg11[%swap3A_180, %swap3A_181] : memref<3200x128xf32, #tpu.memory_space<vmem>>, vector<400x128xf32>
    tpu.vector_store %arg11[%swap3A_180, %swap3A_181], %select_n3A_179 {strides = array<i32>} : memref<3200x128xf32, #tpu.memory_space<vmem>>, vector<400x128xf32>,
    return
  }
  func.func @transform_0(%arg0: i32) -> (i32, i32) {
    %add3A = arith.constant 0 : i32
    %add3A_0 = arith.addi %arg0, %add3A : i32
    %c0_i32 = arith.constant 0 : i32
    %c0_i32_1 = arith.constant 0 : i32
    return %add3A_0, %c0_i32 : i32, i32
  }
  func.func @transform_1(%arg0: i32) -> (i32, i32) {
    %c0_i32 = arith.constant 0 : i32
    %c0_i32_0 = arith.constant 0 : i32
    return %arg0, %c0_i32 : i32, i32
  }
  func.func @transform_2(%arg0: i32) -> (i32, i32) {
    %c0_i32 = arith.constant 0 : i32
    %c0_i32_0 = arith.constant 0 : i32
    %c0_i32_1 = arith.constant 0 : i32
    return %c0_i32, %c0_i32_0 : i32, i32
  }
  func.func @transform_3(%arg0: i32) -> (i32, i32) {
    %c0_i32 = arith.constant 0 : i32
    %c0_i32_0 = arith.constant 0 : i32
    %c0_i32_1 = arith.constant 0 : i32
    return %c0_i32, %c0_i32_0 : i32, i32
  }
  func.func @transform_4(%arg0: i32) -> (i32, i32) {
    %c0_i32 = arith.constant 0 : i32
    %c0_i32_0 = arith.constant 0 : i32
    %c0_i32_1 = arith.constant 0 : i32
    return %c0_i32, %c0_i32_0 : i32, i32
  }
  func.func @transform_5(%arg0: i32) -> (i32, i32) {
    %c0_i32 = arith.constant 0 : i32
    %c0_i32_0 = arith.constant 0 : i32
    %c0_i32_1 = arith.constant 0 : i32
    return %c0_i32, %c0_i32_0 : i32, i32
  }
  func.func @transform_6(%arg0: i32) -> (i32, i32) {
    %c0_i32 = arith.constant 0 : i32
    %c0_i32_0 = arith.constant 0 : i32
    %c0_i32_1 = arith.constant 0 : i32
    return %c0_i32, %c0_i32_0 : i32, i32
  }
  func.func @transform_7(%arg0: i32) -> (i32, i32) {
    %c0_i32 = arith.constant 0 : i32
    %c0_i32_0 = arith.constant 0 : i32
    %c0_i32_1 = arith.constant 0 : i32
    return %c0_i32, %c0_i32_0 : i32, i32
  }
  func.func @transform_8(%arg0: i32) -> (i32, i32) {
    %c0_i32 = arith.constant 0 : i32
    %c0_i32_0 = arith.constant 0 : i32
    %c0_i32_1 = arith.constant 0 : i32
    return %c0_i32, %c0_i32_0 : i32, i32
  }
  func.func @transform_9(%arg0: i32) -> (i32, i32) {
    %c0_i32 = arith.constant 0 : i32
    %c0_i32_0 = arith.constant 0 : i32
    %c0_i32_1 = arith.constant 0 : i32
    return %c0_i32, %c0_i32_0 : i32, i32
  }
  func.func @transform_10(%arg0: i32) -> (i32, i32) {
    %c0_i32 = arith.constant 0 : i32
    %c0_i32_0 = arith.constant 0 : i32
    return %arg0, %c0_i32 : i32, i32
  }
}

module attributes {stable_mosaic.version = 14 : i64} {
  func.func @_msg_body(%arg0: i32, %arg1: memref<400x128xf32, #tpu.memory_space<vmem>>, %arg2: memref<400x128xf32, #tpu.memory_space<vmem>>, %arg3: memref<128x128xf32, #tpu.memory_space<vmem>>, %arg4: memref<1x128xf32, #tpu.memory_space<vmem>>, %arg5: memref<128x512xf32, #tpu.memory_space<vmem>>, %arg6: memref<1x512xf32, #tpu.memory_space<vmem>>, %arg7: memref<512x128xf32, #tpu.memory_space<vmem>>, %arg8: memref<1x128xf32, #tpu.memory_space<vmem>>, %arg9: memref<128x1024xf32, #tpu.memory_space<vmem>>, %arg10: memref<1x128xf32, #tpu.memory_space<vmem>>, %arg11: memref<3200x128xf32, #tpu.memory_space<vmem>>) attributes {dimension_semantics = [#tpu.dimension_semantics<arbitrary>], iteration_bounds = array<i64: 48>, scalar_prefetch = 0 : i64, scratch_operands = 0 : i64, tpu.core_type = #tpu.core_type<tc>, window_params = [{transform_indices = @transform_0, window_bounds = array<i64: 400, 128>}, {transform_indices = @transform_1, window_bounds = array<i64: 400, 128>}, {pipeline_mode = #tpu.pipeline_mode<synchronous>, transform_indices = @transform_2, window_bounds = array<i64: 128, 128>}, {pipeline_mode = #tpu.pipeline_mode<synchronous>, transform_indices = @transform_3, window_bounds = array<i64: 1, 128>}, {pipeline_mode = #tpu.pipeline_mode<synchronous>, transform_indices = @transform_4, window_bounds = array<i64: 128, 512>}, {pipeline_mode = #tpu.pipeline_mode<synchronous>, transform_indices = @transform_5, window_bounds = array<i64: 1, 512>}, {pipeline_mode = #tpu.pipeline_mode<synchronous>, transform_indices = @transform_6, window_bounds = array<i64: 512, 128>}, {pipeline_mode = #tpu.pipeline_mode<synchronous>, transform_indices = @transform_7, window_bounds = array<i64: 1, 128>}, {pipeline_mode = #tpu.pipeline_mode<synchronous>, transform_indices = @transform_8, window_bounds = array<i64: 128, 1024>}, {pipeline_mode = #tpu.pipeline_mode<synchronous>, transform_indices = @transform_9, window_bounds = array<i64: 1, 128>}, {transform_indices = @transform_10, window_bounds = array<i64: 3200, 128>}]} {
    %get3A = arith.constant 0 : index
    %get3A_0 = arith.constant 0 : index
    %get3A_1 = vector.load %arg1[%get3A, %get3A_0] : memref<400x128xf32, #tpu.memory_space<vmem>>, vector<400x128xf32>
    %get3A_2 = arith.constant 0 : index
    %get3A_3 = arith.constant 0 : index
    %get3A_4 = vector.load %arg3[%get3A_2, %get3A_3] : memref<128x128xf32, #tpu.memory_space<vmem>>, vector<128x128xf32>
    %dot_general3A = arith.constant dense<0.000000e+00> : vector<400x128xf32>
    %dot_general3A_5 = tpu.matmul %get3A_1, %get3A_4, %dot_general3A {dimension_numbers = #tpu.dot_dimension_numbers<[1], [0], [0], [1], [0, 0, 1, 1], [], []>, transpose_lhs_hint = false} : vector<400x128xf32>, vector<128x128xf32>, vector<400x128xf32> -> vector<400x128xf32>
    %get3A_6 = arith.constant 0 : index
    %get3A_7 = arith.constant 0 : index
    %get3A_8 = vector.load %arg4[%get3A_6, %get3A_7] : memref<1x128xf32, #tpu.memory_space<vmem>>, vector<1x128xf32>
    %add3A = vector.broadcast %get3A_8 : vector<1x128xf32> to vector<400x128xf32>
    %add3A_9 = arith.addf %dot_general3A_5, %add3A : vector<400x128xf32>
    %gt3A = arith.constant 0.000000e+00 : f32
    %gt3A_10 = vector.broadcast %gt3A : f32 to vector<400x128xf32>
    %gt3A_11 = arith.cmpf ogt, %add3A_9, %gt3A_10 : vector<400x128xf32>
    %mul3A = arith.constant 0.00999999977 : f32
    %mul3A_12 = vector.broadcast %mul3A : f32 to vector<400x128xf32>
    %mul3A_13 = arith.mulf %mul3A_12, %add3A_9 : vector<400x128xf32>
    %select_n3A = arith.select %gt3A_11, %add3A_9, %mul3A_13 : vector<400x128xi1>, vector<400x128xf32>
    %get3A_14 = arith.constant 0 : index
    %get3A_15 = arith.constant 0 : index
    %get3A_16 = vector.load %arg5[%get3A_14, %get3A_15] : memref<128x512xf32, #tpu.memory_space<vmem>>, vector<128x512xf32>
    %dot_general3A_17 = arith.constant dense<0.000000e+00> : vector<400x512xf32>
    %dot_general3A_18 = tpu.matmul %select_n3A, %get3A_16, %dot_general3A_17 {dimension_numbers = #tpu.dot_dimension_numbers<[1], [0], [0], [1], [0, 0, 1, 1], [], []>, transpose_lhs_hint = false} : vector<400x128xf32>, vector<128x512xf32>, vector<400x512xf32> -> vector<400x512xf32>
    %get3A_19 = arith.constant 0 : index
    %get3A_20 = arith.constant 0 : index
    %get3A_21 = vector.load %arg6[%get3A_19, %get3A_20] : memref<1x512xf32, #tpu.memory_space<vmem>>, vector<1x512xf32>
    %add3A_22 = vector.broadcast %get3A_21 : vector<1x512xf32> to vector<400x512xf32>
    %add3A_23 = arith.addf %dot_general3A_18, %add3A_22 : vector<400x512xf32>
    %gt3A_24 = arith.constant 0.000000e+00 : f32
    %gt3A_25 = vector.broadcast %gt3A_24 : f32 to vector<400x512xf32>
    %gt3A_26 = arith.cmpf ogt, %add3A_23, %gt3A_25 : vector<400x512xf32>
    %mul3A_27 = arith.constant 0.00999999977 : f32
    %mul3A_28 = vector.broadcast %mul3A_27 : f32 to vector<400x512xf32>
    %mul3A_29 = arith.mulf %mul3A_28, %add3A_23 : vector<400x512xf32>
    %select_n3A_30 = arith.select %gt3A_26, %add3A_23, %mul3A_29 : vector<400x512xi1>, vector<400x512xf32>
    %get3A_31 = arith.constant 0 : index
    %get3A_32 = arith.constant 0 : index
    %get3A_33 = vector.load %arg7[%get3A_31, %get3A_32] : memref<512x128xf32, #tpu.memory_space<vmem>>, vector<512x128xf32>
    %dot_general3A_34 = arith.constant dense<0.000000e+00> : vector<400x128xf32>
    %dot_general3A_35 = tpu.matmul %select_n3A_30, %get3A_33, %dot_general3A_34 {dimension_numbers = #tpu.dot_dimension_numbers<[1], [0], [0], [1], [0, 0, 1, 1], [], []>, transpose_lhs_hint = false} : vector<400x512xf32>, vector<512x128xf32>, vector<400x128xf32> -> vector<400x128xf32>
    %get3A_36 = arith.constant 0 : index
    %get3A_37 = arith.constant 0 : index
    %get3A_38 = vector.load %arg2[%get3A_36, %get3A_37] : memref<400x128xf32, #tpu.memory_space<vmem>>, vector<400x128xf32>
    %add3A_39 = arith.addf %dot_general3A_35, %get3A_38 : vector<400x128xf32>
    %get3A_40 = arith.constant 0 : index
    %get3A_41 = arith.constant 0 : index
    %get3A_42 = vector.load %arg8[%get3A_40, %get3A_41] : memref<1x128xf32, #tpu.memory_space<vmem>>, vector<1x128xf32>
    %add3A_43 = vector.broadcast %get3A_42 : vector<1x128xf32> to vector<400x128xf32>
    %add3A_44 = arith.addf %add3A_39, %add3A_43 : vector<400x128xf32>
    %gt3A_45 = arith.constant 0.000000e+00 : f32
    %gt3A_46 = vector.broadcast %gt3A_45 : f32 to vector<400x128xf32>
    %gt3A_47 = arith.cmpf ogt, %add3A_44, %gt3A_46 : vector<400x128xf32>
    %mul3A_48 = arith.constant 0.00999999977 : f32
    %mul3A_49 = vector.broadcast %mul3A_48 : f32 to vector<400x128xf32>
    %mul3A_50 = arith.mulf %mul3A_49, %add3A_44 : vector<400x128xf32>
    %select_n3A_51 = arith.select %gt3A_47, %add3A_44, %mul3A_50 : vector<400x128xi1>, vector<400x128xf32>
    %get3A_52 = arith.constant 0 : index
    %get3A_53 = arith.constant 0 : index
    %get3A_54 = vector.load %arg9[%get3A_52, %get3A_53] : memref<128x1024xf32, #tpu.memory_space<vmem>>, vector<128x1024xf32>
    %dot_general3A_55 = arith.constant dense<0.000000e+00> : vector<400x1024xf32>
    %dot_general3A_56 = tpu.matmul %select_n3A_51, %get3A_54, %dot_general3A_55 {dimension_numbers = #tpu.dot_dimension_numbers<[1], [0], [0], [1], [0, 0, 1, 1], [], []>, transpose_lhs_hint = false} : vector<400x128xf32>, vector<128x1024xf32>, vector<400x1024xf32> -> vector<400x1024xf32>
    %slice3A = vector.extract_strided_slice %dot_general3A_56 {offsets = [0, 0], sizes = [400, 128], strides = [1, 1]} : vector<400x1024xf32> to vector<400x128xf32>
    %get3A_57 = arith.constant 0 : index
    %get3A_58 = arith.constant 0 : index
    %get3A_59 = vector.load %arg10[%get3A_57, %get3A_58] : memref<1x128xf32, #tpu.memory_space<vmem>>, vector<1x128xf32>
    %add3A_60 = vector.broadcast %get3A_59 : vector<1x128xf32> to vector<400x128xf32>
    %add3A_61 = arith.addf %slice3A, %add3A_60 : vector<400x128xf32>
    %gt3A_62 = arith.constant 0.000000e+00 : f32
    %gt3A_63 = vector.broadcast %gt3A_62 : f32 to vector<400x128xf32>
    %gt3A_64 = arith.cmpf ogt, %add3A_61, %gt3A_63 : vector<400x128xf32>
    %mul3A_65 = arith.constant 0.00999999977 : f32
    %mul3A_66 = vector.broadcast %mul3A_65 : f32 to vector<400x128xf32>
    %mul3A_67 = arith.mulf %mul3A_66, %add3A_61 : vector<400x128xf32>
    %select_n3A_68 = arith.select %gt3A_64, %add3A_61, %mul3A_67 : vector<400x128xi1>, vector<400x128xf32>
    %swap3A = arith.constant 0 : index
    %swap3A_69 = arith.constant 0 : index
    %swap3A_70 = vector.load %arg11[%swap3A, %swap3A_69] : memref<3200x128xf32, #tpu.memory_space<vmem>>, vector<400x128xf32>
    tpu.vector_store %arg11[%swap3A, %swap3A_69], %select_n3A_68 {strides = array<i32>} : memref<3200x128xf32, #tpu.memory_space<vmem>>, vector<400x128xf32>,
    %slice3A_71 = vector.extract_strided_slice %dot_general3A_56 {offsets = [0, 128], sizes = [400, 128], strides = [1, 1]} : vector<400x1024xf32> to vector<400x128xf32>
    %get3A_72 = arith.constant 0 : index
    %get3A_73 = arith.constant 0 : index
    %get3A_74 = vector.load %arg10[%get3A_72, %get3A_73] : memref<1x128xf32, #tpu.memory_space<vmem>>, vector<1x128xf32>
    %add3A_75 = vector.broadcast %get3A_74 : vector<1x128xf32> to vector<400x128xf32>
    %add3A_76 = arith.addf %slice3A_71, %add3A_75 : vector<400x128xf32>
    %gt3A_77 = arith.constant 0.000000e+00 : f32
    %gt3A_78 = vector.broadcast %gt3A_77 : f32 to vector<400x128xf32>
    %gt3A_79 = arith.cmpf ogt, %add3A_76, %gt3A_78 : vector<400x128xf32>
    %mul3A_80 = arith.constant 0.00999999977 : f32
    %mul3A_81 = vector.broadcast %mul3A_80 : f32 to vector<400x128xf32>
    %mul3A_82 = arith.mulf %mul3A_81, %add3A_76 : vector<400x128xf32>
    %select_n3A_83 = arith.select %gt3A_79, %add3A_76, %mul3A_82 : vector<400x128xi1>, vector<400x128xf32>
    %swap3A_84 = arith.constant 400 : index
    %swap3A_85 = arith.constant 0 : index
    %swap3A_86 = vector.load %arg11[%swap3A_84, %swap3A_85] : memref<3200x128xf32, #tpu.memory_space<vmem>>, vector<400x128xf32>
    tpu.vector_store %arg11[%swap3A_84, %swap3A_85], %select_n3A_83 {strides = array<i32>} : memref<3200x128xf32, #tpu.memory_space<vmem>>, vector<400x128xf32>,
    %slice3A_87 = vector.extract_strided_slice %dot_general3A_56 {offsets = [0, 256], sizes = [400, 128], strides = [1, 1]} : vector<400x1024xf32> to vector<400x128xf32>
    %get3A_88 = arith.constant 0 : index
    %get3A_89 = arith.constant 0 : index
    %get3A_90 = vector.load %arg10[%get3A_88, %get3A_89] : memref<1x128xf32, #tpu.memory_space<vmem>>, vector<1x128xf32>
    %add3A_91 = vector.broadcast %get3A_90 : vector<1x128xf32> to vector<400x128xf32>
    %add3A_92 = arith.addf %slice3A_87, %add3A_91 : vector<400x128xf32>
    %gt3A_93 = arith.constant 0.000000e+00 : f32
    %gt3A_94 = vector.broadcast %gt3A_93 : f32 to vector<400x128xf32>
    %gt3A_95 = arith.cmpf ogt, %add3A_92, %gt3A_94 : vector<400x128xf32>
    %mul3A_96 = arith.constant 0.00999999977 : f32
    %mul3A_97 = vector.broadcast %mul3A_96 : f32 to vector<400x128xf32>
    %mul3A_98 = arith.mulf %mul3A_97, %add3A_92 : vector<400x128xf32>
    %select_n3A_99 = arith.select %gt3A_95, %add3A_92, %mul3A_98 : vector<400x128xi1>, vector<400x128xf32>
    %swap3A_100 = arith.constant 800 : index
    %swap3A_101 = arith.constant 0 : index
    %swap3A_102 = vector.load %arg11[%swap3A_100, %swap3A_101] : memref<3200x128xf32, #tpu.memory_space<vmem>>, vector<400x128xf32>
    tpu.vector_store %arg11[%swap3A_100, %swap3A_101], %select_n3A_99 {strides = array<i32>} : memref<3200x128xf32, #tpu.memory_space<vmem>>, vector<400x128xf32>,
    %slice3A_103 = vector.extract_strided_slice %dot_general3A_56 {offsets = [0, 384], sizes = [400, 128], strides = [1, 1]} : vector<400x1024xf32> to vector<400x128xf32>
    %get3A_104 = arith.constant 0 : index
    %get3A_105 = arith.constant 0 : index
    %get3A_106 = vector.load %arg10[%get3A_104, %get3A_105] : memref<1x128xf32, #tpu.memory_space<vmem>>, vector<1x128xf32>
    %add3A_107 = vector.broadcast %get3A_106 : vector<1x128xf32> to vector<400x128xf32>
    %add3A_108 = arith.addf %slice3A_103, %add3A_107 : vector<400x128xf32>
    %gt3A_109 = arith.constant 0.000000e+00 : f32
    %gt3A_110 = vector.broadcast %gt3A_109 : f32 to vector<400x128xf32>
    %gt3A_111 = arith.cmpf ogt, %add3A_108, %gt3A_110 : vector<400x128xf32>
    %mul3A_112 = arith.constant 0.00999999977 : f32
    %mul3A_113 = vector.broadcast %mul3A_112 : f32 to vector<400x128xf32>
    %mul3A_114 = arith.mulf %mul3A_113, %add3A_108 : vector<400x128xf32>
    %select_n3A_115 = arith.select %gt3A_111, %add3A_108, %mul3A_114 : vector<400x128xi1>, vector<400x128xf32>
    %swap3A_116 = arith.constant 1200 : index
    %swap3A_117 = arith.constant 0 : index
    %swap3A_118 = vector.load %arg11[%swap3A_116, %swap3A_117] : memref<3200x128xf32, #tpu.memory_space<vmem>>, vector<400x128xf32>
    tpu.vector_store %arg11[%swap3A_116, %swap3A_117], %select_n3A_115 {strides = array<i32>} : memref<3200x128xf32, #tpu.memory_space<vmem>>, vector<400x128xf32>,
    %slice3A_119 = vector.extract_strided_slice %dot_general3A_56 {offsets = [0, 512], sizes = [400, 128], strides = [1, 1]} : vector<400x1024xf32> to vector<400x128xf32>
    %get3A_120 = arith.constant 0 : index
    %get3A_121 = arith.constant 0 : index
    %get3A_122 = vector.load %arg10[%get3A_120, %get3A_121] : memref<1x128xf32, #tpu.memory_space<vmem>>, vector<1x128xf32>
    %add3A_123 = vector.broadcast %get3A_122 : vector<1x128xf32> to vector<400x128xf32>
    %add3A_124 = arith.addf %slice3A_119, %add3A_123 : vector<400x128xf32>
    %gt3A_125 = arith.constant 0.000000e+00 : f32
    %gt3A_126 = vector.broadcast %gt3A_125 : f32 to vector<400x128xf32>
    %gt3A_127 = arith.cmpf ogt, %add3A_124, %gt3A_126 : vector<400x128xf32>
    %mul3A_128 = arith.constant 0.00999999977 : f32
    %mul3A_129 = vector.broadcast %mul3A_128 : f32 to vector<400x128xf32>
    %mul3A_130 = arith.mulf %mul3A_129, %add3A_124 : vector<400x128xf32>
    %select_n3A_131 = arith.select %gt3A_127, %add3A_124, %mul3A_130 : vector<400x128xi1>, vector<400x128xf32>
    %swap3A_132 = arith.constant 1600 : index
    %swap3A_133 = arith.constant 0 : index
    %swap3A_134 = vector.load %arg11[%swap3A_132, %swap3A_133] : memref<3200x128xf32, #tpu.memory_space<vmem>>, vector<400x128xf32>
    tpu.vector_store %arg11[%swap3A_132, %swap3A_133], %select_n3A_131 {strides = array<i32>} : memref<3200x128xf32, #tpu.memory_space<vmem>>, vector<400x128xf32>,
    %slice3A_135 = vector.extract_strided_slice %dot_general3A_56 {offsets = [0, 640], sizes = [400, 128], strides = [1, 1]} : vector<400x1024xf32> to vector<400x128xf32>
    %get3A_136 = arith.constant 0 : index
    %get3A_137 = arith.constant 0 : index
    %get3A_138 = vector.load %arg10[%get3A_136, %get3A_137] : memref<1x128xf32, #tpu.memory_space<vmem>>, vector<1x128xf32>
    %add3A_139 = vector.broadcast %get3A_138 : vector<1x128xf32> to vector<400x128xf32>
    %add3A_140 = arith.addf %slice3A_135, %add3A_139 : vector<400x128xf32>
    %gt3A_141 = arith.constant 0.000000e+00 : f32
    %gt3A_142 = vector.broadcast %gt3A_141 : f32 to vector<400x128xf32>
    %gt3A_143 = arith.cmpf ogt, %add3A_140, %gt3A_142 : vector<400x128xf32>
    %mul3A_144 = arith.constant 0.00999999977 : f32
    %mul3A_145 = vector.broadcast %mul3A_144 : f32 to vector<400x128xf32>
    %mul3A_146 = arith.mulf %mul3A_145, %add3A_140 : vector<400x128xf32>
    %select_n3A_147 = arith.select %gt3A_143, %add3A_140, %mul3A_146 : vector<400x128xi1>, vector<400x128xf32>
    %swap3A_148 = arith.constant 2000 : index
    %swap3A_149 = arith.constant 0 : index
    %swap3A_150 = vector.load %arg11[%swap3A_148, %swap3A_149] : memref<3200x128xf32, #tpu.memory_space<vmem>>, vector<400x128xf32>
    tpu.vector_store %arg11[%swap3A_148, %swap3A_149], %select_n3A_147 {strides = array<i32>} : memref<3200x128xf32, #tpu.memory_space<vmem>>, vector<400x128xf32>,
    %slice3A_151 = vector.extract_strided_slice %dot_general3A_56 {offsets = [0, 768], sizes = [400, 128], strides = [1, 1]} : vector<400x1024xf32> to vector<400x128xf32>
    %get3A_152 = arith.constant 0 : index
    %get3A_153 = arith.constant 0 : index
    %get3A_154 = vector.load %arg10[%get3A_152, %get3A_153] : memref<1x128xf32, #tpu.memory_space<vmem>>, vector<1x128xf32>
    %add3A_155 = vector.broadcast %get3A_154 : vector<1x128xf32> to vector<400x128xf32>
    %add3A_156 = arith.addf %slice3A_151, %add3A_155 : vector<400x128xf32>
    %gt3A_157 = arith.constant 0.000000e+00 : f32
    %gt3A_158 = vector.broadcast %gt3A_157 : f32 to vector<400x128xf32>
    %gt3A_159 = arith.cmpf ogt, %add3A_156, %gt3A_158 : vector<400x128xf32>
    %mul3A_160 = arith.constant 0.00999999977 : f32
    %mul3A_161 = vector.broadcast %mul3A_160 : f32 to vector<400x128xf32>
    %mul3A_162 = arith.mulf %mul3A_161, %add3A_156 : vector<400x128xf32>
    %select_n3A_163 = arith.select %gt3A_159, %add3A_156, %mul3A_162 : vector<400x128xi1>, vector<400x128xf32>
    %swap3A_164 = arith.constant 2400 : index
    %swap3A_165 = arith.constant 0 : index
    %swap3A_166 = vector.load %arg11[%swap3A_164, %swap3A_165] : memref<3200x128xf32, #tpu.memory_space<vmem>>, vector<400x128xf32>
    tpu.vector_store %arg11[%swap3A_164, %swap3A_165], %select_n3A_163 {strides = array<i32>} : memref<3200x128xf32, #tpu.memory_space<vmem>>, vector<400x128xf32>,
    %slice3A_167 = vector.extract_strided_slice %dot_general3A_56 {offsets = [0, 896], sizes = [400, 128], strides = [1, 1]} : vector<400x1024xf32> to vector<400x128xf32>
    %get3A_168 = arith.constant 0 : index
    %get3A_169 = arith.constant 0 : index
    %get3A_170 = vector.load %arg10[%get3A_168, %get3A_169] : memref<1x128xf32, #tpu.memory_space<vmem>>, vector<1x128xf32>
    %add3A_171 = vector.broadcast %get3A_170 : vector<1x128xf32> to vector<400x128xf32>
    %add3A_172 = arith.addf %slice3A_167, %add3A_171 : vector<400x128xf32>
    %gt3A_173 = arith.constant 0.000000e+00 : f32
    %gt3A_174 = vector.broadcast %gt3A_173 : f32 to vector<400x128xf32>
    %gt3A_175 = arith.cmpf ogt, %add3A_172, %gt3A_174 : vector<400x128xf32>
    %mul3A_176 = arith.constant 0.00999999977 : f32
    %mul3A_177 = vector.broadcast %mul3A_176 : f32 to vector<400x128xf32>
    %mul3A_178 = arith.mulf %mul3A_177, %add3A_172 : vector<400x128xf32>
    %select_n3A_179 = arith.select %gt3A_175, %add3A_172, %mul3A_178 : vector<400x128xi1>, vector<400x128xf32>
    %swap3A_180 = arith.constant 2800 : index
    %swap3A_181 = arith.constant 0 : index
    %swap3A_182 = vector.load %arg11[%swap3A_180, %swap3A_181] : memref<3200x128xf32, #tpu.memory_space<vmem>>, vector<400x128xf32>
    tpu.vector_store %arg11[%swap3A_180, %swap3A_181], %select_n3A_179 {strides = array<i32>} : memref<3200x128xf32, #tpu.memory_space<vmem>>, vector<400x128xf32>,
    return
  }
  func.func @transform_0(%arg0: i32) -> (i32, i32) {
    %add3A = arith.constant 52 : i32
    %add3A_0 = arith.addi %arg0, %add3A : i32
    %c0_i32 = arith.constant 0 : i32
    %c0_i32_1 = arith.constant 0 : i32
    return %add3A_0, %c0_i32 : i32, i32
  }
  func.func @transform_1(%arg0: i32) -> (i32, i32) {
    %c0_i32 = arith.constant 0 : i32
    %c0_i32_0 = arith.constant 0 : i32
    return %arg0, %c0_i32 : i32, i32
  }
  func.func @transform_2(%arg0: i32) -> (i32, i32) {
    %c0_i32 = arith.constant 0 : i32
    %c0_i32_0 = arith.constant 0 : i32
    %c0_i32_1 = arith.constant 0 : i32
    return %c0_i32, %c0_i32_0 : i32, i32
  }
  func.func @transform_3(%arg0: i32) -> (i32, i32) {
    %c0_i32 = arith.constant 0 : i32
    %c0_i32_0 = arith.constant 0 : i32
    %c0_i32_1 = arith.constant 0 : i32
    return %c0_i32, %c0_i32_0 : i32, i32
  }
  func.func @transform_4(%arg0: i32) -> (i32, i32) {
    %c0_i32 = arith.constant 0 : i32
    %c0_i32_0 = arith.constant 0 : i32
    %c0_i32_1 = arith.constant 0 : i32
    return %c0_i32, %c0_i32_0 : i32, i32
  }
  func.func @transform_5(%arg0: i32) -> (i32, i32) {
    %c0_i32 = arith.constant 0 : i32
    %c0_i32_0 = arith.constant 0 : i32
    %c0_i32_1 = arith.constant 0 : i32
    return %c0_i32, %c0_i32_0 : i32, i32
  }
  func.func @transform_6(%arg0: i32) -> (i32, i32) {
    %c0_i32 = arith.constant 0 : i32
    %c0_i32_0 = arith.constant 0 : i32
    %c0_i32_1 = arith.constant 0 : i32
    return %c0_i32, %c0_i32_0 : i32, i32
  }
  func.func @transform_7(%arg0: i32) -> (i32, i32) {
    %c0_i32 = arith.constant 0 : i32
    %c0_i32_0 = arith.constant 0 : i32
    %c0_i32_1 = arith.constant 0 : i32
    return %c0_i32, %c0_i32_0 : i32, i32
  }
  func.func @transform_8(%arg0: i32) -> (i32, i32) {
    %c0_i32 = arith.constant 0 : i32
    %c0_i32_0 = arith.constant 0 : i32
    %c0_i32_1 = arith.constant 0 : i32
    return %c0_i32, %c0_i32_0 : i32, i32
  }
  func.func @transform_9(%arg0: i32) -> (i32, i32) {
    %c0_i32 = arith.constant 0 : i32
    %c0_i32_0 = arith.constant 0 : i32
    %c0_i32_1 = arith.constant 0 : i32
    return %c0_i32, %c0_i32_0 : i32, i32
  }
  func.func @transform_10(%arg0: i32) -> (i32, i32) {
    %c0_i32 = arith.constant 0 : i32
    %c0_i32_0 = arith.constant 0 : i32
    return %arg0, %c0_i32 : i32, i32
  }
}

module attributes {stable_mosaic.version = 14 : i64} {
  func.func @_post_body(%arg0: i32, %arg1: memref<2x2000x128xf32, #tpu.memory_space<vmem>>, %arg2: memref<2x2000x128xf32, #tpu.memory_space<vmem>>, %arg3: memref<2000x128xf32, #tpu.memory_space<vmem>>, %arg4: memref<1x128xf32, #tpu.memory_space<vmem>>, %arg5: memref<1x128xf32, #tpu.memory_space<vmem>>, %arg6: memref<1x128xf32, #tpu.memory_space<vmem>>, %arg7: memref<1x128xf32, #tpu.memory_space<vmem>>, %arg8: memref<128x32xf32, #tpu.memory_space<vmem>>, %arg9: memref<128x32xf32, #tpu.memory_space<vmem>>, %arg10: memref<1x32xf32, #tpu.memory_space<vmem>>, %arg11: memref<32x32xf32, #tpu.memory_space<vmem>>, %arg12: memref<1x32xf32, #tpu.memory_space<vmem>>, %arg13: memref<32x128xf32, #tpu.memory_space<vmem>>, %arg14: memref<1x128xf32, #tpu.memory_space<vmem>>, %arg15: memref<2000x128xf32, #tpu.memory_space<vmem>>) attributes {dimension_semantics = [#tpu.dimension_semantics<arbitrary>], iteration_bounds = array<i64: 5>, scalar_prefetch = 0 : i64, scratch_operands = 0 : i64, tpu.core_type = #tpu.core_type<tc>, window_params = [{transform_indices = @transform_0, window_bounds = array<i64: 2, 2000, 128>}, {transform_indices = @transform_1, window_bounds = array<i64: 2, 2000, 128>}, {transform_indices = @transform_2, window_bounds = array<i64: 2000, 128>}, {pipeline_mode = #tpu.pipeline_mode<synchronous>, transform_indices = @transform_3, window_bounds = array<i64: 1, 128>}, {pipeline_mode = #tpu.pipeline_mode<synchronous>, transform_indices = @transform_4, window_bounds = array<i64: 1, 128>}, {pipeline_mode = #tpu.pipeline_mode<synchronous>, transform_indices = @transform_5, window_bounds = array<i64: 1, 128>}, {pipeline_mode = #tpu.pipeline_mode<synchronous>, transform_indices = @transform_6, window_bounds = array<i64: 1, 128>}, {pipeline_mode = #tpu.pipeline_mode<synchronous>, transform_indices = @transform_7, window_bounds = array<i64: 128, 32>}, {pipeline_mode = #tpu.pipeline_mode<synchronous>, transform_indices = @transform_8, window_bounds = array<i64: 128, 32>}, {pipeline_mode = #tpu.pipeline_mode<synchronous>, transform_indices = @transform_9, window_bounds = array<i64: 1, 32>}, {pipeline_mode = #tpu.pipeline_mode<synchronous>, transform_indices = @transform_10, window_bounds = array<i64: 32, 32>}, {pipeline_mode = #tpu.pipeline_mode<synchronous>, transform_indices = @transform_11, window_bounds = array<i64: 1, 32>}, {pipeline_mode = #tpu.pipeline_mode<synchronous>, transform_indices = @transform_12, window_bounds = array<i64: 32, 128>}, {pipeline_mode = #tpu.pipeline_mode<synchronous>, transform_indices = @transform_13, window_bounds = array<i64: 1, 128>}, {transform_indices = @transform_14, window_bounds = array<i64: 2000, 128>}]} {
    %get3A = arith.constant 0 : index
    %get3A_0 = arith.constant 0 : index
    %get3A_1 = arith.constant 0 : index
    %get3A_2 = vector.load %arg1[%get3A, %get3A_0, %get3A_1] : memref<2x2000x128xf32, #tpu.memory_space<vmem>>, vector<1x2000x128xf32>
    %get3A_3 = vector.shape_cast %get3A_2 : vector<1x2000x128xf32> to vector<2000x128xf32>
    %get3A_4 = arith.constant 1 : index
    %get3A_5 = arith.constant 0 : index
    %get3A_6 = arith.constant 0 : index
    %get3A_7 = vector.load %arg1[%get3A_4, %get3A_5, %get3A_6] : memref<2x2000x128xf32, #tpu.memory_space<vmem>>, vector<1x2000x128xf32>
    %get3A_8 = vector.shape_cast %get3A_7 : vector<1x2000x128xf32> to vector<2000x128xf32>
    %add3A = arith.addf %get3A_3, %get3A_8 : vector<2000x128xf32>
    %get3A_9 = arith.constant 0 : index
    %get3A_10 = arith.constant 0 : index
    %get3A_11 = arith.constant 0 : index
    %get3A_12 = vector.load %arg2[%get3A_9, %get3A_10, %get3A_11] : memref<2x2000x128xf32, #tpu.memory_space<vmem>>, vector<1x2000x128xf32>
    %get3A_13 = vector.shape_cast %get3A_12 : vector<1x2000x128xf32> to vector<2000x128xf32>
    %get3A_14 = arith.constant 1 : index
    %get3A_15 = arith.constant 0 : index
    %get3A_16 = arith.constant 0 : index
    %get3A_17 = vector.load %arg2[%get3A_14, %get3A_15, %get3A_16] : memref<2x2000x128xf32, #tpu.memory_space<vmem>>, vector<1x2000x128xf32>
    %get3A_18 = vector.shape_cast %get3A_17 : vector<1x2000x128xf32> to vector<2000x128xf32>
    %add3A_19 = arith.addf %get3A_13, %get3A_18 : vector<2000x128xf32>
    %add3A_20 = arith.addf %add3A, %add3A_19 : vector<2000x128xf32>
    %get3A_21 = arith.constant 0 : index
    %get3A_22 = arith.constant 0 : index
    %get3A_23 = vector.load %arg3[%get3A_21, %get3A_22] : memref<2000x128xf32, #tpu.memory_space<vmem>>, vector<2000x128xf32>
    %reduce_sum3A = arith.constant dense<0.000000e+00> : vector<2000xf32>
    %reduce_sum3A_24 = vector.multi_reduction <add>, %add3A_20, %reduce_sum3A [1] : vector<2000x128xf32> to vector<2000xf32>
    %broadcast_in_dim3A = vector.shape_cast %reduce_sum3A_24 : vector<2000xf32> to vector<2000x1xf32>
    %reduce_sum3A_25 = arith.constant dense<0.000000e+00> : vector<2000xf32>
    %reduce_sum3A_26 = vector.multi_reduction <add>, %get3A_23, %reduce_sum3A_25 [1] : vector<2000x128xf32> to vector<2000xf32>
    %broadcast_in_dim3A_27 = vector.shape_cast %reduce_sum3A_26 : vector<2000xf32> to vector<2000x1xf32>
    %add3A_28 = arith.addf %broadcast_in_dim3A, %broadcast_in_dim3A_27 : vector<2000x1xf32>
    %mul3A = arith.constant 3.906250e-03 : f32
    %mul3A_29 = vector.broadcast %mul3A : f32 to vector<2000x1xf32>
    %mul3A_30 = arith.mulf %add3A_28, %mul3A_29 : vector<2000x1xf32>
    %sub3A = vector.broadcast %mul3A_30 : vector<2000x1xf32> to vector<2000x128xf32>
    %sub3A_31 = arith.subf %add3A_20, %sub3A : vector<2000x128xf32>
    %sub3A_32 = vector.broadcast %mul3A_30 : vector<2000x1xf32> to vector<2000x128xf32>
    %sub3A_33 = arith.subf %get3A_23, %sub3A_32 : vector<2000x128xf32>
    %mul3A_34 = arith.mulf %sub3A_31, %sub3A_31 : vector<2000x128xf32>
    %reduce_sum3A_35 = arith.constant dense<0.000000e+00> : vector<2000xf32>
    %reduce_sum3A_36 = vector.multi_reduction <add>, %mul3A_34, %reduce_sum3A_35 [1] : vector<2000x128xf32> to vector<2000xf32>
    %broadcast_in_dim3A_37 = vector.shape_cast %reduce_sum3A_36 : vector<2000xf32> to vector<2000x1xf32>
    %mul3A_38 = arith.mulf %sub3A_33, %sub3A_33 : vector<2000x128xf32>
    %reduce_sum3A_39 = arith.constant dense<0.000000e+00> : vector<2000xf32>
    %reduce_sum3A_40 = vector.multi_reduction <add>, %mul3A_38, %reduce_sum3A_39 [1] : vector<2000x128xf32> to vector<2000xf32>
    %broadcast_in_dim3A_41 = vector.shape_cast %reduce_sum3A_40 : vector<2000xf32> to vector<2000x1xf32>
    %add3A_42 = arith.addf %broadcast_in_dim3A_37, %broadcast_in_dim3A_41 : vector<2000x1xf32>
    %mul3A_43 = arith.constant 3.906250e-03 : f32
    %mul3A_44 = vector.broadcast %mul3A_43 : f32 to vector<2000x1xf32>
    %mul3A_45 = arith.mulf %add3A_42, %mul3A_44 : vector<2000x1xf32>
    %add3A_46 = arith.constant 9.99999974E-6 : f32
    %add3A_47 = vector.broadcast %add3A_46 : f32 to vector<2000x1xf32>
    %add3A_48 = arith.addf %mul3A_45, %add3A_47 : vector<2000x1xf32>
    %rsqrt3A = math.rsqrt %add3A_48 : vector<2000x1xf32>
    %mul3A_49 = vector.broadcast %rsqrt3A : vector<2000x1xf32> to vector<2000x128xf32>
    %mul3A_50 = arith.mulf %sub3A_31, %mul3A_49 : vector<2000x128xf32>
    %get3A_51 = arith.constant 0 : index
    %get3A_52 = arith.constant 0 : index
    %get3A_53 = vector.load %arg4[%get3A_51, %get3A_52] : memref<1x128xf32, #tpu.memory_space<vmem>>, vector<1x128xf32>
    %mul3A_54 = vector.broadcast %get3A_53 : vector<1x128xf32> to vector<2000x128xf32>
    %mul3A_55 = arith.mulf %mul3A_50, %mul3A_54 : vector<2000x128xf32>
    %get3A_56 = arith.constant 0 : index
    %get3A_57 = arith.constant 0 : index
    %get3A_58 = vector.load %arg6[%get3A_56, %get3A_57] : memref<1x128xf32, #tpu.memory_space<vmem>>, vector<1x128xf32>
    %add3A_59 = vector.broadcast %get3A_58 : vector<1x128xf32> to vector<2000x128xf32>
    %add3A_60 = arith.addf %mul3A_55, %add3A_59 : vector<2000x128xf32>
    %mul3A_61 = vector.broadcast %rsqrt3A : vector<2000x1xf32> to vector<2000x128xf32>
    %mul3A_62 = arith.mulf %sub3A_33, %mul3A_61 : vector<2000x128xf32>
    %get3A_63 = arith.constant 0 : index
    %get3A_64 = arith.constant 0 : index
    %get3A_65 = vector.load %arg5[%get3A_63, %get3A_64] : memref<1x128xf32, #tpu.memory_space<vmem>>, vector<1x128xf32>
    %mul3A_66 = vector.broadcast %get3A_65 : vector<1x128xf32> to vector<2000x128xf32>
    %mul3A_67 = arith.mulf %mul3A_62, %mul3A_66 : vector<2000x128xf32>
    %get3A_68 = arith.constant 0 : index
    %get3A_69 = arith.constant 0 : index
    %get3A_70 = vector.load %arg7[%get3A_68, %get3A_69] : memref<1x128xf32, #tpu.memory_space<vmem>>, vector<1x128xf32>
    %add3A_71 = vector.broadcast %get3A_70 : vector<1x128xf32> to vector<2000x128xf32>
    %add3A_72 = arith.addf %mul3A_67, %add3A_71 : vector<2000x128xf32>
    %get3A_73 = arith.constant 0 : index
    %get3A_74 = arith.constant 0 : index
    %get3A_75 = vector.load %arg8[%get3A_73, %get3A_74] : memref<128x32xf32, #tpu.memory_space<vmem>>, vector<128x32xf32>
    %dot_general3A = arith.constant dense<0.000000e+00> : vector<2000x32xf32>
    %dot_general3A_76 = tpu.matmul %add3A_60, %get3A_75, %dot_general3A {dimension_numbers = #tpu.dot_dimension_numbers<[1], [0], [0], [1], [0, 0, 1, 1], [], []>, transpose_lhs_hint = false} : vector<2000x128xf32>, vector<128x32xf32>, vector<2000x32xf32> -> vector<2000x32xf32>
    %get3A_77 = arith.constant 0 : index
    %get3A_78 = arith.constant 0 : index
    %get3A_79 = vector.load %arg9[%get3A_77, %get3A_78] : memref<128x32xf32, #tpu.memory_space<vmem>>, vector<128x32xf32>
    %dot_general3A_80 = arith.constant dense<0.000000e+00> : vector<2000x32xf32>
    %dot_general3A_81 = tpu.matmul %add3A_72, %get3A_79, %dot_general3A_80 {dimension_numbers = #tpu.dot_dimension_numbers<[1], [0], [0], [1], [0, 0, 1, 1], [], []>, transpose_lhs_hint = false} : vector<2000x128xf32>, vector<128x32xf32>, vector<2000x32xf32> -> vector<2000x32xf32>
    %add3A_82 = arith.addf %dot_general3A_76, %dot_general3A_81 : vector<2000x32xf32>
    %get3A_83 = arith.constant 0 : index
    %get3A_84 = arith.constant 0 : index
    %get3A_85 = vector.load %arg10[%get3A_83, %get3A_84] : memref<1x32xf32, #tpu.memory_space<vmem>>, vector<1x32xf32>
    %add3A_86 = vector.broadcast %get3A_85 : vector<1x32xf32> to vector<2000x32xf32>
    %add3A_87 = arith.addf %add3A_82, %add3A_86 : vector<2000x32xf32>
    %gt3A = arith.constant 0.000000e+00 : f32
    %gt3A_88 = vector.broadcast %gt3A : f32 to vector<2000x32xf32>
    %gt3A_89 = arith.cmpf ogt, %add3A_87, %gt3A_88 : vector<2000x32xf32>
    %mul3A_90 = arith.constant 0.00999999977 : f32
    %mul3A_91 = vector.broadcast %mul3A_90 : f32 to vector<2000x32xf32>
    %mul3A_92 = arith.mulf %mul3A_91, %add3A_87 : vector<2000x32xf32>
    %select_n3A = arith.select %gt3A_89, %add3A_87, %mul3A_92 : vector<2000x32xi1>, vector<2000x32xf32>
    %get3A_93 = arith.constant 0 : index
    %get3A_94 = arith.constant 0 : index
    %get3A_95 = vector.load %arg11[%get3A_93, %get3A_94] : memref<32x32xf32, #tpu.memory_space<vmem>>, vector<32x32xf32>
    %dot_general3A_96 = arith.constant dense<0.000000e+00> : vector<2000x32xf32>
    %dot_general3A_97 = tpu.matmul %select_n3A, %get3A_95, %dot_general3A_96 {dimension_numbers = #tpu.dot_dimension_numbers<[1], [0], [0], [1], [0, 0, 1, 1], [], []>, transpose_lhs_hint = false} : vector<2000x32xf32>, vector<32x32xf32>, vector<2000x32xf32> -> vector<2000x32xf32>
    %get3A_98 = arith.constant 0 : index
    %get3A_99 = arith.constant 0 : index
    %get3A_100 = vector.load %arg12[%get3A_98, %get3A_99] : memref<1x32xf32, #tpu.memory_space<vmem>>, vector<1x32xf32>
    %add3A_101 = vector.broadcast %get3A_100 : vector<1x32xf32> to vector<2000x32xf32>
    %add3A_102 = arith.addf %dot_general3A_97, %add3A_101 : vector<2000x32xf32>
    %gt3A_103 = arith.constant 0.000000e+00 : f32
    %gt3A_104 = vector.broadcast %gt3A_103 : f32 to vector<2000x32xf32>
    %gt3A_105 = arith.cmpf ogt, %add3A_102, %gt3A_104 : vector<2000x32xf32>
    %mul3A_106 = arith.constant 0.00999999977 : f32
    %mul3A_107 = vector.broadcast %mul3A_106 : f32 to vector<2000x32xf32>
    %mul3A_108 = arith.mulf %mul3A_107, %add3A_102 : vector<2000x32xf32>
    %select_n3A_109 = arith.select %gt3A_105, %add3A_102, %mul3A_108 : vector<2000x32xi1>, vector<2000x32xf32>
    %get3A_110 = arith.constant 0 : index
    %get3A_111 = arith.constant 0 : index
    %get3A_112 = vector.load %arg13[%get3A_110, %get3A_111] : memref<32x128xf32, #tpu.memory_space<vmem>>, vector<32x128xf32>
    %dot_general3A_113 = arith.constant dense<0.000000e+00> : vector<2000x128xf32>
    %dot_general3A_114 = tpu.matmul %select_n3A_109, %get3A_112, %dot_general3A_113 {dimension_numbers = #tpu.dot_dimension_numbers<[1], [0], [0], [1], [0, 0, 1, 1], [], []>, transpose_lhs_hint = false} : vector<2000x32xf32>, vector<32x128xf32>, vector<2000x128xf32> -> vector<2000x128xf32>
    %get3A_115 = arith.constant 0 : index
    %get3A_116 = arith.constant 0 : index
    %get3A_117 = vector.load %arg14[%get3A_115, %get3A_116] : memref<1x128xf32, #tpu.memory_space<vmem>>, vector<1x128xf32>
    %add3A_118 = vector.broadcast %get3A_117 : vector<1x128xf32> to vector<2000x128xf32>
    %add3A_119 = arith.addf %dot_general3A_114, %add3A_118 : vector<2000x128xf32>
    %swap3A = arith.constant 0 : index
    %swap3A_120 = arith.constant 0 : index
    %swap3A_121 = vector.load %arg15[%swap3A, %swap3A_120] : memref<2000x128xf32, #tpu.memory_space<vmem>>, vector<2000x128xf32>
    tpu.vector_store %arg15[%swap3A, %swap3A_120], %add3A_119 {strides = array<i32>} : memref<2000x128xf32, #tpu.memory_space<vmem>>, vector<2000x128xf32>,
    return
  }
  func.func @transform_0(%arg0: i32) -> (i32, i32, i32) {
    %c0_i32 = arith.constant 0 : i32
    %c0_i32_0 = arith.constant 0 : i32
    %c0_i32_1 = arith.constant 0 : i32
    return %c0_i32, %arg0, %c0_i32_0 : i32, i32, i32
  }
  func.func @transform_1(%arg0: i32) -> (i32, i32, i32) {
    %c0_i32 = arith.constant 0 : i32
    %c0_i32_0 = arith.constant 0 : i32
    %c0_i32_1 = arith.constant 0 : i32
    return %c0_i32, %arg0, %c0_i32_0 : i32, i32, i32
  }
  func.func @transform_2(%arg0: i32) -> (i32, i32) {
    %c0_i32 = arith.constant 0 : i32
    %c0_i32_0 = arith.constant 0 : i32
    return %arg0, %c0_i32 : i32, i32
  }
  func.func @transform_3(%arg0: i32) -> (i32, i32) {
    %c0_i32 = arith.constant 0 : i32
    %c0_i32_0 = arith.constant 0 : i32
    %c0_i32_1 = arith.constant 0 : i32
    return %c0_i32, %c0_i32_0 : i32, i32
  }
  func.func @transform_4(%arg0: i32) -> (i32, i32) {
    %c0_i32 = arith.constant 0 : i32
    %c0_i32_0 = arith.constant 0 : i32
    %c0_i32_1 = arith.constant 0 : i32
    return %c0_i32, %c0_i32_0 : i32, i32
  }
  func.func @transform_5(%arg0: i32) -> (i32, i32) {
    %c0_i32 = arith.constant 0 : i32
    %c0_i32_0 = arith.constant 0 : i32
    %c0_i32_1 = arith.constant 0 : i32
    return %c0_i32, %c0_i32_0 : i32, i32
  }
  func.func @transform_6(%arg0: i32) -> (i32, i32) {
    %c0_i32 = arith.constant 0 : i32
    %c0_i32_0 = arith.constant 0 : i32
    %c0_i32_1 = arith.constant 0 : i32
    return %c0_i32, %c0_i32_0 : i32, i32
  }
  func.func @transform_7(%arg0: i32) -> (i32, i32) {
    %c0_i32 = arith.constant 0 : i32
    %c0_i32_0 = arith.constant 0 : i32
    %c0_i32_1 = arith.constant 0 : i32
    return %c0_i32, %c0_i32_0 : i32, i32
  }
  func.func @transform_8(%arg0: i32) -> (i32, i32) {
    %c0_i32 = arith.constant 0 : i32
    %c0_i32_0 = arith.constant 0 : i32
    %c0_i32_1 = arith.constant 0 : i32
    return %c0_i32, %c0_i32_0 : i32, i32
  }
  func.func @transform_9(%arg0: i32) -> (i32, i32) {
    %c0_i32 = arith.constant 0 : i32
    %c0_i32_0 = arith.constant 0 : i32
    %c0_i32_1 = arith.constant 0 : i32
    return %c0_i32, %c0_i32_0 : i32, i32
  }
  func.func @transform_10(%arg0: i32) -> (i32, i32) {
    %c0_i32 = arith.constant 0 : i32
    %c0_i32_0 = arith.constant 0 : i32
    %c0_i32_1 = arith.constant 0 : i32
    return %c0_i32, %c0_i32_0 : i32, i32
  }
  func.func @transform_11(%arg0: i32) -> (i32, i32) {
    %c0_i32 = arith.constant 0 : i32
    %c0_i32_0 = arith.constant 0 : i32
    %c0_i32_1 = arith.constant 0 : i32
    return %c0_i32, %c0_i32_0 : i32, i32
  }
  func.func @transform_12(%arg0: i32) -> (i32, i32) {
    %c0_i32 = arith.constant 0 : i32
    %c0_i32_0 = arith.constant 0 : i32
    %c0_i32_1 = arith.constant 0 : i32
    return %c0_i32, %c0_i32_0 : i32, i32
  }
  func.func @transform_13(%arg0: i32) -> (i32, i32) {
    %c0_i32 = arith.constant 0 : i32
    %c0_i32_0 = arith.constant 0 : i32
    %c0_i32_1 = arith.constant 0 : i32
    return %c0_i32, %c0_i32_0 : i32, i32
  }
  func.func @transform_14(%arg0: i32) -> (i32, i32) {
    %c0_i32 = arith.constant 0 : i32
    %c0_i32_0 = arith.constant 0 : i32
    return %arg0, %c0_i32 : i32, i32
  }
}

</mosaic_0001>

<sc_bundles>
// kernel: kernel.10.cloned.1.call-start
scs
__scs_entry_jumppad:
0x0: {  	(pc) =	sbr.rel $0x88, $3  }
0x1: {  	(tag) =	ssettag $0x0;
	lr =	simm.s32 $0x1  }
0x2: {  	[smem:$0x3F8A] =	sst lr;
	_ =	strace $0xD0000000  }
0x3: {  	_ = 	snop  }
0x4: {  	_ = 	snop  }
0x5: {  	_ = 	snop  }
0x6: {  	_ = 	snop  }
0x7: {  	_ = 	snop  }
__scs_overlays_trampoline_lowered:
0x8: {  	[smem:$0x3F99] =	sst s0  }
0x9: {  	[smem:$0x3F9A] =	sst s1  }
0xa: {  	[smem:$0x3F9B] =	sst s2  }
0xb: {  	[smem:$0x3F9C] =	sst s3  }
0xc: {  	[smem:$0x3F9D] =	sst s4  }
0xd: {  	[smem:$0x3F9E] =	sst s5  }
0xe: {  	[smem:$0x3F9F] =	sst s6  }
0xf: {  	[smem:$0x3FA0] =	sst s7  }
0x10: {  	[smem:$0x3FA1] =	sst s8  }
0x11: {  	[smem:$0x3FA2] =	sst s9;
	s0 =	simm.s32 @!p0 $0x0  }
0x12: {  	s1 =	sld [smem:$0x3F88];
	s0 =	simm.s32 @p0 $0x1  }
0x13: {  	[smem:$0x3FA3] =	sst s0;
	s0 =	simm.s32 @!p1 $0x0  }
0x14: {  	s2 =	sld [smem:$0x3F87];
	s0 =	simm.s32 @p1 $0x1  }
0x15: {  	[smem:$0x3FA4] =	sst s0;
	s0 =	simm.s32 @!p2 $0x0  }
0x16: {  	s3 =	sld [smem:$0x3FDB];
	s0 =	simm.s32 @p2 $0x1  }
0x17: {  	s4 =	simm.s32 $0x1BF5;
	[smem:$0x3FA6] =	sst s0  }
0x18: {  	s0 =	sld [smem:$0x3F89];
	_ =	swait.ge [sflag:s4], $0x0  }
0x19: {  	s7 =	sld [smem:$0x3F8A]  }
0x1a: {  	s8 =	sadd.s32 $0xFFFFE003, lr  }
0x1b: {  	s9 =	sadd.s32 $0xFFFFFEF7, lr;
	s5 =	simm.s32 $0xFFFFFFFF;
	p2 =	slt.u32 s8, $0xFFFFF086  }
0x1c: {  	p1 =	slt.u32 s9, $0xF7A;
	s5 =	simm.s32 @!p2 $0x0  }
0x1d: {  	s5 =	simm.s32 @p1 $0x1;
	p0 =	seq.s32 s7, s2  }
0x1e: {  	s7 =	smul.u32 @!p0 $0xF7A, s2;
	p2 =	seq.s32 @!p0 s5, $0x0  }
0x1f: {  	s9 =	smul.u32 $0xF7A, s1;
	s8 =	simm.s32 @!p0 $0x1BF5;
	p2 =	por !p2, p0  }
0x20: {  	[sflag:s8] =	ssyncset.s32 @!p0 $0xFFFFF086;
	s6 =	sadd.s32 @!p0 s3, s7;
	s7 =	simm.s32 @!p0 $0x108  }
0x21: {  	s3 =	sadd.s32 s3, s9;
	s6 =	sadd.s32 @!p0 $0x88, s6;
	s7 =	simm.s32 @p2 $0x1082  }
0x22: {  	[simem:s7], [sflag:s8] =	dma.local @!p0 [hbm:s6], $0xF7A  }
0x23: {  	s9 =	sor.u32 $0xD0000000, s2;
	s6 =	simm.s32 $0x108;
	_ =	swait.ge @!p0 [sflag:s8], $0x0  }
0x24: {  	s3 =	sadd.s32 $0x88, s3;
	s6 =	simm.s32 @!p1 $0x1082;
	[sflag:s4] =	ssyncset.s32 $0xFFFFF086  }
0x25: {  	[simem:s6], [sflag:s4] =	dma.local [hbm:s3], $0xF7A  }
0x26: {  	[smem:$0x3F8A] =	sst s1;
	(tag) =	ssettag s2;
	_ =	strace s9  }
0x27: {  	s1 =	sld [smem:$0x3F9A]  }
0x28: {  	s2 =	sld [smem:$0x3F9B]  }
0x29: {  	s4 =	sld [smem:$0x3F9D]  }
0x2a: {  	p0 =	seq.s32 s5, $0x0;
	s5 =	sld [smem:$0x3F9E]  }
0x2b: {  	s6 =	sld [smem:$0x3F9F]  }
0x2c: {  	s7 =	sld [smem:$0x3FA0]  }
0x2d: {  	s3 =	simm.s32 $0x108;
	s8 =	sld [smem:$0x3FA1]  }
0x2e: {  	s3 =	simm.s32 @!p0 $0x1082;
	s9 =	sld [smem:$0x3FA2]  }
0x2f: {  	lr =	sadd.s32 s0, s3;
	s0 =	sld [smem:$0x3F99]  }
0x30: {  	s3 =	sld [smem:$0x3F9C]  }
0x31: {  	[smem:$0x3FA5] =	sst s10  }
0x32: {  	s10 =	sld [smem:$0x3FA3];
	_ =	sdelay $0x3  }
0x33: {  	p0 =	seq.s32 s10, $0x1;
	s10 =	sld [smem:$0x3FA5];
	_ =	sdelay $0x3  }
0x34: {  	[smem:$0x3FA5] =	sst s10  }
0x35: {  	s10 =	sld [smem:$0x3FA4];
	_ =	sdelay $0x3  }
0x36: {  	p1 =	seq.s32 s10, $0x1;
	s10 =	sld [smem:$0x3FA5];
	_ =	sdelay $0x3  }
0x37: {  	[smem:$0x3FA5] =	sst s10  }
0x38: {  	s10 =	sld [smem:$0x3FA6]  }
0x39: {  	_ = 	snop;
	(pc) =	sbr.ind lr, $3  }
0x3a: {  	_ = 	snop  }
0x3b: {  	_ = 	snop  }
0x3c: {  	p2 =	seq.s32 s10, $0x1;
	s10 =	sld [smem:$0x3FA5]  }
0x3d: {  	_ =	shalt  }
0x3e: {  	_ =	shalt  }
0x3f: {  	_ =	shalt  }
0x40: {  	_ =	shalt  }
0x41: {  	_ =	shalt  }
0x42: {  	_ =	shalt  }
0x43: {  	_ =	shalt  }
0x44: {  	_ =	shalt  }
0x45: {  	_ =	shalt  }
0x46: {  	_ =	shalt  }
0x47: {  	_ =	shalt  }
0x48: {  	_ =	shalt  }
0x49: {  	_ =	shalt  }
0x4a: {  	_ =	shalt  }
0x4b: {  	_ =	shalt  }
0x4c: {  	_ =	shalt  }
0x4d: {  	_ =	shalt  }
0x4e: {  	_ =	shalt  }
0x4f: {  	_ =	shalt  }
0x50: {  	_ =	shalt  }
0x51: {  	_ =	shalt  }
0x52: {  	_ =	shalt  }
0x53: {  	_ =	shalt  }
0x54: {  	_ =	shalt  }
0x55: {  	_ =	shalt  }
0x56: {  	_ =	shalt  }
0x57: {  	_ =	shalt  }
0x58: {  	_ =	shalt  }
0x59: {  	_ =	shalt  }
0x5a: {  	_ =	shalt  }
0x5b: {  	_ =	shalt  }
0x5c: {  	_ =	shalt  }
0x5d: {  	_ =	shalt  }
0x5e: {  	_ =	shalt  }
0x5f: {  	_ =	shalt  }
0x60: {  	_ =	shalt  }
0x61: {  	_ =	shalt  }
0x62: {  	_ =	shalt  }
0x63: {  	_ =	shalt  }
0x64: {  	_ =	shalt  }
0x65: {  	_ =	shalt  }
0x66: {  	_ =	shalt  }
0x67: {  	_ =	shalt  }
0x68: {  	_ =	shalt  }
0x69: {  	_ =	shalt  }
0x6a: {  	_ =	shalt  }
0x6b: {  	_ =	shalt  }
0x6c: {  	_ =	shalt  }
0x6d: {  	_ =	shalt  }
0x6e: {  	_ =	shalt  }
0x6f: {  	_ =	shalt  }
0x70: {  	_ =	shalt  }
0x71: {  	_ =	shalt  }
0x72: {  	_ =	shalt  }
0x73: {  	_ =	shalt  }
0x74: {  	_ =	shalt  }
0x75: {  	_ =	shalt  }
0x76: {  	_ =	shalt  }
0x77: {  	_ =	shalt  }
0x78: {  	_ =	shalt  }
0x79: {  	_ =	shalt  }
0x7a: {  	_ =	shalt  }
0x7b: {  	_ =	shalt  }
0x7c: {  	_ =	shalt  }
0x7d: {  	_ =	shalt  }
0x7e: {  	_ =	shalt  }
0x7f: {  	_ =	shalt  }
0x80: {  	_ =	shalt  }
0x81: {  	_ =	shalt  }
0x82: {  	_ =	shalt  }
0x83: {  	_ =	shalt  }
0x84: {  	_ =	shalt  }
0x85: {  	_ =	shalt  }
0x86: {  	_ =	shalt  }
0x87: {  	_ =	shalt  }
.Lfunc_end0:
.L_simem_size_0:
called_computation_lowered:
.L_overlay_start_0:
0x88: {  	s2 =	sld [smem:$0x3FD9]  }
0x89: {  	s3 =	sld [smem:$0x3FFE];
	_ =	sdelay $0x1  }
0x8a: {  	s1 =	srdreg.scid  }
0x8b: {  	s0 =	sand.u32 $0x1, s1  }
0x8c: {  	s16 =	sshll.u32 s0, $0xA;
	s2 =	sadd.s32 s3, s2  }
0x8d: {  	s2 =	sadd.s32 s2, s16  }
0x8e: {  	[smem:$0x3FB1] =	sst s2  }
0x8f: {  	_ = 	snop  }
0x90: {  	(tm) =	ssettm $0x1  }
0x91: {  	s17 =	sld [smem:$0x3FFB];
	_ =	sdelay $0x3  }
0x92: {  	_ =	strace s17  }
0x93: {  	s2 =	sld [smem:$0x3FFC];
	_ =	sdelay $0x3  }
0x94: {  	_ =	strace s2  }
0x95: {  	s2 =	sld [smem:$0x3FFD];
	_ =	sdelay $0x3  }
0x96: {  	_ =	strace s2  }
0x97: {  	_ =	strace $0x8FFFFFFF  }
0x98: {  	s18 =	sld [smem:$0x3FDB];
	_ =	sdelay $0x1  }
0x99: {  	s19 =	simm.s32 $_scs_section_size  }
0x9a: {  	s4 =	simm.s32 $_size__tile_overlayer_lowered;
	s5 =	simm.s32 $_tile_overlayer_lowered  }
0x9b: {  	s22 =	simm.s32 $0x1BFF;
	s21 =	sshll.u32 s5, $0x1;
	s2 =	sadd.s32 s19, s18  }
0x9c: {  	s6 =	simm.s32 $0x0;
	s20 =	sshll.u32 s4, $0x1;
	s4 =	sadd.s32 s21, s2  }
0x9d: {  	[timem:s6], [sflag:s22] =	dma.local [hbm:s4], s20  }
0x9e: {  	_ =	swait.ge [sflag:s22], s20  }
0x9f: {  	s3 =	ssub.s32 $0x0, s20;
	[sflag:s22] =	ssyncset.done $0x0  }
0xa0: {  	[sflag:s22] =	ssyncadd.s32 s3;
	_ =	sdelay $0x1  }
0xa1: {  	s23 =	simm.s32 $0x1B8B  }
0xa2: {  	_ =	swait.ge [sflag:s23], $0x1  }
0xa3: {  	[sflag:s23] =	ssyncset.done $0x0  }
0xa4: {  	s25 =	simm.s32 $0x1B8E;
	s24 =	sld [smem:$0x3FFE];
	[sflag:s23] =	ssyncadd.s32 $0xFFFFFFFF  }
0xa5: {  	s26 =	simm.s32 $execute0_lowered;
	[smem:$0x3FD2] =	sst s25  }
0xa6: {  	s4 =	sshll.u32 s26, $0x1;
	_ =	strace $0x80000046;
	[dreg:$0x1] =	wrdreg $0xFFFFFFFF  }
0xa7: {  	s28 =	simm.s32 $_size_execute0_lowered;
	s2 =	sadd.s32 s2, s4;
	[dreg:$0x0] =	wrdreg $0x0  }
0xa8: {  	s4 =	sshll.u32 s28, $0x1;
	[dreg:$0x2] =	wrdreg s2  }
0xa9: {  	[dreg:$0x3] =	wrdreg s4  }
0xaa: {  	[dreg:$0x4] =	wrdreg $0xC0  }
0xab: {  	_ =	task [dreg:s6], $0x5FFFF  }
0xac: {  	[dreg:$0x1] =	wrdreg $0xFFFFFFFF  }
0xad: {  	[dreg:$0x0] =	wrdreg $0x60  }
0xae: {  	[dreg:$0x2] =	wrdreg s24  }
0xaf: {  	[dreg:$0x3] =	wrdreg $0xA  }
0xb0: {  	_ =	task.clear_ibuf [dreg:s6], $0x4FFFF;
	_ =	strace $0x90000046  }
0xb1: {  	s29 =	simm.s32 $0xA;
	_ =	strace $0x80000048  }
0xb2: {  	_ =	swait.ge [sflag:s29], $0x1  }
0xb3: {  	[sflag:s29] =	ssyncadd.s32 $0xFFFFFFFF  }
0xb4: {  	_ =	strace $0x90000048  }
0xb5: {  	_ =	sfence  }
0xb6: {  	s30 =	sld [smem:$0x0];
	_ =	sdelay $0x2  }
0xb7: {  	s31 =	sshll.u32 s1, $0xD;
	s1 =	sshrl.u32 s1, $0x2  }
0xb8: {  	s3 =	sand.u32 $0x4000, s31;
	s1 =	sadd.s32 s1, s30  }
0xb9: {  	s0 =	sor.u32 s3, s0;
	s1 =	sshll.u32 s1, $0x11  }
0xba: {  	s0 =	sor.u32 s1, s0  }
0xbb: {  	s0 =	sadd.s32 $0x8F2B, s0  }
0xbc: {  	[sflag:s0] =	ssyncadd.remote.s32 $0x1  }
0xbd: {  	_ =	sfence.sel $0xFFFF  }
0xbe: {  	[dreg:$0x0] =	wrdreg $0xFFFFFFFF;
	(pc) =	sbr.abs _section_cstart, $3  }
0xbf: {  	[dreg:$0x1] =	wrdreg $0xFFFFFFFF  }
0xc0: {  	_ =	task.clear_ibuf [dreg:s6], $0x2FFFF;
	_ =	strace $0x9FFFFFFF  }
0xc1: {  	(tm) =	ssettm $0x7FFFFFFF  }
tec
execute0_lowered:
.L_overlay_start_1:
0x0: {  	(tag) =	ssettag $0x1  }
0x1: {  	s0 =	srdreg.scid;
	s4 =	rddreg [dreg:$0x0]  }
0x2: {  	s1 =	stileid.u32;
	s2 =	simm.s32 $0x0;
	s12 =	simm.s32 $0x1950  }
0x3: {  	s13 =	simm.s32 $0x1;
	s14 =	simm.s32 $0x2;
	s15 =	simm.s32 $0x0  }
0x4: {  	s5 =	sand.u32 $0x1, s0;
	s0 =	rddreg [dreg:$0x1];
	s11 =	smul.u32 $0x1450, s1  }
0x5: {  	[smem:$0x7FF] =	sst s2;
	s10 =	sadd.s32 $0x14400, s4;
	s30 =	smul.u32 $0x28A0, s1  }
0x6: {  	s3 =	sshll.u32 s5, $0x4;
	_ =	strace $0x80000047;
	s9 =	smul.u32 $0x14500, s5  }
0x7: {  	s8 =	ssub.s32 $0x2, s5;
	s29 =	smul.u32 $0x28A00, s5;
	s6 =	sor.u32 s1, s3  }
0x8: {  	s3 =	sadd.s32 $0x5000, s4;
	s28 =	sshrl.u32 s8, $0x1;
	s7 =	smul.u32 $0x1450, s6  }
0x9: {  	s6 =	smul.u32 $0x14500, s6;
	s8 =	ssub.s32 s8, s28;
	s9 =	sadd.s32 s11, s9  }
0xa: {  	s11 =	simm.s32 $0x1450;
	s9 =	sshll.u32 s9, $0x1;
	s7 =	sshrl.u32 s7, $0x3  }
0xb: {  	s6 =	sshrl.u32 s6, $0x3;
	s31 =	sadd.s32 s10, s9;
	s7 =	sadd.s32 s7, s4  }
0xc: {  	s9 =	simm.s32 $0x3;
	s6 =	sadd.s32 s10, s6;
	s4 =	sadd.s32 $0xF200, s7  }
0xd: {  	s5 =	sadd.s32 $0x2800, s6;
	s6 =	smax.u32 s8, $0x1;
	s7 =	sadd.s32 s29, s10  }
0xe: {  	s8 =	sadd.s32 $0xA0, s31;
	s10 =	simm.s32 $0x50;
	s7 =	sadd.s32 s30, s7  }
.LBB2_1:
0xf: {  	[tilespmem:s2], [sflag:$0x3] =	stream.linear.gather [hbm4b:s4+s2], $0x1450, $0x38;
	[tilespmem:$0x1E50] =	vst v63  }
0x10: {  	_ =	swait.ge [sflag:s9], $0x1450  }
0x11: {  	[sflag:s9] =	ssyncset.done $0x0  }
0x12: {  	[sflag:s9] =	ssyncadd.s32 $0xFFFFEBB0  }
0x13: {  	[tilespmem:s11], [sflag:$0x1] =	stream.indirect.gather [hbm4b:s3+s10], $0x10, s2, s10, $0xb8;
	[tilespmem:$0x1E50] =	vst v63  }
0x14: {  	s16 =	simm.s32 $0x50  }
0x15: {  	[tilespmem:s12], [sflag:$0x2] =	stream.indirect.gather [hbm4b:s3+s10], $0x10, s16, s10, $0xb8;
	[tilespmem:$0x1E50] =	vst v63  }
0x16: {  	_ =	swait.ge [sflag:s13], $0x500  }
0x17: {  	[sflag:s13] =	ssyncset.done $0x0  }
0x18: {  	s29 =	sadd.s32 $0x0, s7;
	[sflag:s13] =	ssyncadd.s32 $0xFFFFFB00  }
0x19: {  	[hbm4b:s29+s2] =	stream.linear.scatter [tilespmem:s11], [sflag:$0x3], $0x500, $0x38;
	[tilespmem:$0x1E50] =	vst v63  }
0x1a: {  	_ =	swait.ge [sflag:s9], $0x500  }
0x1b: {  	[sflag:s9] =	ssyncset.done $0x0  }
0x1c: {  	s30 =	simm.s32 $0xA0;
	[sflag:s9] =	ssyncadd.s32 $0xFFFFFB00  }
0x1d: {  	[tilespmem:s11], [sflag:$0x1] =	stream.indirect.gather [hbm4b:s3+s10], $0x10, s30, s10, $0xb8;
	[tilespmem:$0x1E50] =	vst v63  }
0x1e: {  	_ =	swait.ge [sflag:s14], $0x500  }
0x1f: {  	[sflag:s14] =	ssyncset.done $0x0  }
0x20: {  	s31 =	sadd.s32 $0x0, s8;
	[sflag:s14] =	ssyncadd.s32 $0xFFFFFB00  }
0x21: {  	[hbm4b:s31+s2] =	stream.linear.scatter [tilespmem:s12], [sflag:$0x3], $0x500, $0x38;
	[tilespmem:$0x1E50] =	vst v63  }
0x22: {  	s18 =	simm.s32 $0x280;
	_ =	swait.ge [sflag:s9], $0x500  }
0x23: {  	s17 =	simm.s32 $0x140;
	s16 =	simm.s32 $0x140;
	[sflag:s9] =	ssyncset.done $0x0  }
.LBB2_2:
0x24: {  	p0 =	sne.s32 s18, $0x26C0;
	s19 =	sadd.s32 $0xFFFFFFB0, s17;
	[sflag:s9] =	ssyncadd.s32 $0xFFFFFB00  }
0x25: {  	[tilespmem:s12], [sflag:$0x2] =	stream.indirect.gather [hbm4b:s3+s10], $0x10, s19, s10, $0xb8;
	[tilespmem:$0x1E50] =	vst v63  }
0x26: {  	s19 =	smov.u32 s18;
	s18 =	sadd.s32 $0x140, s18;
	_ =	swait.ge [sflag:s13], $0x500  }
0x27: {  	[sflag:s13] =	ssyncset.done $0x0  }
0x28: {  	s20 =	sadd.s32 s16, s7;
	[sflag:s13] =	ssyncadd.s32 $0xFFFFFB00  }
0x29: {  	[hbm4b:s20+s2] =	stream.linear.scatter [tilespmem:s11], [sflag:$0x3], $0x500, $0x38;
	[tilespmem:$0x1E50] =	vst v63  }
0x2a: {  	_ =	swait.ge [sflag:s9], $0x500  }
0x2b: {  	[sflag:s9] =	ssyncset.done $0x0  }
0x2c: {  	[sflag:s9] =	ssyncadd.s32 $0xFFFFFB00  }
0x2d: {  	[tilespmem:s11], [sflag:$0x1] =	stream.indirect.gather [hbm4b:s3+s10], $0x10, s17, s10, $0xb8;
	[tilespmem:$0x1E50] =	vst v63  }
0x2e: {  	_ =	swait.ge [sflag:s14], $0x500  }
.Ltmp0:
0x2f: {  	[sflag:s14] =	ssyncset.done $0x0;
	(pc) =	sbr.rel @p0 .LBB2_2-.Ltmp0, $4  }
0x30: {  	s20 =	sadd.s32 s16, s8;
	s16 =	smov.u32 s19;
	[sflag:s14] =	ssyncadd.s32 $0xFFFFFB00  }
0x31: {  	[hbm4b:s20+s2] =	stream.linear.scatter [tilespmem:s12], [sflag:$0x3], $0x500, $0x38;
	[tilespmem:$0x1E50] =	vst v63  }
0x32: {  	_ =	swait.ge [sflag:s9], $0x500  }
0x33: {  	s17 =	sadd.s32 $0xA0, s17;
	[sflag:s9] =	ssyncset.done $0x0  }
0x34: {  	s18 =	sadd.s32 $0xFFFFFFB0, s17;
	[sflag:s9] =	ssyncadd.s32 $0xFFFFFB00  }
0x35: {  	[tilespmem:s12], [sflag:$0x2] =	stream.indirect.gather [hbm4b:s3+s10], $0x10, s18, s10, $0xb8;
	[tilespmem:$0x1E50] =	vst v63  }
0x36: {  	_ =	swait.ge [sflag:s13], $0x500  }
0x37: {  	[sflag:s13] =	ssyncset.done $0x0  }
0x38: {  	s30 =	sadd.s32 s16, s7;
	[sflag:s13] =	ssyncadd.s32 $0xFFFFFB00  }
0x39: {  	[hbm4b:s30+s2] =	stream.linear.scatter [tilespmem:s11], [sflag:$0x3], $0x500, $0x38;
	[tilespmem:$0x1E50] =	vst v63  }
0x3a: {  	_ =	swait.ge [sflag:s9], $0x500  }
0x3b: {  	[sflag:s9] =	ssyncset.done $0x0  }
0x3c: {  	[sflag:s9] =	ssyncadd.s32 $0xFFFFFB00  }
0x3d: {  	[tilespmem:s11], [sflag:$0x1] =	stream.indirect.gather [hbm4b:s3+s10], $0x10, s17, s10, $0xb8;
	[tilespmem:$0x1E50] =	vst v63  }
0x3e: {  	_ =	swait.ge [sflag:s14], $0x500  }
0x3f: {  	[sflag:s14] =	ssyncset.done $0x0  }
0x40: {  	s31 =	sadd.s32 s16, s8;
	[sflag:s14] =	ssyncadd.s32 $0xFFFFFB00  }
0x41: {  	[hbm4b:s31+s2] =	stream.linear.scatter [tilespmem:s12], [sflag:$0x3], $0x500, $0x38;
	[tilespmem:$0x1E50] =	vst v63  }
0x42: {  	_ =	swait.ge [sflag:s9], $0x500  }
0x43: {  	[sflag:s9] =	ssyncset.done $0x0  }
0x44: {  	[sflag:s9] =	ssyncadd.s32 $0xFFFFFB00  }
0x45: {  	s15 =	sadd.s32 $0x1, s15;
	_ =	swait.ge [sflag:s13], $0x500  }
0x46: {  	p0 =	sne.s32 s15, s6;
	[sflag:s13] =	ssyncset.done $0x0  }
.Ltmp1:
0x47: {  	[sflag:s13] =	ssyncadd.s32 $0xFFFFFB00;
	(pc) =	sbr.rel @p0 .LBB2_1-.Ltmp1, $4  }
0x48: {  	[hbm4b:s5+s2] =	stream.linear.scatter [tilespmem:s11], [sflag:$0x3], $0x500, $0x38;
	[tilespmem:$0x1E50] =	vst v63  }
0x49: {  	_ =	swait.ge [sflag:s9], $0x500  }
0x4a: {  	[sflag:s9] =	ssyncset.done $0x0  }
0x4b: {  	[sflag:s9] =	ssyncadd.s32 $0xFFFFFB00  }
0x4c: {  	_ =	sfence.sel $0x180000  }
0x4d: {  	[bflag:$0x0] =	sbarrier.arrive $0xFFFF  }
0x4e: {  	p0 =	sne.s32 s1, $0x0;
	_ =	strace $0x90000047  }
0x4f: {  	s0 =	sadd.s32 @!p0 $0x100000, s0;
	[bflag:$0x2] =	sbarrier.arrive $0xFFFF  }
0x50: {  	[sflag:s0] =	ssyncadd.tile.s32 @!p0 $0x1;
	_ =	shalt  }
.Lfunc_end2:
_tile_overlayer_lowered:
.L_overlay_start_2:
0x51: {  	(tag) =	ssettag $0x2  }
0x52: {  	s0 =	rddreg [dreg:$0x0];
	s2 =	stileid.u32  }
0x53: {  	s1 =	rddreg [dreg:$0x1];
	p0 =	sne.s32 s2, $0x0  }
0x54: {  	s3 =	rddreg [dreg:$0x2];
	[bflag:$0x3] =	sbarrier.arrive $0xFFFF;
	s2 =	simm.s32 @!p0 $0x1C03  }
0x55: {  	[timem:s3], [sflag:s2] =	dma.local @!p0 [hbm:s0], s1  }
0x56: {  	s0 =	simm.s32 @!p0 $0x3  }
0x57: {  	_ =	swait.ge @!p0 [sflag:s0], s1  }
0x58: {  	s1 =	ssub.s32 @!p0 $0x0, s1;
	[sflag:s0] =	ssyncset.done @!p0 $0x0  }
0x59: {  	[sflag:s0] =	ssyncadd.s32 @!p0 s1  }
0x5a: {  	[bflag:$0x3] =	sbarrier.arrive $0xFFFF  }
0x5b: {  	_ =	shalt  }

// kernel: kernel.13.cloned.1.call-start
scs
__scs_entry_jumppad:
0x0: {  	(pc) =	sbr.rel $0x88, $3  }
0x1: {  	(tag) =	ssettag $0x0;
	lr =	simm.s32 $0x1  }
0x2: {  	[smem:$0x3F8A] =	sst lr;
	_ =	strace $0xD0000000  }
0x3: {  	_ = 	snop  }
0x4: {  	_ = 	snop  }
0x5: {  	_ = 	snop  }
0x6: {  	_ = 	snop  }
0x7: {  	_ = 	snop  }
__scs_overlays_trampoline_lowered:
0x8: {  	[smem:$0x3F99] =	sst s0  }
0x9: {  	[smem:$0x3F9A] =	sst s1  }
0xa: {  	[smem:$0x3F9B] =	sst s2  }
0xb: {  	[smem:$0x3F9C] =	sst s3  }
0xc: {  	[smem:$0x3F9D] =	sst s4  }
0xd: {  	[smem:$0x3F9E] =	sst s5  }
0xe: {  	[smem:$0x3F9F] =	sst s6  }
0xf: {  	[smem:$0x3FA0] =	sst s7  }
0x10: {  	[smem:$0x3FA1] =	sst s8  }
0x11: {  	[smem:$0x3FA2] =	sst s9;
	s0 =	simm.s32 @!p0 $0x0  }
0x12: {  	s1 =	sld [smem:$0x3F88];
	s0 =	simm.s32 @p0 $0x1  }
0x13: {  	[smem:$0x3FA3] =	sst s0;
	s0 =	simm.s32 @!p1 $0x0  }
0x14: {  	s2 =	sld [smem:$0x3F87];
	s0 =	simm.s32 @p1 $0x1  }
0x15: {  	[smem:$0x3FA4] =	sst s0;
	s0 =	simm.s32 @!p2 $0x0  }
0x16: {  	s3 =	sld [smem:$0x3FDB];
	s0 =	simm.s32 @p2 $0x1  }
0x17: {  	s4 =	simm.s32 $0x1BF5;
	[smem:$0x3FA6] =	sst s0  }
0x18: {  	s0 =	sld [smem:$0x3F89];
	_ =	swait.ge [sflag:s4], $0x0  }
0x19: {  	s7 =	sld [smem:$0x3F8A]  }
0x1a: {  	s8 =	sadd.s32 $0xFFFFE003, lr  }
0x1b: {  	s9 =	sadd.s32 $0xFFFFFEF7, lr;
	s5 =	simm.s32 $0xFFFFFFFF;
	p2 =	slt.u32 s8, $0xFFFFF086  }
0x1c: {  	p1 =	slt.u32 s9, $0xF7A;
	s5 =	simm.s32 @!p2 $0x0  }
0x1d: {  	s5 =	simm.s32 @p1 $0x1;
	p0 =	seq.s32 s7, s2  }
0x1e: {  	s7 =	smul.u32 @!p0 $0xF7A, s2;
	p2 =	seq.s32 @!p0 s5, $0x0  }
0x1f: {  	s9 =	smul.u32 $0xF7A, s1;
	s8 =	simm.s32 @!p0 $0x1BF5;
	p2 =	por !p2, p0  }
0x20: {  	[sflag:s8] =	ssyncset.s32 @!p0 $0xFFFFF086;
	s6 =	sadd.s32 @!p0 s3, s7;
	s7 =	simm.s32 @!p0 $0x108  }
0x21: {  	s3 =	sadd.s32 s3, s9;
	s6 =	sadd.s32 @!p0 $0x88, s6;
	s7 =	simm.s32 @p2 $0x1082  }
0x22: {  	[simem:s7], [sflag:s8] =	dma.local @!p0 [hbm:s6], $0xF7A  }
0x23: {  	s9 =	sor.u32 $0xD0000000, s2;
	s6 =	simm.s32 $0x108;
	_ =	swait.ge @!p0 [sflag:s8], $0x0  }
0x24: {  	s3 =	sadd.s32 $0x88, s3;
	s6 =	simm.s32 @!p1 $0x1082;
	[sflag:s4] =	ssyncset.s32 $0xFFFFF086  }
0x25: {  	[simem:s6], [sflag:s4] =	dma.local [hbm:s3], $0xF7A  }
0x26: {  	[smem:$0x3F8A] =	sst s1;
	(tag) =	ssettag s2;
	_ =	strace s9  }
0x27: {  	s1 =	sld [smem:$0x3F9A]  }
0x28: {  	s2 =	sld [smem:$0x3F9B]  }
0x29: {  	s4 =	sld [smem:$0x3F9D]  }
0x2a: {  	p0 =	seq.s32 s5, $0x0;
	s5 =	sld [smem:$0x3F9E]  }
0x2b: {  	s6 =	sld [smem:$0x3F9F]  }
0x2c: {  	s7 =	sld [smem:$0x3FA0]  }
0x2d: {  	s3 =	simm.s32 $0x108;
	s8 =	sld [smem:$0x3FA1]  }
0x2e: {  	s3 =	simm.s32 @!p0 $0x1082;
	s9 =	sld [smem:$0x3FA2]  }
0x2f: {  	lr =	sadd.s32 s0, s3;
	s0 =	sld [smem:$0x3F99]  }
0x30: {  	s3 =	sld [smem:$0x3F9C]  }
0x31: {  	[smem:$0x3FA5] =	sst s10  }
0x32: {  	s10 =	sld [smem:$0x3FA3];
	_ =	sdelay $0x3  }
0x33: {  	p0 =	seq.s32 s10, $0x1;
	s10 =	sld [smem:$0x3FA5];
	_ =	sdelay $0x3  }
0x34: {  	[smem:$0x3FA5] =	sst s10  }
0x35: {  	s10 =	sld [smem:$0x3FA4];
	_ =	sdelay $0x3  }
0x36: {  	p1 =	seq.s32 s10, $0x1;
	s10 =	sld [smem:$0x3FA5];
	_ =	sdelay $0x3  }
0x37: {  	[smem:$0x3FA5] =	sst s10  }
0x38: {  	s10 =	sld [smem:$0x3FA6]  }
0x39: {  	_ = 	snop;
	(pc) =	sbr.ind lr, $3  }
0x3a: {  	_ = 	snop  }
0x3b: {  	_ = 	snop  }
0x3c: {  	p2 =	seq.s32 s10, $0x1;
	s10 =	sld [smem:$0x3FA5]  }
0x3d: {  	_ =	shalt  }
0x3e: {  	_ =	shalt  }
0x3f: {  	_ =	shalt  }
0x40: {  	_ =	shalt  }
0x41: {  	_ =	shalt  }
0x42: {  	_ =	shalt  }
0x43: {  	_ =	shalt  }
0x44: {  	_ =	shalt  }
0x45: {  	_ =	shalt  }
0x46: {  	_ =	shalt  }
0x47: {  	_ =	shalt  }
0x48: {  	_ =	shalt  }
0x49: {  	_ =	shalt  }
0x4a: {  	_ =	shalt  }
0x4b: {  	_ =	shalt  }
0x4c: {  	_ =	shalt  }
0x4d: {  	_ =	shalt  }
0x4e: {  	_ =	shalt  }
0x4f: {  	_ =	shalt  }
0x50: {  	_ =	shalt  }
0x51: {  	_ =	shalt  }
0x52: {  	_ =	shalt  }
0x53: {  	_ =	shalt  }
0x54: {  	_ =	shalt  }
0x55: {  	_ =	shalt  }
0x56: {  	_ =	shalt  }
0x57: {  	_ =	shalt  }
0x58: {  	_ =	shalt  }
0x59: {  	_ =	shalt  }
0x5a: {  	_ =	shalt  }
0x5b: {  	_ =	shalt  }
0x5c: {  	_ =	shalt  }
0x5d: {  	_ =	shalt  }
0x5e: {  	_ =	shalt  }
0x5f: {  	_ =	shalt  }
0x60: {  	_ =	shalt  }
0x61: {  	_ =	shalt  }
0x62: {  	_ =	shalt  }
0x63: {  	_ =	shalt  }
0x64: {  	_ =	shalt  }
0x65: {  	_ =	shalt  }
0x66: {  	_ =	shalt  }
0x67: {  	_ =	shalt  }
0x68: {  	_ =	shalt  }
0x69: {  	_ =	shalt  }
0x6a: {  	_ =	shalt  }
0x6b: {  	_ =	shalt  }
0x6c: {  	_ =	shalt  }
0x6d: {  	_ =	shalt  }
0x6e: {  	_ =	shalt  }
0x6f: {  	_ =	shalt  }
0x70: {  	_ =	shalt  }
0x71: {  	_ =	shalt  }
0x72: {  	_ =	shalt  }
0x73: {  	_ =	shalt  }
0x74: {  	_ =	shalt  }
0x75: {  	_ =	shalt  }
0x76: {  	_ =	shalt  }
0x77: {  	_ =	shalt  }
0x78: {  	_ =	shalt  }
0x79: {  	_ =	shalt  }
0x7a: {  	_ =	shalt  }
0x7b: {  	_ =	shalt  }
0x7c: {  	_ =	shalt  }
0x7d: {  	_ =	shalt  }
0x7e: {  	_ =	shalt  }
0x7f: {  	_ =	shalt  }
0x80: {  	_ =	shalt  }
0x81: {  	_ =	shalt  }
0x82: {  	_ =	shalt  }
0x83: {  	_ =	shalt  }
0x84: {  	_ =	shalt  }
0x85: {  	_ =	shalt  }
0x86: {  	_ =	shalt  }
0x87: {  	_ =	shalt  }
.Lfunc_end0:
.L_simem_size_0:
called_computation.1_lowered:
.L_overlay_start_0:
0x88: {  	s2 =	sld [smem:$0x3FD9]  }
0x89: {  	s3 =	sld [smem:$0x3FFE];
	_ =	sdelay $0x1  }
0x8a: {  	s1 =	srdreg.scid  }
0x8b: {  	s0 =	sand.u32 $0x1, s1  }
0x8c: {  	s17 =	sshll.u32 s0, $0xA;
	s2 =	sadd.s32 s3, s2  }
0x8d: {  	s2 =	sadd.s32 s2, s17  }
0x8e: {  	[smem:$0x3FB1] =	sst s2  }
0x8f: {  	_ = 	snop  }
0x90: {  	(tm) =	ssettm $0x1  }
0x91: {  	s18 =	sld [smem:$0x3FFB];
	_ =	sdelay $0x3  }
0x92: {  	_ =	strace s18  }
0x93: {  	s2 =	sld [smem:$0x3FFC];
	_ =	sdelay $0x3  }
0x94: {  	_ =	strace s2  }
0x95: {  	s2 =	sld [smem:$0x3FFD];
	_ =	sdelay $0x3  }
0x96: {  	_ =	strace s2  }
0x97: {  	_ =	strace $0x8FFFFFFF  }
0x98: {  	s19 =	sld [smem:$0x3FDB];
	_ =	sdelay $0x1  }
0x99: {  	s20 =	simm.s32 $_scs_section_size  }
0x9a: {  	s4 =	simm.s32 $_size__tile_overlayer_lowered;
	s5 =	simm.s32 $_tile_overlayer_lowered  }
0x9b: {  	s6 =	simm.s32 $0x1BFF;
	s21 =	sshll.u32 s5, $0x1;
	s3 =	sadd.s32 s20, s19  }
0x9c: {  	s22 =	simm.s32 $0x0;
	s4 =	sshll.u32 s4, $0x1;
	s5 =	sadd.s32 s21, s3  }
0x9d: {  	[timem:s22], [sflag:s6] =	dma.local [hbm:s5], s4  }
0x9e: {  	_ =	swait.ge [sflag:s6], s4  }
0x9f: {  	s4 =	ssub.s32 $0x0, s4;
	[sflag:s6] =	ssyncset.done $0x0  }
0xa0: {  	[sflag:s6] =	ssyncadd.s32 s4;
	_ =	sdelay $0x1  }
0xa1: {  	s23 =	simm.s32 $0x1B8B  }
0xa2: {  	_ =	swait.ge [sflag:s23], $0x1  }
0xa3: {  	[sflag:s23] =	ssyncset.done $0x0  }
0xa4: {  	[sflag:s23] =	ssyncadd.s32 $0xFFFFFFFF  }
0xa5: {  	s4 =	sld [smem:$0x0]  }
0xa6: {  	s5 =	sand.u32 $0xFFFFFFFE, s1  }
0xa7: {  	p0 =	sne.s32 s1, s5  }
0xa8: {  	s5 =	sshll.u32 @p0 s5, $0xE  }
0xa9: {  	s5 =	sadd.s32 @p0 $0x11B8D, s5;
	s6 =	sshll.u32 @p0 s4, $0x11  }
0xaa: {  	s5 =	sor.u32 @p0 s6, s5  }
0xab: {  	[sflag:s5] =	ssyncadd.remote.s32 @p0 $0x1;
	_ =	sdelay $0x1  }
0xac: {  	s5 =	simm.s32 @p0 $0x1B8D  }
0xad: {  	_ =	swait.eq @p0 [sflag:s5], $0x1  }
0xae: {  	[sflag:s5] =	ssyncadd.s32 @p0 $0xFFFFFFFF  }
0xaf: {  	s6 =	sshll.u32 @!p0 s1, $0xE  }
0xb0: {  	s6 =	sor.u32 @!p0 $0x4000, s6;
	s5 =	simm.s32 @!p0 $0x1B8D  }
0xb1: {  	s4 =	sshll.u32 @!p0 s4, $0x11;
	s6 =	sadd.s32 @!p0 $0x11B8D, s6;
	_ =	swait.eq @!p0 [sflag:s5], $0x1  }
0xb2: {  	s4 =	sor.u32 @!p0 s4, s6;
	[sflag:s5] =	ssyncadd.s32 @!p0 $0xFFFFFFFF  }
0xb3: {  	s25 =	simm.s32 $0x1B8E;
	s24 =	sld [smem:$0x3FFE];
	[sflag:s4] =	ssyncadd.remote.s32 @!p0 $0x1  }
0xb4: {  	s26 =	simm.s32 $execute0_lowered;
	[smem:$0x3FD2] =	sst s25  }
0xb5: {  	s5 =	sshll.u32 s26, $0x1;
	_ =	strace $0x80000049;
	[dreg:$0x1] =	wrdreg $0xFFFFFFFF  }
0xb6: {  	s28 =	simm.s32 $_size_execute0_lowered;
	s3 =	sadd.s32 s3, s5;
	[dreg:$0x0] =	wrdreg $0x0  }
0xb7: {  	s5 =	sshll.u32 s28, $0x1;
	[dreg:$0x2] =	wrdreg s3  }
0xb8: {  	[dreg:$0x3] =	wrdreg s5  }
0xb9: {  	[dreg:$0x4] =	wrdreg $0xC0  }
0xba: {  	_ =	task [dreg:s22], $0x5FFFF  }
0xbb: {  	[dreg:$0x1] =	wrdreg $0xFFFFFFFF  }
0xbc: {  	[dreg:$0x0] =	wrdreg $0x60  }
0xbd: {  	[dreg:$0x2] =	wrdreg s24  }
0xbe: {  	[dreg:$0x3] =	wrdreg $0x9  }
0xbf: {  	_ =	task.clear_ibuf [dreg:s22], $0x4FFFF;
	_ =	strace $0x90000049  }
0xc0: {  	s29 =	simm.s32 $0x9;
	_ =	strace $0x8000004B  }
0xc1: {  	_ =	swait.ge [sflag:s29], $0x1  }
0xc2: {  	[sflag:s29] =	ssyncadd.s32 $0xFFFFFFFF  }
0xc3: {  	_ =	strace $0x9000004B  }
0xc4: {  	_ =	sfence  }
0xc5: {  	s30 =	sld [smem:$0x0];
	_ =	sdelay $0x2  }
0xc6: {  	s31 =	sshll.u32 s1, $0xD;
	s1 =	sshrl.u32 s1, $0x2  }
0xc7: {  	s4 =	sand.u32 $0x4000, s31;
	s1 =	sadd.s32 s1, s30  }
0xc8: {  	s0 =	sor.u32 s4, s0;
	s1 =	sshll.u32 s1, $0x11  }
0xc9: {  	s0 =	sor.u32 s1, s0  }
0xca: {  	s0 =	sadd.s32 $0x8F2B, s0  }
0xcb: {  	[sflag:s0] =	ssyncadd.remote.s32 $0x1  }
0xcc: {  	_ =	sfence.sel $0xFFFF  }
0xcd: {  	[dreg:$0x0] =	wrdreg $0xFFFFFFFF;
	(pc) =	sbr.abs _section_cstart, $3  }
0xce: {  	[dreg:$0x1] =	wrdreg $0xFFFFFFFF  }
0xcf: {  	_ =	task.clear_ibuf [dreg:s22], $0x2FFFF;
	_ =	strace $0x9FFFFFFF  }
0xd0: {  	(tm) =	ssettm $0x7FFFFFFF  }
0xd1: {  	_ =	shalt  }
tec
execute0_lowered:
.L_overlay_start_1:
0x0: {  	(tag) =	ssettag $0x1  }
0x1: {  	s0 =	srdreg.scid  }
0x2: {  	s5 =	rddreg [dreg:$0x0];
	s1 =	stileid.u32  }
0x3: {  	s2 =	simm.s32 $0x0;
	s13 =	simm.s32 $0x1;
	s14 =	simm.s32 $0x2  }
0x4: {  	s4 =	sand.u32 $0x1, s0;
	s0 =	rddreg [dreg:$0x1];
	s28 =	smul.u32 $0x12C0, s1  }
0x5: {  	s15 =	simm.s32 $0x0;
	[smem:$0x7FF] =	sst s2;
	s12 =	smul.u32 $0x12C00, s1  }
0x6: {  	s11 =	sadd.s32 $0x6A400, s5;
	s3 =	sshll.u32 s4, $0x4;
	s8 =	smul.u32 $0x12C000, s4  }
0x7: {  	s9 =	ssub.s32 $0x2, s4;
	s10 =	smul.u32 $0x12C00, s4;
	s3 =	sor.u32 s1, s3  }
0x8: {  	_ =	strace $0x8000004A;
	s26 =	sshrl.u32 s9, $0x1;
	s6 =	smul.u32 $0x12C0, s3  }
0x9: {  	s7 =	smul.u32 $0x12C00, s3;
	s3 =	sadd.s32 $0x5000, s5;
	s9 =	ssub.s32 s9, s26  }
0xa: {  	s30 =	sadd.s32 s28, s10;
	s8 =	sadd.s32 s12, s8;
	s10 =	simm.s32 $0x40  }
0xb: {  	s12 =	simm.s32 $0x16C0;
	s6 =	sshrl.u32 s6, $0x3;
	s7 =	sshrl.u32 s7, $0x3  }
0xc: {  	s8 =	sshrl.u32 s8, $0x3;
	s6 =	sadd.s32 s6, s5;
	s29 =	sadd.s32 s11, s7  }
0xd: {  	s7 =	sshll.u32 s30, $0x1;
	s4 =	sadd.s32 $0x65800, s6;
	s5 =	sadd.s32 $0x2500, s29  }
0xe: {  	s6 =	smax.u32 s9, $0x1;
	s31 =	sadd.s32 s11, s7;
	s7 =	sadd.s32 s8, s11  }
0xf: {  	s9 =	simm.s32 $0x3;
	s11 =	simm.s32 $0x12C0;
	s8 =	sadd.s32 $0x80, s31  }
.LBB2_1:
0x10: {  	[tilespmem:s2], [sflag:$0x3] =	stream.linear.gather [hbm4b:s4+s2], $0x12C0, $0x38;
	[tilespmem:$0x1AC0] =	vst v63  }
0x11: {  	_ =	swait.ge [sflag:s9], $0x12C0  }
0x12: {  	[sflag:s9] =	ssyncset.done $0x0  }
0x13: {  	[sflag:s9] =	ssyncadd.s32 $0xFFFFED40  }
0x14: {  	[tilespmem:s11], [sflag:$0x1] =	stream.indirect.gather [hbm4b:s3+s10], $0x10, s2, s10, $0xb8;
	[tilespmem:$0x1AC0] =	vst v63  }
0x15: {  	s16 =	simm.s32 $0x40  }
0x16: {  	[tilespmem:s12], [sflag:$0x2] =	stream.indirect.gather [hbm4b:s3+s10], $0x10, s16, s10, $0xb8;
	[tilespmem:$0x1AC0] =	vst v63  }
0x17: {  	_ =	swait.ge [sflag:s13], $0x400  }
0x18: {  	[sflag:s13] =	ssyncset.done $0x0  }
0x19: {  	s29 =	sadd.s32 $0x0, s7;
	[sflag:s13] =	ssyncadd.s32 $0xFFFFFC00  }
0x1a: {  	[hbm4b:s29+s2] =	stream.linear.scatter [tilespmem:s11], [sflag:$0x3], $0x400, $0x38;
	[tilespmem:$0x1AC0] =	vst v63  }
0x1b: {  	_ =	swait.ge [sflag:s9], $0x400  }
0x1c: {  	[sflag:s9] =	ssyncset.done $0x0  }
0x1d: {  	s30 =	simm.s32 $0x80;
	[sflag:s9] =	ssyncadd.s32 $0xFFFFFC00  }
0x1e: {  	[tilespmem:s11], [sflag:$0x1] =	stream.indirect.gather [hbm4b:s3+s10], $0x10, s30, s10, $0xb8;
	[tilespmem:$0x1AC0] =	vst v63  }
0x1f: {  	_ =	swait.ge [sflag:s14], $0x400  }
0x20: {  	[sflag:s14] =	ssyncset.done $0x0  }
0x21: {  	s31 =	sadd.s32 $0x0, s8;
	[sflag:s14] =	ssyncadd.s32 $0xFFFFFC00  }
0x22: {  	[hbm4b:s31+s2] =	stream.linear.scatter [tilespmem:s12], [sflag:$0x3], $0x400, $0x38;
	[tilespmem:$0x1AC0] =	vst v63  }
0x23: {  	s18 =	simm.s32 $0x200;
	_ =	swait.ge [sflag:s9], $0x400  }
0x24: {  	s17 =	simm.s32 $0x100;
	s16 =	simm.s32 $0x100;
	[sflag:s9] =	ssyncset.done $0x0  }
.LBB2_2:
0x25: {  	p0 =	sne.s32 s18, $0x2400;
	s19 =	sadd.s32 $0xFFFFFFC0, s17;
	[sflag:s9] =	ssyncadd.s32 $0xFFFFFC00  }
0x26: {  	[tilespmem:s12], [sflag:$0x2] =	stream.indirect.gather [hbm4b:s3+s10], $0x10, s19, s10, $0xb8;
	[tilespmem:$0x1AC0] =	vst v63  }
0x27: {  	s19 =	smov.u32 s18;
	s18 =	sadd.s32 $0x100, s18;
	_ =	swait.ge [sflag:s13], $0x400  }
0x28: {  	[sflag:s13] =	ssyncset.done $0x0  }
0x29: {  	s20 =	sadd.s32 s16, s7;
	[sflag:s13] =	ssyncadd.s32 $0xFFFFFC00  }
0x2a: {  	[hbm4b:s20+s2] =	stream.linear.scatter [tilespmem:s11], [sflag:$0x3], $0x400, $0x38;
	[tilespmem:$0x1AC0] =	vst v63  }
0x2b: {  	_ =	swait.ge [sflag:s9], $0x400  }
0x2c: {  	[sflag:s9] =	ssyncset.done $0x0  }
0x2d: {  	[sflag:s9] =	ssyncadd.s32 $0xFFFFFC00  }
0x2e: {  	[tilespmem:s11], [sflag:$0x1] =	stream.indirect.gather [hbm4b:s3+s10], $0x10, s17, s10, $0xb8;
	[tilespmem:$0x1AC0] =	vst v63  }
0x2f: {  	_ =	swait.ge [sflag:s14], $0x400  }
.Ltmp0:
0x30: {  	[sflag:s14] =	ssyncset.done $0x0;
	(pc) =	sbr.rel @p0 .LBB2_2-.Ltmp0, $4  }
0x31: {  	s20 =	sadd.s32 s16, s8;
	s16 =	smov.u32 s19;
	[sflag:s14] =	ssyncadd.s32 $0xFFFFFC00  }
0x32: {  	[hbm4b:s20+s2] =	stream.linear.scatter [tilespmem:s12], [sflag:$0x3], $0x400, $0x38;
	[tilespmem:$0x1AC0] =	vst v63  }
0x33: {  	_ =	swait.ge [sflag:s9], $0x400  }
0x34: {  	s17 =	sadd.s32 $0x80, s17;
	[sflag:s9] =	ssyncset.done $0x0  }
0x35: {  	s18 =	sadd.s32 $0xFFFFFFC0, s17;
	[sflag:s9] =	ssyncadd.s32 $0xFFFFFC00  }
0x36: {  	[tilespmem:s12], [sflag:$0x2] =	stream.indirect.gather [hbm4b:s3+s10], $0x10, s18, s10, $0xb8;
	[tilespmem:$0x1AC0] =	vst v63  }
0x37: {  	_ =	swait.ge [sflag:s13], $0x400  }
0x38: {  	[sflag:s13] =	ssyncset.done $0x0  }
0x39: {  	s30 =	sadd.s32 s16, s7;
	[sflag:s13] =	ssyncadd.s32 $0xFFFFFC00  }
0x3a: {  	[hbm4b:s30+s2] =	stream.linear.scatter [tilespmem:s11], [sflag:$0x3], $0x400, $0x38;
	[tilespmem:$0x1AC0] =	vst v63  }
0x3b: {  	_ =	swait.ge [sflag:s9], $0x400  }
0x3c: {  	[sflag:s9] =	ssyncset.done $0x0  }
0x3d: {  	[sflag:s9] =	ssyncadd.s32 $0xFFFFFC00  }
0x3e: {  	[tilespmem:s11], [sflag:$0x1] =	stream.indirect.gather [hbm4b:s3+s10], $0x10, s17, s10, $0xb8;
	[tilespmem:$0x1AC0] =	vst v63  }
0x3f: {  	_ =	swait.ge [sflag:s14], $0x400  }
0x40: {  	[sflag:s14] =	ssyncset.done $0x0  }
0x41: {  	s31 =	sadd.s32 s16, s8;
	[sflag:s14] =	ssyncadd.s32 $0xFFFFFC00  }
0x42: {  	[hbm4b:s31+s2] =	stream.linear.scatter [tilespmem:s12], [sflag:$0x3], $0x400, $0x38;
	[tilespmem:$0x1AC0] =	vst v63  }
0x43: {  	_ =	swait.ge [sflag:s9], $0x400  }
0x44: {  	[sflag:s9] =	ssyncset.done $0x0  }
0x45: {  	[sflag:s9] =	ssyncadd.s32 $0xFFFFFC00  }
0x46: {  	s15 =	sadd.s32 $0x1, s15;
	_ =	swait.ge [sflag:s13], $0x400  }
0x47: {  	p0 =	sne.s32 s15, s6;
	[sflag:s13] =	ssyncset.done $0x0  }
.Ltmp1:
0x48: {  	[sflag:s13] =	ssyncadd.s32 $0xFFFFFC00;
	(pc) =	sbr.rel @p0 .LBB2_1-.Ltmp1, $4  }
0x49: {  	[hbm4b:s5+s2] =	stream.linear.scatter [tilespmem:s11], [sflag:$0x3], $0x400, $0x38;
	[tilespmem:$0x1AC0] =	vst v63  }
0x4a: {  	_ =	swait.ge [sflag:s9], $0x400  }
0x4b: {  	[sflag:s9] =	ssyncset.done $0x0  }
0x4c: {  	[sflag:s9] =	ssyncadd.s32 $0xFFFFFC00  }
0x4d: {  	_ =	sfence.sel $0x180000  }
0x4e: {  	[bflag:$0x0] =	sbarrier.arrive $0xFFFF  }
0x4f: {  	p0 =	sne.s32 s1, $0x0;
	_ =	strace $0x9000004A  }
0x50: {  	s0 =	sadd.s32 @!p0 $0x100000, s0;
	[bflag:$0x2] =	sbarrier.arrive $0xFFFF  }
0x51: {  	[sflag:s0] =	ssyncadd.tile.s32 @!p0 $0x1;
	_ =	shalt  }
.Lfunc_end2:
_tile_overlayer_lowered:
.L_overlay_start_2:
0x52: {  	(tag) =	ssettag $0x2  }
0x53: {  	s0 =	rddreg [dreg:$0x0];
	s2 =	stileid.u32  }
0x54: {  	s1 =	rddreg [dreg:$0x1];
	p0 =	sne.s32 s2, $0x0  }
0x55: {  	s3 =	rddreg [dreg:$0x2];
	[bflag:$0x3] =	sbarrier.arrive $0xFFFF;
	s2 =	simm.s32 @!p0 $0x1C03  }
0x56: {  	[timem:s3], [sflag:s2] =	dma.local @!p0 [hbm:s0], s1  }
0x57: {  	s0 =	simm.s32 @!p0 $0x3  }
0x58: {  	_ =	swait.ge @!p0 [sflag:s0], s1  }
0x59: {  	s1 =	ssub.s32 @!p0 $0x0, s1;
	[sflag:s0] =	ssyncset.done @!p0 $0x0  }
0x5a: {  	[sflag:s0] =	ssyncadd.s32 @!p0 s1  }
0x5b: {  	[bflag:$0x3] =	sbarrier.arrive $0xFFFF  }
0x5c: {  	_ =	shalt  }

// kernel: kernel.16.cloned.1.call-start
scs
__scs_entry_jumppad:
0x0: {  	(pc) =	sbr.rel $0x88, $3  }
0x1: {  	(tag) =	ssettag $0x0;
	lr =	simm.s32 $0x1  }
0x2: {  	[smem:$0x3F8A] =	sst lr;
	_ =	strace $0xD0000000  }
0x3: {  	_ = 	snop  }
0x4: {  	_ = 	snop  }
0x5: {  	_ = 	snop  }
0x6: {  	_ = 	snop  }
0x7: {  	_ = 	snop  }
__scs_overlays_trampoline_lowered:
0x8: {  	[smem:$0x3F99] =	sst s0  }
0x9: {  	[smem:$0x3F9A] =	sst s1  }
0xa: {  	[smem:$0x3F9B] =	sst s2  }
0xb: {  	[smem:$0x3F9C] =	sst s3  }
0xc: {  	[smem:$0x3F9D] =	sst s4  }
0xd: {  	[smem:$0x3F9E] =	sst s5  }
0xe: {  	[smem:$0x3F9F] =	sst s6  }
0xf: {  	[smem:$0x3FA0] =	sst s7  }
0x10: {  	[smem:$0x3FA1] =	sst s8  }
0x11: {  	[smem:$0x3FA2] =	sst s9;
	s0 =	simm.s32 @!p0 $0x0  }
0x12: {  	s1 =	sld [smem:$0x3F88];
	s0 =	simm.s32 @p0 $0x1  }
0x13: {  	[smem:$0x3FA3] =	sst s0;
	s0 =	simm.s32 @!p1 $0x0  }
0x14: {  	s2 =	sld [smem:$0x3F87];
	s0 =	simm.s32 @p1 $0x1  }
0x15: {  	[smem:$0x3FA4] =	sst s0;
	s0 =	simm.s32 @!p2 $0x0  }
0x16: {  	s3 =	sld [smem:$0x3FDB];
	s0 =	simm.s32 @p2 $0x1  }
0x17: {  	s4 =	simm.s32 $0x1BF5;
	[smem:$0x3FA6] =	sst s0  }
0x18: {  	s0 =	sld [smem:$0x3F89];
	_ =	swait.ge [sflag:s4], $0x0  }
0x19: {  	s7 =	sld [smem:$0x3F8A]  }
0x1a: {  	s8 =	sadd.s32 $0xFFFFE003, lr  }
0x1b: {  	s9 =	sadd.s32 $0xFFFFFEF7, lr;
	s5 =	simm.s32 $0xFFFFFFFF;
	p2 =	slt.u32 s8, $0xFFFFF086  }
0x1c: {  	p1 =	slt.u32 s9, $0xF7A;
	s5 =	simm.s32 @!p2 $0x0  }
0x1d: {  	s5 =	simm.s32 @p1 $0x1;
	p0 =	seq.s32 s7, s2  }
0x1e: {  	s7 =	smul.u32 @!p0 $0xF7A, s2;
	p2 =	seq.s32 @!p0 s5, $0x0  }
0x1f: {  	s9 =	smul.u32 $0xF7A, s1;
	s8 =	simm.s32 @!p0 $0x1BF5;
	p2 =	por !p2, p0  }
0x20: {  	[sflag:s8] =	ssyncset.s32 @!p0 $0xFFFFF086;
	s6 =	sadd.s32 @!p0 s3, s7;
	s7 =	simm.s32 @!p0 $0x108  }
0x21: {  	s3 =	sadd.s32 s3, s9;
	s6 =	sadd.s32 @!p0 $0x88, s6;
	s7 =	simm.s32 @p2 $0x1082  }
0x22: {  	[simem:s7], [sflag:s8] =	dma.local @!p0 [hbm:s6], $0xF7A  }
0x23: {  	s9 =	sor.u32 $0xD0000000, s2;
	s6 =	simm.s32 $0x108;
	_ =	swait.ge @!p0 [sflag:s8], $0x0  }
0x24: {  	s3 =	sadd.s32 $0x88, s3;
	s6 =	simm.s32 @!p1 $0x1082;
	[sflag:s4] =	ssyncset.s32 $0xFFFFF086  }
0x25: {  	[simem:s6], [sflag:s4] =	dma.local [hbm:s3], $0xF7A  }
0x26: {  	[smem:$0x3F8A] =	sst s1;
	(tag) =	ssettag s2;
	_ =	strace s9  }
0x27: {  	s1 =	sld [smem:$0x3F9A]  }
0x28: {  	s2 =	sld [smem:$0x3F9B]  }
0x29: {  	s4 =	sld [smem:$0x3F9D]  }
0x2a: {  	p0 =	seq.s32 s5, $0x0;
	s5 =	sld [smem:$0x3F9E]  }
0x2b: {  	s6 =	sld [smem:$0x3F9F]  }
0x2c: {  	s7 =	sld [smem:$0x3FA0]  }
0x2d: {  	s3 =	simm.s32 $0x108;
	s8 =	sld [smem:$0x3FA1]  }
0x2e: {  	s3 =	simm.s32 @!p0 $0x1082;
	s9 =	sld [smem:$0x3FA2]  }
0x2f: {  	lr =	sadd.s32 s0, s3;
	s0 =	sld [smem:$0x3F99]  }
0x30: {  	s3 =	sld [smem:$0x3F9C]  }
0x31: {  	[smem:$0x3FA5] =	sst s10  }
0x32: {  	s10 =	sld [smem:$0x3FA3];
	_ =	sdelay $0x3  }
0x33: {  	p0 =	seq.s32 s10, $0x1;
	s10 =	sld [smem:$0x3FA5];
	_ =	sdelay $0x3  }
0x34: {  	[smem:$0x3FA5] =	sst s10  }
0x35: {  	s10 =	sld [smem:$0x3FA4];
	_ =	sdelay $0x3  }
0x36: {  	p1 =	seq.s32 s10, $0x1;
	s10 =	sld [smem:$0x3FA5];
	_ =	sdelay $0x3  }
0x37: {  	[smem:$0x3FA5] =	sst s10  }
0x38: {  	s10 =	sld [smem:$0x3FA6]  }
0x39: {  	_ = 	snop;
	(pc) =	sbr.ind lr, $3  }
0x3a: {  	_ = 	snop  }
0x3b: {  	_ = 	snop  }
0x3c: {  	p2 =	seq.s32 s10, $0x1;
	s10 =	sld [smem:$0x3FA5]  }
0x3d: {  	_ =	shalt  }
0x3e: {  	_ =	shalt  }
0x3f: {  	_ =	shalt  }
0x40: {  	_ =	shalt  }
0x41: {  	_ =	shalt  }
0x42: {  	_ =	shalt  }
0x43: {  	_ =	shalt  }
0x44: {  	_ =	shalt  }
0x45: {  	_ =	shalt  }
0x46: {  	_ =	shalt  }
0x47: {  	_ =	shalt  }
0x48: {  	_ =	shalt  }
0x49: {  	_ =	shalt  }
0x4a: {  	_ =	shalt  }
0x4b: {  	_ =	shalt  }
0x4c: {  	_ =	shalt  }
0x4d: {  	_ =	shalt  }
0x4e: {  	_ =	shalt  }
0x4f: {  	_ =	shalt  }
0x50: {  	_ =	shalt  }
0x51: {  	_ =	shalt  }
0x52: {  	_ =	shalt  }
0x53: {  	_ =	shalt  }
0x54: {  	_ =	shalt  }
0x55: {  	_ =	shalt  }
0x56: {  	_ =	shalt  }
0x57: {  	_ =	shalt  }
0x58: {  	_ =	shalt  }
0x59: {  	_ =	shalt  }
0x5a: {  	_ =	shalt  }
0x5b: {  	_ =	shalt  }
0x5c: {  	_ =	shalt  }
0x5d: {  	_ =	shalt  }
0x5e: {  	_ =	shalt  }
0x5f: {  	_ =	shalt  }
0x60: {  	_ =	shalt  }
0x61: {  	_ =	shalt  }
0x62: {  	_ =	shalt  }
0x63: {  	_ =	shalt  }
0x64: {  	_ =	shalt  }
0x65: {  	_ =	shalt  }
0x66: {  	_ =	shalt  }
0x67: {  	_ =	shalt  }
0x68: {  	_ =	shalt  }
0x69: {  	_ =	shalt  }
0x6a: {  	_ =	shalt  }
0x6b: {  	_ =	shalt  }
0x6c: {  	_ =	shalt  }
0x6d: {  	_ =	shalt  }
0x6e: {  	_ =	shalt  }
0x6f: {  	_ =	shalt  }
0x70: {  	_ =	shalt  }
0x71: {  	_ =	shalt  }
0x72: {  	_ =	shalt  }
0x73: {  	_ =	shalt  }
0x74: {  	_ =	shalt  }
0x75: {  	_ =	shalt  }
0x76: {  	_ =	shalt  }
0x77: {  	_ =	shalt  }
0x78: {  	_ =	shalt  }
0x79: {  	_ =	shalt  }
0x7a: {  	_ =	shalt  }
0x7b: {  	_ =	shalt  }
0x7c: {  	_ =	shalt  }
0x7d: {  	_ =	shalt  }
0x7e: {  	_ =	shalt  }
0x7f: {  	_ =	shalt  }
0x80: {  	_ =	shalt  }
0x81: {  	_ =	shalt  }
0x82: {  	_ =	shalt  }
0x83: {  	_ =	shalt  }
0x84: {  	_ =	shalt  }
0x85: {  	_ =	shalt  }
0x86: {  	_ =	shalt  }
0x87: {  	_ =	shalt  }
.Lfunc_end0:
.L_simem_size_0:
called_computation.2_lowered:
.L_overlay_start_0:
0x88: {  	s2 =	sld [smem:$0x3FD9]  }
0x89: {  	s3 =	sld [smem:$0x3FFE];
	_ =	sdelay $0x1  }
0x8a: {  	s1 =	srdreg.scid  }
0x8b: {  	s0 =	sand.u32 $0x1, s1  }
0x8c: {  	s17 =	sshll.u32 s0, $0xA;
	s2 =	sadd.s32 s3, s2  }
0x8d: {  	s2 =	sadd.s32 s2, s17  }
0x8e: {  	[smem:$0x3FB1] =	sst s2  }
0x8f: {  	_ = 	snop  }
0x90: {  	(tm) =	ssettm $0x1  }
0x91: {  	s18 =	sld [smem:$0x3FFB];
	_ =	sdelay $0x3  }
0x92: {  	_ =	strace s18  }
0x93: {  	s2 =	sld [smem:$0x3FFC];
	_ =	sdelay $0x3  }
0x94: {  	_ =	strace s2  }
0x95: {  	s2 =	sld [smem:$0x3FFD];
	_ =	sdelay $0x3  }
0x96: {  	_ =	strace s2  }
0x97: {  	_ =	strace $0x8FFFFFFF  }
0x98: {  	s19 =	sld [smem:$0x3FDB];
	_ =	sdelay $0x1  }
0x99: {  	s20 =	simm.s32 $_scs_section_size  }
0x9a: {  	s4 =	simm.s32 $_size__tile_overlayer_lowered;
	s5 =	simm.s32 $_tile_overlayer_lowered  }
0x9b: {  	s6 =	simm.s32 $0x1BFF;
	s21 =	sshll.u32 s5, $0x1;
	s3 =	sadd.s32 s20, s19  }
0x9c: {  	s22 =	simm.s32 $0x0;
	s4 =	sshll.u32 s4, $0x1;
	s5 =	sadd.s32 s21, s3  }
0x9d: {  	[timem:s22], [sflag:s6] =	dma.local [hbm:s5], s4  }
0x9e: {  	_ =	swait.ge [sflag:s6], s4  }
0x9f: {  	s4 =	ssub.s32 $0x0, s4;
	[sflag:s6] =	ssyncset.done $0x0  }
0xa0: {  	[sflag:s6] =	ssyncadd.s32 s4;
	_ =	sdelay $0x1  }
0xa1: {  	s23 =	simm.s32 $0x1B8B  }
0xa2: {  	_ =	swait.ge [sflag:s23], $0x1  }
0xa3: {  	[sflag:s23] =	ssyncset.done $0x0  }
0xa4: {  	[sflag:s23] =	ssyncadd.s32 $0xFFFFFFFF  }
0xa5: {  	s4 =	sld [smem:$0x0]  }
0xa6: {  	s5 =	sand.u32 $0xFFFFFFFE, s1  }
0xa7: {  	p0 =	sne.s32 s1, s5  }
0xa8: {  	s5 =	sshll.u32 @p0 s5, $0xE  }
0xa9: {  	s5 =	sadd.s32 @p0 $0x11B8D, s5;
	s6 =	sshll.u32 @p0 s4, $0x11  }
0xaa: {  	s5 =	sor.u32 @p0 s6, s5  }
0xab: {  	[sflag:s5] =	ssyncadd.remote.s32 @p0 $0x1;
	_ =	sdelay $0x1  }
0xac: {  	s5 =	simm.s32 @p0 $0x1B8D  }
0xad: {  	_ =	swait.eq @p0 [sflag:s5], $0x1  }
0xae: {  	[sflag:s5] =	ssyncadd.s32 @p0 $0xFFFFFFFF  }
0xaf: {  	s6 =	sshll.u32 @!p0 s1, $0xE  }
0xb0: {  	s6 =	sor.u32 @!p0 $0x4000, s6;
	s5 =	simm.s32 @!p0 $0x1B8D  }
0xb1: {  	s4 =	sshll.u32 @!p0 s4, $0x11;
	s6 =	sadd.s32 @!p0 $0x11B8D, s6;
	_ =	swait.eq @!p0 [sflag:s5], $0x1  }
0xb2: {  	s4 =	sor.u32 @!p0 s4, s6;
	[sflag:s5] =	ssyncadd.s32 @!p0 $0xFFFFFFFF  }
0xb3: {  	s25 =	simm.s32 $0x1B8E;
	s24 =	sld [smem:$0x3FFE];
	[sflag:s4] =	ssyncadd.remote.s32 @!p0 $0x1  }
0xb4: {  	s26 =	simm.s32 $execute0_lowered;
	[smem:$0x3FD2] =	sst s25  }
0xb5: {  	s5 =	sshll.u32 s26, $0x1;
	_ =	strace $0x8000004C;
	[dreg:$0x1] =	wrdreg $0xFFFFFFFF  }
0xb6: {  	s28 =	simm.s32 $_size_execute0_lowered;
	s3 =	sadd.s32 s3, s5;
	[dreg:$0x0] =	wrdreg $0x0  }
0xb7: {  	s5 =	sshll.u32 s28, $0x1;
	[dreg:$0x2] =	wrdreg s3  }
0xb8: {  	[dreg:$0x3] =	wrdreg s5  }
0xb9: {  	[dreg:$0x4] =	wrdreg $0xC0  }
0xba: {  	_ =	task [dreg:s22], $0x5FFFF  }
0xbb: {  	[dreg:$0x1] =	wrdreg $0xFFFFFFFF  }
0xbc: {  	[dreg:$0x0] =	wrdreg $0x60  }
0xbd: {  	[dreg:$0x2] =	wrdreg s24  }
0xbe: {  	[dreg:$0x3] =	wrdreg $0xA2D00  }
0xbf: {  	[dreg:$0x4] =	wrdreg $0xA  }
0xc0: {  	_ =	task.clear_ibuf [dreg:s22], $0x5FFFF;
	_ =	strace $0x9000004C  }
0xc1: {  	s29 =	simm.s32 $0xA;
	_ =	strace $0x8000004E  }
0xc2: {  	_ =	swait.ge [sflag:s29], $0x1  }
0xc3: {  	[sflag:s29] =	ssyncadd.s32 $0xFFFFFFFF  }
0xc4: {  	_ =	strace $0x9000004E  }
0xc5: {  	_ =	sfence  }
0xc6: {  	s30 =	sld [smem:$0x0];
	_ =	sdelay $0x2  }
0xc7: {  	s31 =	sshll.u32 s1, $0xD;
	s1 =	sshrl.u32 s1, $0x2  }
0xc8: {  	s4 =	sand.u32 $0x4000, s31;
	s1 =	sadd.s32 s1, s30  }
0xc9: {  	s0 =	sor.u32 s4, s0;
	s1 =	sshll.u32 s1, $0x11  }
0xca: {  	s0 =	sor.u32 s1, s0  }
0xcb: {  	s0 =	sadd.s32 $0x8F2B, s0  }
0xcc: {  	[sflag:s0] =	ssyncadd.remote.s32 $0x1  }
0xcd: {  	_ =	sfence.sel $0xFFFF  }
0xce: {  	[dreg:$0x0] =	wrdreg $0xFFFFFFFF;
	(pc) =	sbr.abs _section_cstart, $3  }
0xcf: {  	[dreg:$0x1] =	wrdreg $0xFFFFFFFF  }
0xd0: {  	_ =	task.clear_ibuf [dreg:s22], $0x2FFFF;
	_ =	strace $0x9FFFFFFF  }
0xd1: {  	(tm) =	ssettm $0x7FFFFFFF  }
tec
execute0_lowered:
.L_overlay_start_1:
0x0: {  	(tag) =	ssettag $0x1  }
0x1: {  	s4 =	rddreg [dreg:$0x0]  }
0x2: {  	s0 =	srdreg.scid;
	s2 =	rddreg [dreg:$0x1]  }
0x3: {  	s24 =	stileid.u32;
	s3 =	simm.s32 $0x0;
	s23 =	simm.s32 $0x1  }
0x4: {  	s28 =	simm.s32 $0x0;
	s11 =	sand.u32 $0x1, s0;
	s9 =	smul.u32 $0x13880, s24  }
0x5: {  	[smem:$0x7FF] =	sst s3;
	s16 =	sadd.s32 $0x1EE000, s4;
	s22 =	smul.u32 $0x1450, s24  }
0x6: {  	s15 =	sadd.s32 $0xF200, s4;
	s5 =	sshll.u32 s11, $0x4;
	s14 =	smul.u32 $0x138800, s11  }
0x7: {  	_ =	strace $0x8000004D;
	s6 =	ssub.s32 $0x2, s11;
	s26 =	smul.u32 $0x14500, s11  }
0x8: {  	s7 =	sor.u32 s24, s5;
	s8 =	sshrl.u32 s6, $0x1;
	s12 =	sadd.s32 $0x3E80, s9  }
0x9: {  	s13 =	sadd.s32 $0x7D00, s9;
	s18 =	sadd.s32 $0xBB80, s9;
	s19 =	sadd.s32 $0xFA00, s9  }
0xa: {  	s24 =	simm.s32 $0x50;
	s5 =	smul.u32 $0x1450, s7;
	s17 =	ssub.s32 s6, s8  }
0xb: {  	s6 =	sadd.s32 s13, s2;
	s20 =	smul.u32 $0x14500, s7;
	s7 =	sadd.s32 s18, s2  }
0xc: {  	s8 =	sadd.s32 s19, s2;
	s21 =	sadd.s32 s9, s14;
	s13 =	sadd.s32 s14, s13  }
0xd: {  	s18 =	sadd.s32 s14, s18;
	s29 =	sadd.s32 s22, s26;
	s22 =	simm.s32 $0x3C50  }
0xe: {  	s25 =	sshrl.u32 s21, $0x3;
	s13 =	sshrl.u32 s13, $0x3;
	s18 =	sshrl.u32 s18, $0x3  }
0xf: {  	s21 =	simm.s32 $0x1450;
	s5 =	sshrl.u32 s5, $0x3;
	s11 =	sadd.s32 s15, s25  }
0x10: {  	s13 =	sadd.s32 s15, s13;
	s25 =	simm.s32 $0x2;
	s10 =	sadd.s32 s5, s4  }
0x11: {  	s4 =	sadd.s32 s9, s2;
	s5 =	sadd.s32 s12, s2;
	s12 =	sadd.s32 s14, s12  }
0x12: {  	s14 =	sadd.s32 s14, s19;
	s19 =	sshll.u32 s29, $0x4;
	s9 =	sadd.s32 $0xA000, s10  }
0x13: {  	s10 =	sadd.s32 s16, s20;
	s12 =	sshrl.u32 s12, $0x3;
	s30 =	sshrl.u32 s14, $0x3  }
0x14: {  	s14 =	sadd.s32 s15, s18;
	s31 =	sadd.s32 s16, s19;
	s16 =	smax.u32 s17, $0x1  }
0x15: {  	s19 =	simm.s32 $0x6450;
	s20 =	simm.s32 $0x3;
	s12 =	sadd.s32 s15, s12  }
0x16: {  	v0 =	vimm.f32 $0.0e+00;
	s15 =	sadd.s32 s15, s30;
	s17 =	sadd.s32 $0xA00, s31;
	s18 =	sadd.s32 $0x500, s31  }
.LBB2_1:
0x17: {  	s29 =	simm.s32 $0x0;
	s30 =	simm.s32 $0x200  }
.LBB2_2:
0x18: {  	p0 =	sne.s32 s30, $0xF800;
	[tilespmem:s29+$0x64C0] =	vst v0  }
0x19: {  	[tilespmem:s29+$0x6450] =	vst v0  }
0x1a: {  	[tilespmem:s29+$0x6460] =	vst v0  }
.Ltmp0:
0x1b: {  	[tilespmem:s29+$0x6470] =	vst v0;
	(pc) =	sbr.rel @p0 .LBB2_2-.Ltmp0, $4  }
0x1c: {  	[tilespmem:s29+$0x6480] =	vst v0  }
0x1d: {  	[tilespmem:s29+$0x6490] =	vst v0  }
0x1e: {  	[tilespmem:s29+$0x64A0] =	vst v0  }
0x1f: {  	[tilespmem:s29+$0x64B0] =	vst v0;
	s29 =	sshra.s32 s30, $0x2;
	s30 =	sadd.s32 $0x200, s30  }
0x20: {  	[tilespmem:s29+$0x64C0] =	vst v0  }
0x21: {  	[tilespmem:s29+$0x6450] =	vst v0  }
0x22: {  	[tilespmem:s29+$0x6460] =	vst v0  }
0x23: {  	[tilespmem:s29+$0x6470] =	vst v0  }
0x24: {  	[tilespmem:s29+$0x6480] =	vst v0  }
0x25: {  	[tilespmem:s29+$0x6490] =	vst v0  }
0x26: {  	[tilespmem:s29+$0x64A0] =	vst v0  }
0x27: {  	[tilespmem:s29+$0x64B0] =	vst v0  }
0x28: {  	[spmem:s4] =	stream.linear.scatter [tilespmem:s19], [sflag:$0x3], $0x3E80, $0x38;
	[tilespmem:$0x1DB50] =	vst v63  }
0x29: {  	_ =	swait.ge [sflag:s20], $0x3E80  }
0x2a: {  	[sflag:s20] =	ssyncset.done $0x0  }
0x2b: {  	[sflag:s20] =	ssyncadd.s32 $0xFFFFC180  }
0x2c: {  	[spmem:s5] =	stream.linear.scatter [tilespmem:s19], [sflag:$0x3], $0x3E80, $0x38;
	[tilespmem:$0x1DB50] =	vst v63  }
0x2d: {  	_ =	swait.ge [sflag:s20], $0x3E80  }
0x2e: {  	[sflag:s20] =	ssyncset.done $0x0  }
0x2f: {  	[sflag:s20] =	ssyncadd.s32 $0xFFFFC180  }
0x30: {  	[spmem:s6] =	stream.linear.scatter [tilespmem:s19], [sflag:$0x3], $0x3E80, $0x38;
	[tilespmem:$0x1DB50] =	vst v63  }
0x31: {  	_ =	swait.ge [sflag:s20], $0x3E80  }
0x32: {  	[sflag:s20] =	ssyncset.done $0x0  }
0x33: {  	[sflag:s20] =	ssyncadd.s32 $0xFFFFC180  }
0x34: {  	[spmem:s7] =	stream.linear.scatter [tilespmem:s19], [sflag:$0x3], $0x3E80, $0x38;
	[tilespmem:$0x1DB50] =	vst v63  }
0x35: {  	_ =	swait.ge [sflag:s20], $0x3E80  }
0x36: {  	[sflag:s20] =	ssyncset.done $0x0  }
0x37: {  	[sflag:s20] =	ssyncadd.s32 $0xFFFFC180  }
0x38: {  	[spmem:s8] =	stream.linear.scatter [tilespmem:s19], [sflag:$0x3], $0x3E80, $0x38;
	[tilespmem:$0x1DB50] =	vst v63  }
0x39: {  	_ =	swait.ge [sflag:s20], $0x3E80  }
0x3a: {  	[sflag:s20] =	ssyncset.done $0x0  }
0x3b: {  	s29 =	simm.s32 $0x0;
	[sflag:s20] =	ssyncadd.s32 $0xFFFFC180  }
0x3c: {  	[tilespmem:s29], [sflag:$0x3] =	stream.linear.gather [hbm4b:s9+s29], $0x1450, $0x38;
	[tilespmem:$0x1DB50] =	vst v63  }
0x3d: {  	_ =	swait.ge [sflag:s20], $0x1450  }
0x3e: {  	[sflag:s20] =	ssyncset.done $0x0  }
0x3f: {  	[sflag:s20] =	ssyncadd.s32 $0xFFFFEBB0  }
0x40: {  	[bflag:$0x0] =	sbarrier.arrive $0xFFFF  }
0x41: {  	[tilespmem:s21], [sflag:$0x1] =	stream.linear.gather [hbm4b:s10+s29], $0x2800, $0x38;
	[tilespmem:$0x1DB50] =	vst v63  }
0x42: {  	s30 =	sadd.s32 $0x0, s18  }
0x43: {  	[tilespmem:s22], [sflag:$0x2] =	stream.linear.gather [hbm4b:s30+s3], $0x2800, $0x38;
	[tilespmem:$0x1DB50] =	vst v63  }
0x44: {  	_ =	swait.ge [sflag:s23], $0x2800  }
0x45: {  	[sflag:s23] =	ssyncset.done $0x0  }
0x46: {  	[sflag:s23] =	ssyncadd.s32 $0xFFFFD800  }
0x47: {  	[spmem:s2] =	stream.indirect.scatter.add.f32 [tilespmem:s21], [sflag:$0x3], $0x80, s29, s24, $0xb8;
	[tilespmem:$0x1DB50] =	vst v63  }
0x48: {  	_ =	swait.ge [sflag:s20], $0x2800  }
0x49: {  	[sflag:s20] =	ssyncset.done $0x0  }
0x4a: {  	s29 =	sadd.s32 $0x0, s17;
	[sflag:s20] =	ssyncadd.s32 $0xFFFFD800  }
0x4b: {  	[tilespmem:s21], [sflag:$0x1] =	stream.linear.gather [hbm4b:s29+s3], $0x2800, $0x38;
	[tilespmem:$0x1DB50] =	vst v63  }
0x4c: {  	_ =	swait.ge [sflag:s25], $0x2800  }
0x4d: {  	[sflag:s25] =	ssyncset.done $0x0  }
0x4e: {  	s29 =	simm.s32 $0x50;
	[sflag:s25] =	ssyncadd.s32 $0xFFFFD800  }
0x4f: {  	[spmem:s2] =	stream.indirect.scatter.add.f32 [tilespmem:s22], [sflag:$0x3], $0x80, s29, s24, $0xb8;
	[tilespmem:$0x1DB50] =	vst v63  }
0x50: {  	s31 =	simm.s32 $0x1400;
	_ =	swait.ge [sflag:s20], $0x2800  }
0x51: {  	s30 =	simm.s32 $0xA00;
	s29 =	simm.s32 $0xA0;
	[sflag:s20] =	ssyncset.done $0x0  }
.LBB2_4:
0x52: {  	s0 =	sadd.s32 s30, s18  }
0x53: {  	[sflag:s20] =	ssyncadd.s32 $0xFFFFD800;
	s1 =	smov.u32 s31;
	s26 =	sadd.s32 $0xA00, s31  }
0x54: {  	[tilespmem:s22], [sflag:$0x2] =	stream.linear.gather [hbm4b:s0+s3], $0x2800, $0x38;
	[tilespmem:$0x1DB50] =	vst v63  }
0x55: {  	p0 =	sne.s32 s31, $0x13600;
	_ =	swait.ge [sflag:s23], $0x2800  }
0x56: {  	[sflag:s23] =	ssyncset.done $0x0  }
0x57: {  	[sflag:s23] =	ssyncadd.s32 $0xFFFFD800  }
0x58: {  	[spmem:s2] =	stream.indirect.scatter.add.f32 [tilespmem:s21], [sflag:$0x3], $0x80, s29, s24, $0xb8;
	[tilespmem:$0x1DB50] =	vst v63  }
0x59: {  	_ =	swait.ge [sflag:s20], $0x2800  }
0x5a: {  	[sflag:s20] =	ssyncset.done $0x0  }
0x5b: {  	s0 =	sadd.s32 s30, s17;
	s30 =	smov.u32 s1;
	[sflag:s20] =	ssyncadd.s32 $0xFFFFD800  }
0x5c: {  	[tilespmem:s21], [sflag:$0x1] =	stream.linear.gather [hbm4b:s0+s3], $0x2800, $0x38;
	[tilespmem:$0x1DB50] =	vst v63  }
0x5d: {  	_ =	swait.ge [sflag:s25], $0x2800  }
.Ltmp1:
0x5e: {  	[sflag:s25] =	ssyncset.done $0x0;
	(pc) =	sbr.rel @p0 .LBB2_4-.Ltmp1, $4  }
0x5f: {  	s0 =	sadd.s32 $0x50, s29;
	[sflag:s25] =	ssyncadd.s32 $0xFFFFD800  }
0x60: {  	[spmem:s2] =	stream.indirect.scatter.add.f32 [tilespmem:s22], [sflag:$0x3], $0x80, s0, s24, $0xb8;
	[tilespmem:$0x1DB50] =	vst v63  }
0x61: {  	_ =	swait.ge [sflag:s20], $0x2800  }
0x62: {  	s31 =	smov.u32 s26;
	s29 =	sadd.s32 $0xA0, s29;
	[sflag:s20] =	ssyncset.done $0x0  }
0x63: {  	s0 =	sadd.s32 s30, s18;
	[sflag:s20] =	ssyncadd.s32 $0xFFFFD800  }
0x64: {  	[tilespmem:s22], [sflag:$0x2] =	stream.linear.gather [hbm4b:s0+s3], $0x2800, $0x38;
	[tilespmem:$0x1DB50] =	vst v63  }
0x65: {  	_ =	swait.ge [sflag:s23], $0x2800  }
0x66: {  	[sflag:s23] =	ssyncset.done $0x0  }
0x67: {  	[sflag:s23] =	ssyncadd.s32 $0xFFFFD800  }
0x68: {  	[spmem:s2] =	stream.indirect.scatter.add.f32 [tilespmem:s21], [sflag:$0x3], $0x80, s29, s24, $0xb8;
	[tilespmem:$0x1DB50] =	vst v63  }
0x69: {  	_ =	swait.ge [sflag:s20], $0x2800  }
0x6a: {  	[sflag:s20] =	ssyncset.done $0x0  }
0x6b: {  	s26 =	sadd.s32 s30, s17;
	[sflag:s20] =	ssyncadd.s32 $0xFFFFD800  }
0x6c: {  	[tilespmem:s21], [sflag:$0x1] =	stream.linear.gather [hbm4b:s26+s3], $0x2800, $0x38;
	[tilespmem:$0x1DB50] =	vst v63  }
0x6d: {  	_ =	swait.ge [sflag:s25], $0x2800  }
0x6e: {  	[sflag:s25] =	ssyncset.done $0x0  }
0x6f: {  	s30 =	sadd.s32 $0x50, s29;
	[sflag:s25] =	ssyncadd.s32 $0xFFFFD800  }
0x70: {  	[spmem:s2] =	stream.indirect.scatter.add.f32 [tilespmem:s22], [sflag:$0x3], $0x80, s30, s24, $0xb8;
	[tilespmem:$0x1DB50] =	vst v63  }
0x71: {  	_ =	swait.ge [sflag:s20], $0x2800  }
0x72: {  	[sflag:s20] =	ssyncset.done $0x0  }
0x73: {  	[sflag:s20] =	ssyncadd.s32 $0xFFFFD800  }
0x74: {  	_ =	swait.ge [sflag:s23], $0x2800  }
0x75: {  	[sflag:s23] =	ssyncset.done $0x0  }
0x76: {  	s31 =	simm.s32 $0x1400;
	[sflag:s23] =	ssyncadd.s32 $0xFFFFD800  }
0x77: {  	[spmem:s2] =	stream.indirect.scatter.add.f32 [tilespmem:s21], [sflag:$0x3], $0x80, s31, s24, $0xb8;
	[tilespmem:$0x1DB50] =	vst v63  }
0x78: {  	_ =	swait.ge [sflag:s20], $0x2800  }
0x79: {  	[sflag:s20] =	ssyncset.done $0x0  }
0x7a: {  	[sflag:s20] =	ssyncadd.s32 $0xFFFFD800  }
0x7b: {  	[bflag:$0x0] =	sbarrier.arrive $0xFFFF  }
0x7c: {  	[tilespmem:s19], [sflag:$0x3] =	stream.linear.gather [spmem:s4], $0x3E80, $0x38;
	[tilespmem:$0x1DB50] =	vst v63  }
0x7d: {  	_ =	swait.ge [sflag:s20], $0x3E80  }
0x7e: {  	[sflag:s20] =	ssyncset.done $0x0  }
0x7f: {  	[sflag:s20] =	ssyncadd.s32 $0xFFFFC180  }
0x80: {  	[hbm4b:s11+s3] =	stream.linear.scatter [tilespmem:s19], [sflag:$0x3], $0x3E80, $0x38;
	[tilespmem:$0x1DB50] =	vst v63  }
0x81: {  	_ =	swait.ge [sflag:s20], $0x3E80  }
0x82: {  	[sflag:s20] =	ssyncset.done $0x0  }
0x83: {  	[sflag:s20] =	ssyncadd.s32 $0xFFFFC180  }
0x84: {  	[tilespmem:s19], [sflag:$0x3] =	stream.linear.gather [spmem:s5], $0x3E80, $0x38;
	[tilespmem:$0x1DB50] =	vst v63  }
0x85: {  	_ =	swait.ge [sflag:s20], $0x3E80  }
0x86: {  	[sflag:s20] =	ssyncset.done $0x0  }
0x87: {  	[sflag:s20] =	ssyncadd.s32 $0xFFFFC180  }
0x88: {  	[hbm4b:s12+s3] =	stream.linear.scatter [tilespmem:s19], [sflag:$0x3], $0x3E80, $0x38;
	[tilespmem:$0x1DB50] =	vst v63  }
0x89: {  	_ =	swait.ge [sflag:s20], $0x3E80  }
0x8a: {  	[sflag:s20] =	ssyncset.done $0x0  }
0x8b: {  	[sflag:s20] =	ssyncadd.s32 $0xFFFFC180  }
0x8c: {  	[tilespmem:s19], [sflag:$0x3] =	stream.linear.gather [spmem:s6], $0x3E80, $0x38;
	[tilespmem:$0x1DB50] =	vst v63  }
0x8d: {  	_ =	swait.ge [sflag:s20], $0x3E80  }
0x8e: {  	[sflag:s20] =	ssyncset.done $0x0  }
0x8f: {  	[sflag:s20] =	ssyncadd.s32 $0xFFFFC180  }
0x90: {  	[hbm4b:s13+s3] =	stream.linear.scatter [tilespmem:s19], [sflag:$0x3], $0x3E80, $0x38;
	[tilespmem:$0x1DB50] =	vst v63  }
0x91: {  	_ =	swait.ge [sflag:s20], $0x3E80  }
0x92: {  	[sflag:s20] =	ssyncset.done $0x0  }
0x93: {  	[sflag:s20] =	ssyncadd.s32 $0xFFFFC180  }
0x94: {  	[tilespmem:s19], [sflag:$0x3] =	stream.linear.gather [spmem:s7], $0x3E80, $0x38;
	[tilespmem:$0x1DB50] =	vst v63  }
0x95: {  	_ =	swait.ge [sflag:s20], $0x3E80  }
0x96: {  	[sflag:s20] =	ssyncset.done $0x0  }
0x97: {  	[sflag:s20] =	ssyncadd.s32 $0xFFFFC180  }
0x98: {  	[hbm4b:s14+s3] =	stream.linear.scatter [tilespmem:s19], [sflag:$0x3], $0x3E80, $0x38;
	[tilespmem:$0x1DB50] =	vst v63  }
0x99: {  	_ =	swait.ge [sflag:s20], $0x3E80  }
0x9a: {  	[sflag:s20] =	ssyncset.done $0x0  }
0x9b: {  	[sflag:s20] =	ssyncadd.s32 $0xFFFFC180  }
0x9c: {  	[tilespmem:s19], [sflag:$0x3] =	stream.linear.gather [spmem:s8], $0x3E80, $0x38;
	[tilespmem:$0x1DB50] =	vst v63  }
0x9d: {  	s28 =	sadd.s32 $0x1, s28;
	_ =	swait.ge [sflag:s20], $0x3E80  }
0x9e: {  	p0 =	sne.s32 s28, s16;
	[sflag:s20] =	ssyncset.done $0x0  }
.Ltmp2:
0x9f: {  	[sflag:s20] =	ssyncadd.s32 $0xFFFFC180;
	(pc) =	sbr.rel @p0 .LBB2_1-.Ltmp2, $4  }
0xa0: {  	[hbm4b:s15+s3] =	stream.linear.scatter [tilespmem:s19], [sflag:$0x3], $0x3E80, $0x38;
	[tilespmem:$0x1DB50] =	vst v63  }
0xa1: {  	_ =	swait.ge [sflag:s20], $0x3E80  }
0xa2: {  	[sflag:s20] =	ssyncset.done $0x0  }
0xa3: {  	[sflag:s20] =	ssyncadd.s32 $0xFFFFC180  }
0xa4: {  	_ =	sfence.sel $0x180000  }
0xa5: {  	[bflag:$0x0] =	sbarrier.arrive $0xFFFF  }
0xa6: {  	_ =	strace $0x9000004D  }
0xa7: {  	s0 =	stileid.u32;
	[bflag:$0x2] =	sbarrier.arrive $0xFFFF  }
0xa8: {  	p0 =	sne.s32 s0, $0x0;
	s0 =	rddreg [dreg:$0x2]  }
0xa9: {  	s0 =	sadd.s32 @!p0 $0x100000, s0  }
0xaa: {  	[sflag:s0] =	ssyncadd.tile.s32 @!p0 $0x1;
	_ =	shalt  }
.Lfunc_end2:
_tile_overlayer_lowered:
.L_overlay_start_2:
0xab: {  	(tag) =	ssettag $0x2  }
0xac: {  	s0 =	rddreg [dreg:$0x0];
	s2 =	stileid.u32  }
0xad: {  	s1 =	rddreg [dreg:$0x1];
	p0 =	sne.s32 s2, $0x0  }
0xae: {  	s3 =	rddreg [dreg:$0x2];
	[bflag:$0x3] =	sbarrier.arrive $0xFFFF;
	s2 =	simm.s32 @!p0 $0x1C03  }
0xaf: {  	[timem:s3], [sflag:s2] =	dma.local @!p0 [hbm:s0], s1  }
0xb0: {  	s0 =	simm.s32 @!p0 $0x3  }
0xb1: {  	_ =	swait.ge @!p0 [sflag:s0], s1  }
0xb2: {  	s1 =	ssub.s32 @!p0 $0x0, s1;
	[sflag:s0] =	ssyncset.done @!p0 $0x0  }
0xb3: {  	[sflag:s0] =	ssyncadd.s32 @!p0 s1  }
0xb4: {  	[bflag:$0x3] =	sbarrier.arrive $0xFFFF  }
0xb5: {  	_ =	shalt  }

// kernel: kernel.19.cloned.1.call-start
scs
__scs_entry_jumppad:
0x0: {  	(pc) =	sbr.rel $0x88, $3  }
0x1: {  	(tag) =	ssettag $0x0;
	lr =	simm.s32 $0x1  }
0x2: {  	[smem:$0x3F8A] =	sst lr;
	_ =	strace $0xD0000000  }
0x3: {  	_ = 	snop  }
0x4: {  	_ = 	snop  }
0x5: {  	_ = 	snop  }
0x6: {  	_ = 	snop  }
0x7: {  	_ = 	snop  }
__scs_overlays_trampoline_lowered:
0x8: {  	[smem:$0x3F99] =	sst s0  }
0x9: {  	[smem:$0x3F9A] =	sst s1  }
0xa: {  	[smem:$0x3F9B] =	sst s2  }
0xb: {  	[smem:$0x3F9C] =	sst s3  }
0xc: {  	[smem:$0x3F9D] =	sst s4  }
0xd: {  	[smem:$0x3F9E] =	sst s5  }
0xe: {  	[smem:$0x3F9F] =	sst s6  }
0xf: {  	[smem:$0x3FA0] =	sst s7  }
0x10: {  	[smem:$0x3FA1] =	sst s8  }
0x11: {  	[smem:$0x3FA2] =	sst s9;
	s0 =	simm.s32 @!p0 $0x0  }
0x12: {  	s1 =	sld [smem:$0x3F88];
	s0 =	simm.s32 @p0 $0x1  }
0x13: {  	[smem:$0x3FA3] =	sst s0;
	s0 =	simm.s32 @!p1 $0x0  }
0x14: {  	s2 =	sld [smem:$0x3F87];
	s0 =	simm.s32 @p1 $0x1  }
0x15: {  	[smem:$0x3FA4] =	sst s0;
	s0 =	simm.s32 @!p2 $0x0  }
0x16: {  	s3 =	sld [smem:$0x3FDB];
	s0 =	simm.s32 @p2 $0x1  }
0x17: {  	s4 =	simm.s32 $0x1BF5;
	[smem:$0x3FA6] =	sst s0  }
0x18: {  	s0 =	sld [smem:$0x3F89];
	_ =	swait.ge [sflag:s4], $0x0  }
0x19: {  	s7 =	sld [smem:$0x3F8A]  }
0x1a: {  	s8 =	sadd.s32 $0xFFFFE003, lr  }
0x1b: {  	s9 =	sadd.s32 $0xFFFFFEF7, lr;
	s5 =	simm.s32 $0xFFFFFFFF;
	p2 =	slt.u32 s8, $0xFFFFF086  }
0x1c: {  	p1 =	slt.u32 s9, $0xF7A;
	s5 =	simm.s32 @!p2 $0x0  }
0x1d: {  	s5 =	simm.s32 @p1 $0x1;
	p0 =	seq.s32 s7, s2  }
0x1e: {  	s7 =	smul.u32 @!p0 $0xF7A, s2;
	p2 =	seq.s32 @!p0 s5, $0x0  }
0x1f: {  	s9 =	smul.u32 $0xF7A, s1;
	s8 =	simm.s32 @!p0 $0x1BF5;
	p2 =	por !p2, p0  }
0x20: {  	[sflag:s8] =	ssyncset.s32 @!p0 $0xFFFFF086;
	s6 =	sadd.s32 @!p0 s3, s7;
	s7 =	simm.s32 @!p0 $0x108  }
0x21: {  	s3 =	sadd.s32 s3, s9;
	s6 =	sadd.s32 @!p0 $0x88, s6;
	s7 =	simm.s32 @p2 $0x1082  }
0x22: {  	[simem:s7], [sflag:s8] =	dma.local @!p0 [hbm:s6], $0xF7A  }
0x23: {  	s9 =	sor.u32 $0xD0000000, s2;
	s6 =	simm.s32 $0x108;
	_ =	swait.ge @!p0 [sflag:s8], $0x0  }
0x24: {  	s3 =	sadd.s32 $0x88, s3;
	s6 =	simm.s32 @!p1 $0x1082;
	[sflag:s4] =	ssyncset.s32 $0xFFFFF086  }
0x25: {  	[simem:s6], [sflag:s4] =	dma.local [hbm:s3], $0xF7A  }
0x26: {  	[smem:$0x3F8A] =	sst s1;
	(tag) =	ssettag s2;
	_ =	strace s9  }
0x27: {  	s1 =	sld [smem:$0x3F9A]  }
0x28: {  	s2 =	sld [smem:$0x3F9B]  }
0x29: {  	s4 =	sld [smem:$0x3F9D]  }
0x2a: {  	p0 =	seq.s32 s5, $0x0;
	s5 =	sld [smem:$0x3F9E]  }
0x2b: {  	s6 =	sld [smem:$0x3F9F]  }
0x2c: {  	s7 =	sld [smem:$0x3FA0]  }
0x2d: {  	s3 =	simm.s32 $0x108;
	s8 =	sld [smem:$0x3FA1]  }
0x2e: {  	s3 =	simm.s32 @!p0 $0x1082;
	s9 =	sld [smem:$0x3FA2]  }
0x2f: {  	lr =	sadd.s32 s0, s3;
	s0 =	sld [smem:$0x3F99]  }
0x30: {  	s3 =	sld [smem:$0x3F9C]  }
0x31: {  	[smem:$0x3FA5] =	sst s10  }
0x32: {  	s10 =	sld [smem:$0x3FA3];
	_ =	sdelay $0x3  }
0x33: {  	p0 =	seq.s32 s10, $0x1;
	s10 =	sld [smem:$0x3FA5];
	_ =	sdelay $0x3  }
0x34: {  	[smem:$0x3FA5] =	sst s10  }
0x35: {  	s10 =	sld [smem:$0x3FA4];
	_ =	sdelay $0x3  }
0x36: {  	p1 =	seq.s32 s10, $0x1;
	s10 =	sld [smem:$0x3FA5];
	_ =	sdelay $0x3  }
0x37: {  	[smem:$0x3FA5] =	sst s10  }
0x38: {  	s10 =	sld [smem:$0x3FA6]  }
0x39: {  	_ = 	snop;
	(pc) =	sbr.ind lr, $3  }
0x3a: {  	_ = 	snop  }
0x3b: {  	_ = 	snop  }
0x3c: {  	p2 =	seq.s32 s10, $0x1;
	s10 =	sld [smem:$0x3FA5]  }
0x3d: {  	_ =	shalt  }
0x3e: {  	_ =	shalt  }
0x3f: {  	_ =	shalt  }
0x40: {  	_ =	shalt  }
0x41: {  	_ =	shalt  }
0x42: {  	_ =	shalt  }
0x43: {  	_ =	shalt  }
0x44: {  	_ =	shalt  }
0x45: {  	_ =	shalt  }
0x46: {  	_ =	shalt  }
0x47: {  	_ =	shalt  }
0x48: {  	_ =	shalt  }
0x49: {  	_ =	shalt  }
0x4a: {  	_ =	shalt  }
0x4b: {  	_ =	shalt  }
0x4c: {  	_ =	shalt  }
0x4d: {  	_ =	shalt  }
0x4e: {  	_ =	shalt  }
0x4f: {  	_ =	shalt  }
0x50: {  	_ =	shalt  }
0x51: {  	_ =	shalt  }
0x52: {  	_ =	shalt  }
0x53: {  	_ =	shalt  }
0x54: {  	_ =	shalt  }
0x55: {  	_ =	shalt  }
0x56: {  	_ =	shalt  }
0x57: {  	_ =	shalt  }
0x58: {  	_ =	shalt  }
0x59: {  	_ =	shalt  }
0x5a: {  	_ =	shalt  }
0x5b: {  	_ =	shalt  }
0x5c: {  	_ =	shalt  }
0x5d: {  	_ =	shalt  }
0x5e: {  	_ =	shalt  }
0x5f: {  	_ =	shalt  }
0x60: {  	_ =	shalt  }
0x61: {  	_ =	shalt  }
0x62: {  	_ =	shalt  }
0x63: {  	_ =	shalt  }
0x64: {  	_ =	shalt  }
0x65: {  	_ =	shalt  }
0x66: {  	_ =	shalt  }
0x67: {  	_ =	shalt  }
0x68: {  	_ =	shalt  }
0x69: {  	_ =	shalt  }
0x6a: {  	_ =	shalt  }
0x6b: {  	_ =	shalt  }
0x6c: {  	_ =	shalt  }
0x6d: {  	_ =	shalt  }
0x6e: {  	_ =	shalt  }
0x6f: {  	_ =	shalt  }
0x70: {  	_ =	shalt  }
0x71: {  	_ =	shalt  }
0x72: {  	_ =	shalt  }
0x73: {  	_ =	shalt  }
0x74: {  	_ =	shalt  }
0x75: {  	_ =	shalt  }
0x76: {  	_ =	shalt  }
0x77: {  	_ =	shalt  }
0x78: {  	_ =	shalt  }
0x79: {  	_ =	shalt  }
0x7a: {  	_ =	shalt  }
0x7b: {  	_ =	shalt  }
0x7c: {  	_ =	shalt  }
0x7d: {  	_ =	shalt  }
0x7e: {  	_ =	shalt  }
0x7f: {  	_ =	shalt  }
0x80: {  	_ =	shalt  }
0x81: {  	_ =	shalt  }
0x82: {  	_ =	shalt  }
0x83: {  	_ =	shalt  }
0x84: {  	_ =	shalt  }
0x85: {  	_ =	shalt  }
0x86: {  	_ =	shalt  }
0x87: {  	_ =	shalt  }
.Lfunc_end0:
.L_simem_size_0:
called_computation.3_lowered:
.L_overlay_start_0:
0x88: {  	s2 =	sld [smem:$0x3FD9]  }
0x89: {  	s3 =	sld [smem:$0x3FFE];
	_ =	sdelay $0x1  }
0x8a: {  	s1 =	srdreg.scid  }
0x8b: {  	s0 =	sand.u32 $0x1, s1  }
0x8c: {  	s17 =	sshll.u32 s0, $0xA;
	s2 =	sadd.s32 s3, s2  }
0x8d: {  	s2 =	sadd.s32 s2, s17  }
0x8e: {  	[smem:$0x3FB1] =	sst s2  }
0x8f: {  	_ = 	snop  }
0x90: {  	(tm) =	ssettm $0x1  }
0x91: {  	s18 =	sld [smem:$0x3FFB];
	_ =	sdelay $0x3  }
0x92: {  	_ =	strace s18  }
0x93: {  	s2 =	sld [smem:$0x3FFC];
	_ =	sdelay $0x3  }
0x94: {  	_ =	strace s2  }
0x95: {  	s2 =	sld [smem:$0x3FFD];
	_ =	sdelay $0x3  }
0x96: {  	_ =	strace s2  }
0x97: {  	_ =	strace $0x8FFFFFFF  }
0x98: {  	s19 =	sld [smem:$0x3FDB];
	_ =	sdelay $0x1  }
0x99: {  	s20 =	simm.s32 $_scs_section_size  }
0x9a: {  	s4 =	simm.s32 $_size__tile_overlayer_lowered;
	s5 =	simm.s32 $_tile_overlayer_lowered  }
0x9b: {  	s6 =	simm.s32 $0x1BFF;
	s21 =	sshll.u32 s5, $0x1;
	s3 =	sadd.s32 s20, s19  }
0x9c: {  	s22 =	simm.s32 $0x0;
	s4 =	sshll.u32 s4, $0x1;
	s5 =	sadd.s32 s21, s3  }
0x9d: {  	[timem:s22], [sflag:s6] =	dma.local [hbm:s5], s4  }
0x9e: {  	_ =	swait.ge [sflag:s6], s4  }
0x9f: {  	s4 =	ssub.s32 $0x0, s4;
	[sflag:s6] =	ssyncset.done $0x0  }
0xa0: {  	[sflag:s6] =	ssyncadd.s32 s4;
	_ =	sdelay $0x1  }
0xa1: {  	s23 =	simm.s32 $0x1B8B  }
0xa2: {  	_ =	swait.ge [sflag:s23], $0x1  }
0xa3: {  	[sflag:s23] =	ssyncset.done $0x0  }
0xa4: {  	[sflag:s23] =	ssyncadd.s32 $0xFFFFFFFF  }
0xa5: {  	s4 =	sld [smem:$0x0]  }
0xa6: {  	s5 =	sand.u32 $0xFFFFFFFE, s1  }
0xa7: {  	p0 =	sne.s32 s1, s5  }
0xa8: {  	s5 =	sshll.u32 @p0 s5, $0xE  }
0xa9: {  	s5 =	sadd.s32 @p0 $0x11B8D, s5;
	s6 =	sshll.u32 @p0 s4, $0x11  }
0xaa: {  	s5 =	sor.u32 @p0 s6, s5  }
0xab: {  	[sflag:s5] =	ssyncadd.remote.s32 @p0 $0x1;
	_ =	sdelay $0x1  }
0xac: {  	s5 =	simm.s32 @p0 $0x1B8D  }
0xad: {  	_ =	swait.eq @p0 [sflag:s5], $0x1  }
0xae: {  	[sflag:s5] =	ssyncadd.s32 @p0 $0xFFFFFFFF  }
0xaf: {  	s6 =	sshll.u32 @!p0 s1, $0xE  }
0xb0: {  	s6 =	sor.u32 @!p0 $0x4000, s6;
	s5 =	simm.s32 @!p0 $0x1B8D  }
0xb1: {  	s4 =	sshll.u32 @!p0 s4, $0x11;
	s6 =	sadd.s32 @!p0 $0x11B8D, s6;
	_ =	swait.eq @!p0 [sflag:s5], $0x1  }
0xb2: {  	s4 =	sor.u32 @!p0 s4, s6;
	[sflag:s5] =	ssyncadd.s32 @!p0 $0xFFFFFFFF  }
0xb3: {  	s25 =	simm.s32 $0x1B8E;
	s24 =	sld [smem:$0x3FFE];
	[sflag:s4] =	ssyncadd.remote.s32 @!p0 $0x1  }
0xb4: {  	s26 =	simm.s32 $execute0_lowered;
	[smem:$0x3FD2] =	sst s25  }
0xb5: {  	s5 =	sshll.u32 s26, $0x1;
	_ =	strace $0x8000004F;
	[dreg:$0x1] =	wrdreg $0xFFFFFFFF  }
0xb6: {  	s28 =	simm.s32 $_size_execute0_lowered;
	s3 =	sadd.s32 s3, s5;
	[dreg:$0x0] =	wrdreg $0x0  }
0xb7: {  	s5 =	sshll.u32 s28, $0x1;
	[dreg:$0x2] =	wrdreg s3  }
0xb8: {  	[dreg:$0x3] =	wrdreg s5  }
0xb9: {  	[dreg:$0x4] =	wrdreg $0xC0  }
0xba: {  	_ =	task [dreg:s22], $0x5FFFF  }
0xbb: {  	[dreg:$0x1] =	wrdreg $0xFFFFFFFF  }
0xbc: {  	[dreg:$0x0] =	wrdreg $0x60  }
0xbd: {  	[dreg:$0x2] =	wrdreg s24  }
0xbe: {  	[dreg:$0x3] =	wrdreg $0x91400  }
0xbf: {  	[dreg:$0x4] =	wrdreg $0x9  }
0xc0: {  	_ =	task.clear_ibuf [dreg:s22], $0x5FFFF;
	_ =	strace $0x9000004F  }
0xc1: {  	s29 =	simm.s32 $0x9;
	_ =	strace $0x80000051  }
0xc2: {  	_ =	swait.ge [sflag:s29], $0x1  }
0xc3: {  	[sflag:s29] =	ssyncadd.s32 $0xFFFFFFFF  }
0xc4: {  	_ =	strace $0x90000051  }
0xc5: {  	_ =	sfence  }
0xc6: {  	s30 =	sld [smem:$0x0];
	_ =	sdelay $0x2  }
0xc7: {  	s31 =	sshll.u32 s1, $0xD;
	s1 =	sshrl.u32 s1, $0x2  }
0xc8: {  	s4 =	sand.u32 $0x4000, s31;
	s1 =	sadd.s32 s1, s30  }
0xc9: {  	s0 =	sor.u32 s4, s0;
	s1 =	sshll.u32 s1, $0x11  }
0xca: {  	s0 =	sor.u32 s1, s0  }
0xcb: {  	s0 =	sadd.s32 $0x8F2B, s0  }
0xcc: {  	[sflag:s0] =	ssyncadd.remote.s32 $0x1  }
0xcd: {  	_ =	sfence.sel $0xFFFF  }
0xce: {  	[dreg:$0x0] =	wrdreg $0xFFFFFFFF;
	(pc) =	sbr.abs _section_cstart, $3  }
0xcf: {  	[dreg:$0x1] =	wrdreg $0xFFFFFFFF  }
0xd0: {  	_ =	task.clear_ibuf [dreg:s22], $0x2FFFF;
	_ =	strace $0x9FFFFFFF  }
0xd1: {  	(tm) =	ssettm $0x7FFFFFFF  }
tec
execute0_lowered:
.L_overlay_start_1:
0x0: {  	(tag) =	ssettag $0x1  }
0x1: {  	s4 =	rddreg [dreg:$0x0]  }
0x2: {  	s0 =	srdreg.scid;
	s2 =	rddreg [dreg:$0x1]  }
0x3: {  	s24 =	stileid.u32;
	s3 =	simm.s32 $0x0;
	s23 =	simm.s32 $0x1  }
0x4: {  	s28 =	simm.s32 $0x0;
	s11 =	sand.u32 $0x1, s0;
	s9 =	smul.u32 $0x13880, s24  }
0x5: {  	[smem:$0x7FF] =	sst s3;
	s16 =	sadd.s32 $0x478000, s4;
	s22 =	smul.u32 $0x12C0, s24  }
0x6: {  	s15 =	sadd.s32 $0x62000, s4;
	s5 =	sshll.u32 s11, $0x4;
	s14 =	smul.u32 $0x138800, s11  }
0x7: {  	_ =	strace $0x80000050;
	s6 =	ssub.s32 $0x2, s11;
	s26 =	smul.u32 $0x12C00, s11  }
0x8: {  	s7 =	sor.u32 s24, s5;
	s8 =	sshrl.u32 s6, $0x1;
	s12 =	sadd.s32 $0x3E80, s9  }
0x9: {  	s13 =	sadd.s32 $0x7D00, s9;
	s18 =	sadd.s32 $0xBB80, s9;
	s19 =	sadd.s32 $0xFA00, s9  }
0xa: {  	s24 =	simm.s32 $0x40;
	s5 =	smul.u32 $0x12C0, s7;
	s17 =	ssub.s32 s6, s8  }
0xb: {  	s6 =	sadd.s32 s13, s2;
	s20 =	smul.u32 $0x12C00, s7;
	s7 =	sadd.s32 s18, s2  }
0xc: {  	s8 =	sadd.s32 s19, s2;
	s21 =	sadd.s32 s9, s14;
	s13 =	sadd.s32 s14, s13  }
0xd: {  	s18 =	sadd.s32 s14, s18;
	s29 =	sadd.s32 s22, s26;
	s22 =	simm.s32 $0x32C0  }
0xe: {  	s25 =	sshrl.u32 s21, $0x3;
	s13 =	sshrl.u32 s13, $0x3;
	s18 =	sshrl.u32 s18, $0x3  }
0xf: {  	s21 =	simm.s32 $0x12C0;
	s5 =	sshrl.u32 s5, $0x3;
	s11 =	sadd.s32 s15, s25  }
0x10: {  	s13 =	sadd.s32 s15, s13;
	s25 =	simm.s32 $0x2;
	s10 =	sadd.s32 s5, s4  }
0x11: {  	s4 =	sadd.s32 s9, s2;
	s5 =	sadd.s32 s12, s2;
	s12 =	sadd.s32 s14, s12  }
0x12: {  	s14 =	sadd.s32 s14, s19;
	s19 =	sshll.u32 s29, $0x4;
	s9 =	sadd.s32 $0x5D400, s10  }
0x13: {  	s10 =	sadd.s32 s16, s20;
	s12 =	sshrl.u32 s12, $0x3;
	s30 =	sshrl.u32 s14, $0x3  }
0x14: {  	s14 =	sadd.s32 s15, s18;
	s31 =	sadd.s32 s16, s19;
	s16 =	smax.u32 s17, $0x1  }
0x15: {  	s19 =	simm.s32 $0x52C0;
	s20 =	simm.s32 $0x3;
	s12 =	sadd.s32 s15, s12  }
0x16: {  	v0 =	vimm.f32 $0.0e+00;
	s15 =	sadd.s32 s15, s30;
	s17 =	sadd.s32 $0x800, s31;
	s18 =	sadd.s32 $0x400, s31  }
.LBB2_1:
0x17: {  	s29 =	simm.s32 $0x0;
	s30 =	simm.s32 $0x200  }
.LBB2_2:
0x18: {  	p0 =	sne.s32 s30, $0xF800;
	[tilespmem:s29+$0x5330] =	vst v0  }
0x19: {  	[tilespmem:s29+$0x52C0] =	vst v0  }
0x1a: {  	[tilespmem:s29+$0x52D0] =	vst v0  }
.Ltmp0:
0x1b: {  	[tilespmem:s29+$0x52E0] =	vst v0;
	(pc) =	sbr.rel @p0 .LBB2_2-.Ltmp0, $4  }
0x1c: {  	[tilespmem:s29+$0x52F0] =	vst v0  }
0x1d: {  	[tilespmem:s29+$0x5300] =	vst v0  }
0x1e: {  	[tilespmem:s29+$0x5310] =	vst v0  }
0x1f: {  	[tilespmem:s29+$0x5320] =	vst v0;
	s29 =	sshra.s32 s30, $0x2;
	s30 =	sadd.s32 $0x200, s30  }
0x20: {  	[tilespmem:s29+$0x5330] =	vst v0  }
0x21: {  	[tilespmem:s29+$0x52C0] =	vst v0  }
0x22: {  	[tilespmem:s29+$0x52D0] =	vst v0  }
0x23: {  	[tilespmem:s29+$0x52E0] =	vst v0  }
0x24: {  	[tilespmem:s29+$0x52F0] =	vst v0  }
0x25: {  	[tilespmem:s29+$0x5300] =	vst v0  }
0x26: {  	[tilespmem:s29+$0x5310] =	vst v0  }
0x27: {  	[tilespmem:s29+$0x5320] =	vst v0  }
0x28: {  	[spmem:s4] =	stream.linear.scatter [tilespmem:s19], [sflag:$0x3], $0x3E80, $0x38;
	[tilespmem:$0x1C9C0] =	vst v63  }
0x29: {  	_ =	swait.ge [sflag:s20], $0x3E80  }
0x2a: {  	[sflag:s20] =	ssyncset.done $0x0  }
0x2b: {  	[sflag:s20] =	ssyncadd.s32 $0xFFFFC180  }
0x2c: {  	[spmem:s5] =	stream.linear.scatter [tilespmem:s19], [sflag:$0x3], $0x3E80, $0x38;
	[tilespmem:$0x1C9C0] =	vst v63  }
0x2d: {  	_ =	swait.ge [sflag:s20], $0x3E80  }
0x2e: {  	[sflag:s20] =	ssyncset.done $0x0  }
0x2f: {  	[sflag:s20] =	ssyncadd.s32 $0xFFFFC180  }
0x30: {  	[spmem:s6] =	stream.linear.scatter [tilespmem:s19], [sflag:$0x3], $0x3E80, $0x38;
	[tilespmem:$0x1C9C0] =	vst v63  }
0x31: {  	_ =	swait.ge [sflag:s20], $0x3E80  }
0x32: {  	[sflag:s20] =	ssyncset.done $0x0  }
0x33: {  	[sflag:s20] =	ssyncadd.s32 $0xFFFFC180  }
0x34: {  	[spmem:s7] =	stream.linear.scatter [tilespmem:s19], [sflag:$0x3], $0x3E80, $0x38;
	[tilespmem:$0x1C9C0] =	vst v63  }
0x35: {  	_ =	swait.ge [sflag:s20], $0x3E80  }
0x36: {  	[sflag:s20] =	ssyncset.done $0x0  }
0x37: {  	[sflag:s20] =	ssyncadd.s32 $0xFFFFC180  }
0x38: {  	[spmem:s8] =	stream.linear.scatter [tilespmem:s19], [sflag:$0x3], $0x3E80, $0x38;
	[tilespmem:$0x1C9C0] =	vst v63  }
0x39: {  	_ =	swait.ge [sflag:s20], $0x3E80  }
0x3a: {  	[sflag:s20] =	ssyncset.done $0x0  }
0x3b: {  	s29 =	simm.s32 $0x0;
	[sflag:s20] =	ssyncadd.s32 $0xFFFFC180  }
0x3c: {  	[tilespmem:s29], [sflag:$0x3] =	stream.linear.gather [hbm4b:s9+s29], $0x12C0, $0x38;
	[tilespmem:$0x1C9C0] =	vst v63  }
0x3d: {  	_ =	swait.ge [sflag:s20], $0x12C0  }
0x3e: {  	[sflag:s20] =	ssyncset.done $0x0  }
0x3f: {  	[sflag:s20] =	ssyncadd.s32 $0xFFFFED40  }
0x40: {  	[bflag:$0x0] =	sbarrier.arrive $0xFFFF  }
0x41: {  	[tilespmem:s21], [sflag:$0x1] =	stream.linear.gather [hbm4b:s10+s29], $0x2000, $0x38;
	[tilespmem:$0x1C9C0] =	vst v63  }
0x42: {  	s30 =	sadd.s32 $0x0, s18  }
0x43: {  	[tilespmem:s22], [sflag:$0x2] =	stream.linear.gather [hbm4b:s30+s3], $0x2000, $0x38;
	[tilespmem:$0x1C9C0] =	vst v63  }
0x44: {  	_ =	swait.ge [sflag:s23], $0x2000  }
0x45: {  	[sflag:s23] =	ssyncset.done $0x0  }
0x46: {  	[sflag:s23] =	ssyncadd.s32 $0xFFFFE000  }
0x47: {  	[spmem:s2] =	stream.indirect.scatter.add.f32 [tilespmem:s21], [sflag:$0x3], $0x80, s29, s24, $0xb8;
	[tilespmem:$0x1C9C0] =	vst v63  }
0x48: {  	_ =	swait.ge [sflag:s20], $0x2000  }
0x49: {  	[sflag:s20] =	ssyncset.done $0x0  }
0x4a: {  	s29 =	sadd.s32 $0x0, s17;
	[sflag:s20] =	ssyncadd.s32 $0xFFFFE000  }
0x4b: {  	[tilespmem:s21], [sflag:$0x1] =	stream.linear.gather [hbm4b:s29+s3], $0x2000, $0x38;
	[tilespmem:$0x1C9C0] =	vst v63  }
0x4c: {  	_ =	swait.ge [sflag:s25], $0x2000  }
0x4d: {  	[sflag:s25] =	ssyncset.done $0x0  }
0x4e: {  	s29 =	simm.s32 $0x40;
	[sflag:s25] =	ssyncadd.s32 $0xFFFFE000  }
0x4f: {  	[spmem:s2] =	stream.indirect.scatter.add.f32 [tilespmem:s22], [sflag:$0x3], $0x80, s29, s24, $0xb8;
	[tilespmem:$0x1C9C0] =	vst v63  }
0x50: {  	s31 =	simm.s32 $0x1000;
	_ =	swait.ge [sflag:s20], $0x2000  }
0x51: {  	s30 =	simm.s32 $0x800;
	s29 =	simm.s32 $0x80;
	[sflag:s20] =	ssyncset.done $0x0  }
.LBB2_4:
0x52: {  	s0 =	sadd.s32 s30, s18  }
0x53: {  	[sflag:s20] =	ssyncadd.s32 $0xFFFFE000;
	s1 =	smov.u32 s31;
	s26 =	sadd.s32 $0x800, s31  }
0x54: {  	[tilespmem:s22], [sflag:$0x2] =	stream.linear.gather [hbm4b:s0+s3], $0x2000, $0x38;
	[tilespmem:$0x1C9C0] =	vst v63  }
0x55: {  	p0 =	sne.s32 s31, $0x12000;
	_ =	swait.ge [sflag:s23], $0x2000  }
0x56: {  	[sflag:s23] =	ssyncset.done $0x0  }
0x57: {  	[sflag:s23] =	ssyncadd.s32 $0xFFFFE000  }
0x58: {  	[spmem:s2] =	stream.indirect.scatter.add.f32 [tilespmem:s21], [sflag:$0x3], $0x80, s29, s24, $0xb8;
	[tilespmem:$0x1C9C0] =	vst v63  }
0x59: {  	_ =	swait.ge [sflag:s20], $0x2000  }
0x5a: {  	[sflag:s20] =	ssyncset.done $0x0  }
0x5b: {  	s0 =	sadd.s32 s30, s17;
	s30 =	smov.u32 s1;
	[sflag:s20] =	ssyncadd.s32 $0xFFFFE000  }
0x5c: {  	[tilespmem:s21], [sflag:$0x1] =	stream.linear.gather [hbm4b:s0+s3], $0x2000, $0x38;
	[tilespmem:$0x1C9C0] =	vst v63  }
0x5d: {  	_ =	swait.ge [sflag:s25], $0x2000  }
.Ltmp1:
0x5e: {  	[sflag:s25] =	ssyncset.done $0x0;
	(pc) =	sbr.rel @p0 .LBB2_4-.Ltmp1, $4  }
0x5f: {  	s0 =	sadd.s32 $0x40, s29;
	[sflag:s25] =	ssyncadd.s32 $0xFFFFE000  }
0x60: {  	[spmem:s2] =	stream.indirect.scatter.add.f32 [tilespmem:s22], [sflag:$0x3], $0x80, s0, s24, $0xb8;
	[tilespmem:$0x1C9C0] =	vst v63  }
0x61: {  	_ =	swait.ge [sflag:s20], $0x2000  }
0x62: {  	s31 =	smov.u32 s26;
	s29 =	sadd.s32 $0x80, s29;
	[sflag:s20] =	ssyncset.done $0x0  }
0x63: {  	s0 =	sadd.s32 s30, s18;
	[sflag:s20] =	ssyncadd.s32 $0xFFFFE000  }
0x64: {  	[tilespmem:s22], [sflag:$0x2] =	stream.linear.gather [hbm4b:s0+s3], $0x2000, $0x38;
	[tilespmem:$0x1C9C0] =	vst v63  }
0x65: {  	_ =	swait.ge [sflag:s23], $0x2000  }
0x66: {  	[sflag:s23] =	ssyncset.done $0x0  }
0x67: {  	[sflag:s23] =	ssyncadd.s32 $0xFFFFE000  }
0x68: {  	[spmem:s2] =	stream.indirect.scatter.add.f32 [tilespmem:s21], [sflag:$0x3], $0x80, s29, s24, $0xb8;
	[tilespmem:$0x1C9C0] =	vst v63  }
0x69: {  	_ =	swait.ge [sflag:s20], $0x2000  }
0x6a: {  	[sflag:s20] =	ssyncset.done $0x0  }
0x6b: {  	s26 =	sadd.s32 s30, s17;
	[sflag:s20] =	ssyncadd.s32 $0xFFFFE000  }
0x6c: {  	[tilespmem:s21], [sflag:$0x1] =	stream.linear.gather [hbm4b:s26+s3], $0x2000, $0x38;
	[tilespmem:$0x1C9C0] =	vst v63  }
0x6d: {  	_ =	swait.ge [sflag:s25], $0x2000  }
0x6e: {  	[sflag:s25] =	ssyncset.done $0x0  }
0x6f: {  	s30 =	sadd.s32 $0x40, s29;
	[sflag:s25] =	ssyncadd.s32 $0xFFFFE000  }
0x70: {  	[spmem:s2] =	stream.indirect.scatter.add.f32 [tilespmem:s22], [sflag:$0x3], $0x80, s30, s24, $0xb8;
	[tilespmem:$0x1C9C0] =	vst v63  }
0x71: {  	_ =	swait.ge [sflag:s20], $0x2000  }
0x72: {  	[sflag:s20] =	ssyncset.done $0x0  }
0x73: {  	[sflag:s20] =	ssyncadd.s32 $0xFFFFE000  }
0x74: {  	_ =	swait.ge [sflag:s23], $0x2000  }
0x75: {  	[sflag:s23] =	ssyncset.done $0x0  }
0x76: {  	s31 =	simm.s32 $0x1280;
	[sflag:s23] =	ssyncadd.s32 $0xFFFFE000  }
0x77: {  	[spmem:s2] =	stream.indirect.scatter.add.f32 [tilespmem:s21], [sflag:$0x3], $0x80, s31, s24, $0xb8;
	[tilespmem:$0x1C9C0] =	vst v63  }
0x78: {  	_ =	swait.ge [sflag:s20], $0x2000  }
0x79: {  	[sflag:s20] =	ssyncset.done $0x0  }
0x7a: {  	[sflag:s20] =	ssyncadd.s32 $0xFFFFE000  }
0x7b: {  	[bflag:$0x0] =	sbarrier.arrive $0xFFFF  }
0x7c: {  	[tilespmem:s19], [sflag:$0x3] =	stream.linear.gather [spmem:s4], $0x3E80, $0x38;
	[tilespmem:$0x1C9C0] =	vst v63  }
0x7d: {  	_ =	swait.ge [sflag:s20], $0x3E80  }
0x7e: {  	[sflag:s20] =	ssyncset.done $0x0  }
0x7f: {  	[sflag:s20] =	ssyncadd.s32 $0xFFFFC180  }
0x80: {  	[hbm4b:s11+s3] =	stream.linear.scatter [tilespmem:s19], [sflag:$0x3], $0x3E80, $0x38;
	[tilespmem:$0x1C9C0] =	vst v63  }
0x81: {  	_ =	swait.ge [sflag:s20], $0x3E80  }
0x82: {  	[sflag:s20] =	ssyncset.done $0x0  }
0x83: {  	[sflag:s20] =	ssyncadd.s32 $0xFFFFC180  }
0x84: {  	[tilespmem:s19], [sflag:$0x3] =	stream.linear.gather [spmem:s5], $0x3E80, $0x38;
	[tilespmem:$0x1C9C0] =	vst v63  }
0x85: {  	_ =	swait.ge [sflag:s20], $0x3E80  }
0x86: {  	[sflag:s20] =	ssyncset.done $0x0  }
0x87: {  	[sflag:s20] =	ssyncadd.s32 $0xFFFFC180  }
0x88: {  	[hbm4b:s12+s3] =	stream.linear.scatter [tilespmem:s19], [sflag:$0x3], $0x3E80, $0x38;
	[tilespmem:$0x1C9C0] =	vst v63  }
0x89: {  	_ =	swait.ge [sflag:s20], $0x3E80  }
0x8a: {  	[sflag:s20] =	ssyncset.done $0x0  }
0x8b: {  	[sflag:s20] =	ssyncadd.s32 $0xFFFFC180  }
0x8c: {  	[tilespmem:s19], [sflag:$0x3] =	stream.linear.gather [spmem:s6], $0x3E80, $0x38;
	[tilespmem:$0x1C9C0] =	vst v63  }
0x8d: {  	_ =	swait.ge [sflag:s20], $0x3E80  }
0x8e: {  	[sflag:s20] =	ssyncset.done $0x0  }
0x8f: {  	[sflag:s20] =	ssyncadd.s32 $0xFFFFC180  }
0x90: {  	[hbm4b:s13+s3] =	stream.linear.scatter [tilespmem:s19], [sflag:$0x3], $0x3E80, $0x38;
	[tilespmem:$0x1C9C0] =	vst v63  }
0x91: {  	_ =	swait.ge [sflag:s20], $0x3E80  }
0x92: {  	[sflag:s20] =	ssyncset.done $0x0  }
0x93: {  	[sflag:s20] =	ssyncadd.s32 $0xFFFFC180  }
0x94: {  	[tilespmem:s19], [sflag:$0x3] =	stream.linear.gather [spmem:s7], $0x3E80, $0x38;
	[tilespmem:$0x1C9C0] =	vst v63  }
0x95: {  	_ =	swait.ge [sflag:s20], $0x3E80  }
0x96: {  	[sflag:s20] =	ssyncset.done $0x0  }
0x97: {  	[sflag:s20] =	ssyncadd.s32 $0xFFFFC180  }
0x98: {  	[hbm4b:s14+s3] =	stream.linear.scatter [tilespmem:s19], [sflag:$0x3], $0x3E80, $0x38;
	[tilespmem:$0x1C9C0] =	vst v63  }
0x99: {  	_ =	swait.ge [sflag:s20], $0x3E80  }
0x9a: {  	[sflag:s20] =	ssyncset.done $0x0  }
0x9b: {  	[sflag:s20] =	ssyncadd.s32 $0xFFFFC180  }
0x9c: {  	[tilespmem:s19], [sflag:$0x3] =	stream.linear.gather [spmem:s8], $0x3E80, $0x38;
	[tilespmem:$0x1C9C0] =	vst v63  }
0x9d: {  	s28 =	sadd.s32 $0x1, s28;
	_ =	swait.ge [sflag:s20], $0x3E80  }
0x9e: {  	p0 =	sne.s32 s28, s16;
	[sflag:s20] =	ssyncset.done $0x0  }
.Ltmp2:
0x9f: {  	[sflag:s20] =	ssyncadd.s32 $0xFFFFC180;
	(pc) =	sbr.rel @p0 .LBB2_1-.Ltmp2, $4  }
0xa0: {  	[hbm4b:s15+s3] =	stream.linear.scatter [tilespmem:s19], [sflag:$0x3], $0x3E80, $0x38;
	[tilespmem:$0x1C9C0] =	vst v63  }
0xa1: {  	_ =	swait.ge [sflag:s20], $0x3E80  }
0xa2: {  	[sflag:s20] =	ssyncset.done $0x0  }
0xa3: {  	[sflag:s20] =	ssyncadd.s32 $0xFFFFC180  }
0xa4: {  	_ =	sfence.sel $0x180000  }
0xa5: {  	[bflag:$0x0] =	sbarrier.arrive $0xFFFF  }
0xa6: {  	_ =	strace $0x90000050  }
0xa7: {  	s0 =	stileid.u32;
	[bflag:$0x2] =	sbarrier.arrive $0xFFFF  }
0xa8: {  	p0 =	sne.s32 s0, $0x0;
	s0 =	rddreg [dreg:$0x2]  }
0xa9: {  	s0 =	sadd.s32 @!p0 $0x100000, s0  }
0xaa: {  	[sflag:s0] =	ssyncadd.tile.s32 @!p0 $0x1;
	_ =	shalt  }
.Lfunc_end2:
_tile_overlayer_lowered:
.L_overlay_start_2:
0xab: {  	(tag) =	ssettag $0x2  }
0xac: {  	s0 =	rddreg [dreg:$0x0];
	s2 =	stileid.u32  }
0xad: {  	s1 =	rddreg [dreg:$0x1];
	p0 =	sne.s32 s2, $0x0  }
0xae: {  	s3 =	rddreg [dreg:$0x2];
	[bflag:$0x3] =	sbarrier.arrive $0xFFFF;
	s2 =	simm.s32 @!p0 $0x1C03  }
0xaf: {  	[timem:s3], [sflag:s2] =	dma.local @!p0 [hbm:s0], s1  }
0xb0: {  	s0 =	simm.s32 @!p0 $0x3  }
0xb1: {  	_ =	swait.ge @!p0 [sflag:s0], s1  }
0xb2: {  	s1 =	ssub.s32 @!p0 $0x0, s1;
	[sflag:s0] =	ssyncset.done @!p0 $0x0  }
0xb3: {  	[sflag:s0] =	ssyncadd.s32 @!p0 s1  }
0xb4: {  	[bflag:$0x3] =	sbarrier.arrive $0xFFFF  }
0xb5: {  	_ =	shalt  }

</sc_bundles>
